<compile_context>
chip_gen: v7x
topology: tpu7x:2x2x1
jax: 0.10.2.dev20260603
libtpu: 0.0.44.dev20260713+nightly
codegen_flags: <defaults>
</compile_context>

<pallas_src>
import functools

import jax
import jax.numpy as jnp
import numpy as np
from jax import lax
from jax.experimental import pallas as pl
from jax.experimental.pallas import tpu as pltpu
from jax.experimental.pallas import tpu_sc as plsc

_PI = float(np.arccos(0.0) * 2.0)
_D225 = _PI / 8
_D675 = 3 * _PI / 8
_D1125 = 5 * _PI / 8
_D1575 = 7 * _PI / 8
_D180 = _PI

_W = 512


def _select_nmax(tv, pair_h, pair_d45, pair_v, pair_d135):
    hm = (tv < _D225) | (tv >= _D1575)
    return jnp.where(
        hm, pair_h,
        jnp.where(tv < _D675, pair_d45,
                  jnp.where(tv < _D1125, pair_v, pair_d135)))



def _tc_body(g_ref, t_ref, o_ref):
    g = g_ref[0]
    t = jnp.abs(t_ref[0])

    left = jnp.concatenate([g[:, :1], g[:, :-1]], axis=1)
    right = jnp.concatenate([g[:, 1:], g[:, -1:]], axis=1)

    def up(x):
        return jnp.concatenate([x[:1], x[:-1]], axis=0)

    def down(x):
        return jnp.concatenate([x[1:], x[-1:]], axis=0)

    pair_h = jnp.maximum(left, right)
    pair_d45 = jnp.maximum(up(right), down(left))
    pair_v = jnp.maximum(up(g), down(g))
    pair_d135 = jnp.maximum(up(left), down(right))

    nmax = _select_nmax(t, pair_h, pair_d45, pair_v, pair_d135)
    keep = (g >= nmax) & (t <= _D180)
    o_ref[0] = jnp.where(keep, g, jnp.zeros_like(g))


def _tc_nms(g3, t3):
    B = g3.shape[0]
    return pl.pallas_call(
        _tc_body,
        grid=(B,),
        in_specs=[
            pl.BlockSpec((1, _W, _W), lambda i: (i, 0, 0)),
            pl.BlockSpec((1, _W, _W), lambda i: (i, 0, 0)),
        ],
        out_specs=pl.BlockSpec((1, _W, _W), lambda i: (i, 0, 0)),
        out_shape=jax.ShapeDtypeStruct((B, _W, _W), jnp.float32),
    )(g3, t3)



_NW = 32
_CHUNK = 32


def _sc_chunk_rows(gbuf, tbuf, obuf, mask0, mask15):
    def row_body(y, carry):
        base_up = (y + 1) * _W
        base_me = (y + 2) * _W
        base_dn = (y + 3) * _W
        base_t = y * _W
        for i in range(_CHUNK):
            b = 16 * i
            P = gbuf[pl.ds(base_me + b, 16)]
            up = gbuf[pl.ds(base_up + b, 16)]
            dn = gbuf[pl.ds(base_dn + b, 16)]
            tv = jnp.abs(tbuf[pl.ds(base_t + b, 16)])
            Lup = gbuf[pl.ds(base_up + b - 1, 16)]
            Lme = gbuf[pl.ds(base_me + b - 1, 16)]
            Ldn = gbuf[pl.ds(base_dn + b - 1, 16)]
            if i == 0:
                Lup = jnp.where(mask0, up, Lup)
                Lme = jnp.where(mask0, P, Lme)
                Ldn = jnp.where(mask0, dn, Ldn)
            Rup = gbuf[pl.ds(base_up + b + 1, 16)]
            Rme = gbuf[pl.ds(base_me + b + 1, 16)]
            Rdn = gbuf[pl.ds(base_dn + b + 1, 16)]
            if i == _CHUNK - 1:
                Rup = jnp.where(mask15, up, Rup)
                Rme = jnp.where(mask15, P, Rme)
                Rdn = jnp.where(mask15, dn, Rdn)

            pair_h = jnp.maximum(Lme, Rme)
            pair_v = jnp.maximum(up, dn)
            pair_d45 = jnp.maximum(Rup, Ldn)
            pair_d135 = jnp.maximum(Lup, Rdn)

            nmax = _select_nmax(tv, pair_h, pair_d45, pair_v, pair_d135)
            keep = (P >= nmax) & (tv <= _D180)
            obuf[pl.ds(y * _W + b, 16)] = jnp.where(keep, P, jnp.zeros_like(P))
        return carry

    lax.fori_loop(0, _CHUNK, row_body, 0)


def _make_sc_nms(total_rows):
    rows_per_worker = total_rows // _NW
    n_chunks = rows_per_worker // _CHUNK
    mesh = plsc.VectorSubcoreMesh(core_axis_name="c", subcore_axis_name="s")

    @functools.partial(
        pl.kernel,
        mesh=mesh,
        out_type=jax.ShapeDtypeStruct((total_rows * _W,), jnp.float32),
        scratch_types=[
            pltpu.VMEM(((_CHUNK + 4) * _W,), jnp.float32),
            pltpu.VMEM((_CHUNK * _W,), jnp.float32),
            pltpu.VMEM((_CHUNK * _W,), jnp.float32),
        ],
    )
    def sc_kernel(g_hbm, t_hbm, o_hbm, gbuf, tbuf, obuf):
        c = lax.axis_index("c")
        s = lax.axis_index("s")
        base = (s * 2 + c) * rows_per_worker
        iota = lax.iota(jnp.int32, 16)
        mask0 = iota == 0
        mask15 = iota == 15

        for k in range(n_chunks):
            r0 = base + k * _CHUNK
            y0 = lax.rem(r0, _W)
            up_idx = r0 - (y0 > 0).astype(jnp.int32)
            dn_idx = r0 + _CHUNK - 1 + (y0 + _CHUNK < _W).astype(jnp.int32)

            pltpu.sync_copy(g_hbm.at[pl.ds(r0 * _W, _CHUNK * _W)],
                            gbuf.at[pl.ds(2 * _W, _CHUNK * _W)])
            pltpu.sync_copy(g_hbm.at[pl.ds(up_idx * _W, _W)],
                            gbuf.at[pl.ds(_W, _W)])
            pltpu.sync_copy(g_hbm.at[pl.ds(dn_idx * _W, _W)],
                            gbuf.at[pl.ds((_CHUNK + 2) * _W, _W)])
            pltpu.sync_copy(t_hbm.at[pl.ds(r0 * _W, _CHUNK * _W)], tbuf)

            _sc_chunk_rows(gbuf, tbuf, obuf, mask0, mask15)

            pltpu.sync_copy(obuf, o_hbm.at[pl.ds(r0 * _W, _CHUNK * _W)])

    return sc_kernel


def _sc_nms(g2, t2):
    total_rows = g2.shape[0]
    out = _make_sc_nms(total_rows)(g2.reshape(-1), t2.reshape(-1))
    return out.reshape(total_rows, _W)



_K_SC = 2


def kernel(g, t):
    B, _, H, W = g.shape
    g3 = g.reshape(B, H, W)
    t3 = t.reshape(B, H, W)
    sc_out = _sc_nms(g3[:_K_SC].reshape(_K_SC * H, W),
                     t3[:_K_SC].reshape(_K_SC * H, W))
    tc_out = _tc_nms(g3[_K_SC:], t3[_K_SC:])
    out = jnp.concatenate([sc_out.reshape(_K_SC, H, W), tc_out], axis=0)
    return out.reshape(B, 1, H, W)

# --- scband reference (transcript-rebuilt; emitter-appended) ---
"""Pipeline reference for scband-threshold-89223650607168 (READ-ONLY COPY).

The authoritative reference and input builder live on the scoring server;
editing this copy changes nothing except your own understanding.
"""

import jax, jax.numpy as jnp
import numpy as np

PI = float(np.arccos(0.0) * 2.0)
D225 = PI / 8
D675 = 3 * PI / 8
D1125 = 5 * PI / 8
D1575 = 7 * PI / 8
D180 = PI


def setup_inputs(seed: int = 0) -> dict:
    key = jax.random.key(seed)
    k1, k2 = jax.random.split(key)
    g = jax.random.normal(k1, (16, 1, 512, 512), dtype=jnp.float32)
    t = jax.random.normal(k2, (16, 1, 512, 512), dtype=jnp.float32)
    return {"g": g, "t": t}


def reference(g, t):
    t = jnp.abs(t)
    h_mask = ((t >= 0) & (t < D225)) | ((t >= D1575) & (t <= D180))
    d45_mask = (t >= D225) & (t < D675)
    v_mask = (t >= D675) & (t < D1125)
    d135_mask = (t >= D1125) & (t < D1575)
    padded = jnp.pad(g, ((0, 0), (0, 0), (1, 1), (1, 1)), mode='edge')
    left = padded[:, :, 1:-1, :-2]
    right = padded[:, :, 1:-1, 2:]
    top = padded[:, :, :-2, 1:-1]
    bottom = padded[:, :, 2:, 1:-1]
    top_left = padded[:, :, :-2, :-2]
    top_right = padded[:, :, :-2, 2:]
    bottom_left = padded[:, :, 2:, :-2]
    bottom_right = padded[:, :, 2:, 2:]
    g_mask = jnp.zeros_like(t)
    g_mask = jnp.where(h_mask & (g >= left) & (g >= right), g, g_mask)
    g_mask = jnp.where(v_mask & (g >= top) & (g >= bottom), g, g_mask)
    g_mask = jnp.where(d45_mask & (g >= top_right) & (g >= bottom_left), g, g_mask)
    g_mask = jnp.where(d135_mask & (g >= top_left) & (g >= bottom_right), g, g_mask)
    return g_mask

if __name__ == "__main__":
    import jax
    _d = setup_inputs()
    print(jax.jit(kernel)(*tuple(_d.values())))

</pallas_src>

<mosaic_0001>
#map = affine_map<(d0, d1) -> (0)>
module attributes {stable_mosaic.version = 14 : i64} {
  func.func @sc_kernel(%arg0: i32, %arg1: i32, %arg2: memref<524288xf32, #tpu.memory_space<hbm>>, %arg3: memref<524288xf32, #tpu.memory_space<hbm>>, %arg4: memref<524288xf32, #tpu.memory_space<hbm>>, %arg5: memref<18432xf32, #tpu.memory_space<vmem>>, %arg6: memref<16384xf32, #tpu.memory_space<vmem>>, %arg7: memref<16384xf32, #tpu.memory_space<vmem>>) attributes {dimension_semantics = [#tpu.dimension_semantics<core_parallel>, #tpu.dimension_semantics<subcore_parallel>], iteration_bounds = array<i64: 2, 16>, scalar_prefetch = 0 : i64, scratch_operands = 3 : i64, tpu.core_type = #tpu.core_type<sc_vector_subcore>, window_params = [{transform_indices = #map}, {transform_indices = #map}, {transform_indices = #map}]} {
    %mul3A = arith.constant 2 : i32
    %mul3A_0 = arith.muli %arg1, %mul3A : i32
    %add3A = arith.addi %mul3A_0, %arg0 : i32
    %mul3A_1 = arith.constant 32 : i32
    %mul3A_2 = arith.muli %add3A, %mul3A_1 : i32
    %iota3A = tpu.iota {dimensions = array<i32: 0>} : vector<16xi32>
    %eq3A = arith.constant 0 : i32
    %eq3A_3 = vector.broadcast %eq3A : i32 to vector<16xi32>
    %eq3A_4 = arith.cmpi eq, %iota3A, %eq3A_3 : vector<16xi32>
    %eq3A_5 = arith.constant 15 : i32
    %eq3A_6 = vector.broadcast %eq3A_5 : i32 to vector<16xi32>
    %eq3A_7 = arith.cmpi eq, %iota3A, %eq3A_6 : vector<16xi32>
    %add3A_8 = arith.constant 0 : i32
    %add3A_9 = arith.addi %mul3A_2, %add3A_8 : i32
    %rem3A = arith.constant 512 : i32
    %rem3A_10 = arith.remsi %add3A_9, %rem3A : i32
    %gt3A = arith.constant 0 : i32
    %gt3A_11 = arith.cmpi sgt, %rem3A_10, %gt3A : i32
    %convert_element_type3A = arith.extui %gt3A_11 : i1 to i32
    %sub3A = arith.subi %add3A_9, %convert_element_type3A : i32
    %add3A_12 = arith.constant 32 : i32
    %add3A_13 = arith.addi %add3A_9, %add3A_12 : i32
    %sub3A_14 = arith.constant 1 : i32
    %sub3A_15 = arith.subi %add3A_13, %sub3A_14 : i32
    %add3A_16 = arith.constant 32 : i32
    %add3A_17 = arith.addi %rem3A_10, %add3A_16 : i32
    %lt3A = arith.constant 512 : i32
    %lt3A_18 = arith.cmpi slt, %add3A_17, %lt3A : i32
    %convert_element_type3A_19 = arith.extui %lt3A_18 : i1 to i32
    %add3A_20 = arith.addi %sub3A_15, %convert_element_type3A_19 : i32
    %mul3A_21 = arith.constant 512 : i32
    %mul3A_22 = arith.muli %add3A_9, %mul3A_21 : i32
    "tpu.region"() ({
      %run_scoped3A = tpu.sem_alloc : memref<!tpu.dma_semaphore, #tpu.memory_space<semaphore_mem>>
      %dma_start3A = arith.constant 1024 : i32
      %dma_start3A_36 = tpu.memref_slice %arg5[%dma_start3A] : memref<18432xf32, #tpu.memory_space<vmem>> -> memref<16384xf32, #tpu.memory_space<vmem>>
      %dma_start3A_37 = tpu.memref_slice %arg2[%mul3A_22] : memref<524288xf32, #tpu.memory_space<hbm>> -> memref<16384xf32, #tpu.memory_space<hbm>>
      %dma_start3A_38 = arith.constant 1024 : i32
      %dma_start3A_39 = tpu.memref_slice %arg5[%dma_start3A_38] : memref<18432xf32, #tpu.memory_space<vmem>> -> memref<16384xf32, #tpu.memory_space<vmem>>
      %dma_start3A_40 = tpu.memref_slice %arg2[%mul3A_22] : memref<524288xf32, #tpu.memory_space<hbm>> -> memref<16384xf32, #tpu.memory_space<hbm>>
      tpu.enqueue_dma source(%dma_start3A_40 : memref<16384xf32, #tpu.memory_space<hbm>>) target(%dma_start3A_39 : memref<16384xf32, #tpu.memory_space<vmem>>) target_semaphore(%run_scoped3A : memref<!tpu.dma_semaphore, #tpu.memory_space<semaphore_mem>>)
      %dma_wait3A = arith.constant 1024 : i32
      %dma_wait3A_41 = tpu.memref_slice %arg5[%dma_wait3A] : memref<18432xf32, #tpu.memory_space<vmem>> -> memref<16384xf32, #tpu.memory_space<vmem>>
      %dma_wait3A_42 = tpu.memref_slice %arg2[%mul3A_22] : memref<524288xf32, #tpu.memory_space<hbm>> -> memref<16384xf32, #tpu.memory_space<hbm>>
      %dma_wait3A_43 = arith.constant 1024 : i32
      %dma_wait3A_44 = tpu.memref_slice %arg5[%dma_wait3A_43] : memref<18432xf32, #tpu.memory_space<vmem>> -> memref<16384xf32, #tpu.memory_space<vmem>>
      %dma_wait3A_45 = tpu.memref_slice %arg2[%mul3A_22] : memref<524288xf32, #tpu.memory_space<hbm>> -> memref<16384xf32, #tpu.memory_space<hbm>>
      tpu.wait_dma2 semaphore(%run_scoped3A : memref<!tpu.dma_semaphore, #tpu.memory_space<semaphore_mem>>) src(%dma_wait3A_45 : memref<16384xf32, #tpu.memory_space<hbm>>) dst(%dma_wait3A_44 : memref<16384xf32, #tpu.memory_space<vmem>>)
      tpu.yield
    }) : () -> ()
    %mul3A_23 = arith.constant 512 : i32
    %mul3A_24 = arith.muli %sub3A, %mul3A_23 : i32
    "tpu.region"() ({
      %run_scoped3A = tpu.sem_alloc : memref<!tpu.dma_semaphore, #tpu.memory_space<semaphore_mem>>
      %dma_start3A = arith.constant 512 : i32
      %dma_start3A_36 = tpu.memref_slice %arg5[%dma_start3A] : memref<18432xf32, #tpu.memory_space<vmem>> -> memref<512xf32, #tpu.memory_space<vmem>>
      %dma_start3A_37 = tpu.memref_slice %arg2[%mul3A_24] : memref<524288xf32, #tpu.memory_space<hbm>> -> memref<512xf32, #tpu.memory_space<hbm>>
      %dma_start3A_38 = arith.constant 512 : i32
      %dma_start3A_39 = tpu.memref_slice %arg5[%dma_start3A_38] : memref<18432xf32, #tpu.memory_space<vmem>> -> memref<512xf32, #tpu.memory_space<vmem>>
      %dma_start3A_40 = tpu.memref_slice %arg2[%mul3A_24] : memref<524288xf32, #tpu.memory_space<hbm>> -> memref<512xf32, #tpu.memory_space<hbm>>
      tpu.enqueue_dma source(%dma_start3A_40 : memref<512xf32, #tpu.memory_space<hbm>>) target(%dma_start3A_39 : memref<512xf32, #tpu.memory_space<vmem>>) target_semaphore(%run_scoped3A : memref<!tpu.dma_semaphore, #tpu.memory_space<semaphore_mem>>)
      %dma_wait3A = arith.constant 512 : i32
      %dma_wait3A_41 = tpu.memref_slice %arg5[%dma_wait3A] : memref<18432xf32, #tpu.memory_space<vmem>> -> memref<512xf32, #tpu.memory_space<vmem>>
      %dma_wait3A_42 = tpu.memref_slice %arg2[%mul3A_24] : memref<524288xf32, #tpu.memory_space<hbm>> -> memref<512xf32, #tpu.memory_space<hbm>>
      %dma_wait3A_43 = arith.constant 512 : i32
      %dma_wait3A_44 = tpu.memref_slice %arg5[%dma_wait3A_43] : memref<18432xf32, #tpu.memory_space<vmem>> -> memref<512xf32, #tpu.memory_space<vmem>>
      %dma_wait3A_45 = tpu.memref_slice %arg2[%mul3A_24] : memref<524288xf32, #tpu.memory_space<hbm>> -> memref<512xf32, #tpu.memory_space<hbm>>
      tpu.wait_dma2 semaphore(%run_scoped3A : memref<!tpu.dma_semaphore, #tpu.memory_space<semaphore_mem>>) src(%dma_wait3A_45 : memref<512xf32, #tpu.memory_space<hbm>>) dst(%dma_wait3A_44 : memref<512xf32, #tpu.memory_space<vmem>>)
      tpu.yield
    }) : () -> ()
    %mul3A_25 = arith.constant 512 : i32
    %mul3A_26 = arith.muli %add3A_20, %mul3A_25 : i32
    "tpu.region"() ({
      %run_scoped3A = tpu.sem_alloc : memref<!tpu.dma_semaphore, #tpu.memory_space<semaphore_mem>>
      %dma_start3A = arith.constant 17408 : i32
      %dma_start3A_36 = tpu.memref_slice %arg5[%dma_start3A] : memref<18432xf32, #tpu.memory_space<vmem>> -> memref<512xf32, #tpu.memory_space<vmem>>
      %dma_start3A_37 = tpu.memref_slice %arg2[%mul3A_26] : memref<524288xf32, #tpu.memory_space<hbm>> -> memref<512xf32, #tpu.memory_space<hbm>>
      %dma_start3A_38 = arith.constant 17408 : i32
      %dma_start3A_39 = tpu.memref_slice %arg5[%dma_start3A_38] : memref<18432xf32, #tpu.memory_space<vmem>> -> memref<512xf32, #tpu.memory_space<vmem>>
      %dma_start3A_40 = tpu.memref_slice %arg2[%mul3A_26] : memref<524288xf32, #tpu.memory_space<hbm>> -> memref<512xf32, #tpu.memory_space<hbm>>
      tpu.enqueue_dma source(%dma_start3A_40 : memref<512xf32, #tpu.memory_space<hbm>>) target(%dma_start3A_39 : memref<512xf32, #tpu.memory_space<vmem>>) target_semaphore(%run_scoped3A : memref<!tpu.dma_semaphore, #tpu.memory_space<semaphore_mem>>)
      %dma_wait3A = arith.constant 17408 : i32
      %dma_wait3A_41 = tpu.memref_slice %arg5[%dma_wait3A] : memref<18432xf32, #tpu.memory_space<vmem>> -> memref<512xf32, #tpu.memory_space<vmem>>
      %dma_wait3A_42 = tpu.memref_slice %arg2[%mul3A_26] : memref<524288xf32, #tpu.memory_space<hbm>> -> memref<512xf32, #tpu.memory_space<hbm>>
      %dma_wait3A_43 = arith.constant 17408 : i32
      %dma_wait3A_44 = tpu.memref_slice %arg5[%dma_wait3A_43] : memref<18432xf32, #tpu.memory_space<vmem>> -> memref<512xf32, #tpu.memory_space<vmem>>
      %dma_wait3A_45 = tpu.memref_slice %arg2[%mul3A_26] : memref<524288xf32, #tpu.memory_space<hbm>> -> memref<512xf32, #tpu.memory_space<hbm>>
      tpu.wait_dma2 semaphore(%run_scoped3A : memref<!tpu.dma_semaphore, #tpu.memory_space<semaphore_mem>>) src(%dma_wait3A_45 : memref<512xf32, #tpu.memory_space<hbm>>) dst(%dma_wait3A_44 : memref<512xf32, #tpu.memory_space<vmem>>)
      tpu.yield
    }) : () -> ()
    %mul3A_27 = arith.constant 512 : i32
    %mul3A_28 = arith.muli %add3A_9, %mul3A_27 : i32
    "tpu.region"() ({
      %run_scoped3A = tpu.sem_alloc : memref<!tpu.dma_semaphore, #tpu.memory_space<semaphore_mem>>
      %dma_start3A = tpu.memref_slice %arg3[%mul3A_28] : memref<524288xf32, #tpu.memory_space<hbm>> -> memref<16384xf32, #tpu.memory_space<hbm>>
      %dma_start3A_36 = tpu.memref_slice %arg3[%mul3A_28] : memref<524288xf32, #tpu.memory_space<hbm>> -> memref<16384xf32, #tpu.memory_space<hbm>>
      tpu.enqueue_dma source(%dma_start3A_36 : memref<16384xf32, #tpu.memory_space<hbm>>) target(%arg6 : memref<16384xf32, #tpu.memory_space<vmem>>) target_semaphore(%run_scoped3A : memref<!tpu.dma_semaphore, #tpu.memory_space<semaphore_mem>>)
      %dma_wait3A = tpu.memref_slice %arg3[%mul3A_28] : memref<524288xf32, #tpu.memory_space<hbm>> -> memref<16384xf32, #tpu.memory_space<hbm>>
      %dma_wait3A_37 = tpu.memref_slice %arg3[%mul3A_28] : memref<524288xf32, #tpu.memory_space<hbm>> -> memref<16384xf32, #tpu.memory_space<hbm>>
      tpu.wait_dma2 semaphore(%run_scoped3A : memref<!tpu.dma_semaphore, #tpu.memory_space<semaphore_mem>>) src(%dma_wait3A_37 : memref<16384xf32, #tpu.memory_space<hbm>>) dst(%arg6 : memref<16384xf32, #tpu.memory_space<vmem>>)
      tpu.yield
    }) : () -> ()
    %scan3A = arith.constant 0 : i32
    %scan3A_29 = arith.constant 0 : i32
    %scan3A_30 = arith.constant 32 : i32
    %scan3A_31 = arith.addi %scan3A_29, %scan3A_30 : i32
    %scan3A_32 = arith.constant 1 : i32
    scf.for %scan3A_36 = %scan3A_29 to %scan3A_31 step %scan3A_32  : i32 {
      %add3A_37 = arith.constant 1 : i32
      %add3A_38 = arith.addi %scan3A_36, %add3A_37 : i32
      %mul3A_39 = arith.constant 512 : i32
      %mul3A_40 = arith.muli %add3A_38, %mul3A_39 : i32
      %add3A_41 = arith.constant 2 : i32
      %add3A_42 = arith.addi %scan3A_36, %add3A_41 : i32
      %mul3A_43 = arith.constant 512 : i32
      %mul3A_44 = arith.muli %add3A_42, %mul3A_43 : i32
      %add3A_45 = arith.constant 3 : i32
      %add3A_46 = arith.addi %scan3A_36, %add3A_45 : i32
      %mul3A_47 = arith.constant 512 : i32
      %mul3A_48 = arith.muli %add3A_46, %mul3A_47 : i32
      %mul3A_49 = arith.constant 512 : i32
      %mul3A_50 = arith.muli %scan3A_36, %mul3A_49 : i32
      %add3A_51 = arith.constant 0 : i32
      %add3A_52 = arith.addi %mul3A_44, %add3A_51 : i32
      %get3A = arith.index_cast %add3A_52 : i32 to index
      %get3A_53 = tpu.vector_load %arg5[%get3A] {strides = array<i32>} : memref<18432xf32, #tpu.memory_space<vmem>>, vector<16xf32>,
      %get3A_54 = vector.shape_cast %get3A_53 : vector<16xf32> to vector<16xf32>
      %add3A_55 = arith.constant 0 : i32
      %add3A_56 = arith.addi %mul3A_40, %add3A_55 : i32
      %get3A_57 = arith.index_cast %add3A_56 : i32 to index
      %get3A_58 = tpu.vector_load %arg5[%get3A_57] {strides = array<i32>} : memref<18432xf32, #tpu.memory_space<vmem>>, vector<16xf32>,
      %get3A_59 = vector.shape_cast %get3A_58 : vector<16xf32> to vector<16xf32>
      %add3A_60 = arith.constant 0 : i32
      %add3A_61 = arith.addi %mul3A_48, %add3A_60 : i32
      %get3A_62 = arith.index_cast %add3A_61 : i32 to index
      %get3A_63 = tpu.vector_load %arg5[%get3A_62] {strides = array<i32>} : memref<18432xf32, #tpu.memory_space<vmem>>, vector<16xf32>,
      %get3A_64 = vector.shape_cast %get3A_63 : vector<16xf32> to vector<16xf32>
      %add3A_65 = arith.constant 0 : i32
      %add3A_66 = arith.addi %mul3A_50, %add3A_65 : i32
      %get3A_67 = arith.index_cast %add3A_66 : i32 to index
      %get3A_68 = tpu.vector_load %arg6[%get3A_67] {strides = array<i32>} : memref<16384xf32, #tpu.memory_space<vmem>>, vector<16xf32>,
      %get3A_69 = vector.shape_cast %get3A_68 : vector<16xf32> to vector<16xf32>
      %abs3A = math.absf %get3A_69 : vector<16xf32>
      %add3A_70 = arith.constant 0 : i32
      %add3A_71 = arith.addi %mul3A_40, %add3A_70 : i32
      %sub3A_72 = arith.constant 1 : i32
      %sub3A_73 = arith.subi %add3A_71, %sub3A_72 : i32
      %get3A_74 = arith.index_cast %sub3A_73 : i32 to index
      %get3A_75 = tpu.vector_load %arg5[%get3A_74] {strides = array<i32>} : memref<18432xf32, #tpu.memory_space<vmem>>, vector<16xf32>,
      %get3A_76 = vector.shape_cast %get3A_75 : vector<16xf32> to vector<16xf32>
      %add3A_77 = arith.constant 0 : i32
      %add3A_78 = arith.addi %mul3A_44, %add3A_77 : i32
      %sub3A_79 = arith.constant 1 : i32
      %sub3A_80 = arith.subi %add3A_78, %sub3A_79 : i32
      %get3A_81 = arith.index_cast %sub3A_80 : i32 to index
      %get3A_82 = tpu.vector_load %arg5[%get3A_81] {strides = array<i32>} : memref<18432xf32, #tpu.memory_space<vmem>>, vector<16xf32>,
      %get3A_83 = vector.shape_cast %get3A_82 : vector<16xf32> to vector<16xf32>
      %add3A_84 = arith.constant 0 : i32
      %add3A_85 = arith.addi %mul3A_48, %add3A_84 : i32
      %sub3A_86 = arith.constant 1 : i32
      %sub3A_87 = arith.subi %add3A_85, %sub3A_86 : i32
      %get3A_88 = arith.index_cast %sub3A_87 : i32 to index
      %get3A_89 = tpu.vector_load %arg5[%get3A_88] {strides = array<i32>} : memref<18432xf32, #tpu.memory_space<vmem>>, vector<16xf32>,
      %get3A_90 = vector.shape_cast %get3A_89 : vector<16xf32> to vector<16xf32>
      %select_n3A = arith.select %eq3A_4, %get3A_59, %get3A_76 : vector<16xi1>, vector<16xf32>
      %select_n3A_91 = arith.select %eq3A_4, %get3A_54, %get3A_83 : vector<16xi1>, vector<16xf32>
      %select_n3A_92 = arith.select %eq3A_4, %get3A_64, %get3A_90 : vector<16xi1>, vector<16xf32>
      %add3A_93 = arith.constant 0 : i32
      %add3A_94 = arith.addi %mul3A_40, %add3A_93 : i32
      %add3A_95 = arith.constant 1 : i32
      %add3A_96 = arith.addi %add3A_94, %add3A_95 : i32
      %get3A_97 = arith.index_cast %add3A_96 : i32 to index
      %get3A_98 = tpu.vector_load %arg5[%get3A_97] {strides = array<i32>} : memref<18432xf32, #tpu.memory_space<vmem>>, vector<16xf32>,
      %get3A_99 = vector.shape_cast %get3A_98 : vector<16xf32> to vector<16xf32>
      %add3A_100 = arith.constant 0 : i32
      %add3A_101 = arith.addi %mul3A_44, %add3A_100 : i32
      %add3A_102 = arith.constant 1 : i32
      %add3A_103 = arith.addi %add3A_101, %add3A_102 : i32
      %get3A_104 = arith.index_cast %add3A_103 : i32 to index
      %get3A_105 = tpu.vector_load %arg5[%get3A_104] {strides = array<i32>} : memref<18432xf32, #tpu.memory_space<vmem>>, vector<16xf32>,
      %get3A_106 = vector.shape_cast %get3A_105 : vector<16xf32> to vector<16xf32>
      %add3A_107 = arith.constant 0 : i32
      %add3A_108 = arith.addi %mul3A_48, %add3A_107 : i32
      %add3A_109 = arith.constant 1 : i32
      %add3A_110 = arith.addi %add3A_108, %add3A_109 : i32
      %get3A_111 = arith.index_cast %add3A_110 : i32 to index
      %get3A_112 = tpu.vector_load %arg5[%get3A_111] {strides = array<i32>} : memref<18432xf32, #tpu.memory_space<vmem>>, vector<16xf32>,
      %get3A_113 = vector.shape_cast %get3A_112 : vector<16xf32> to vector<16xf32>
      %max3A = arith.maximumf %select_n3A_91, %get3A_106 : vector<16xf32>
      %max3A_114 = arith.maximumf %get3A_59, %get3A_64 : vector<16xf32>
      %max3A_115 = arith.maximumf %get3A_99, %select_n3A_92 : vector<16xf32>
      %max3A_116 = arith.maximumf %select_n3A, %get3A_113 : vector<16xf32>
      %lt3A_117 = arith.constant 0.392699093 : f32
      %lt3A_118 = vector.broadcast %lt3A_117 : f32 to vector<16xf32>
      %lt3A_119 = arith.cmpf olt, %abs3A, %lt3A_118 : vector<16xf32>
      %ge3A = arith.constant 2.7488935 : f32
      %ge3A_120 = vector.broadcast %ge3A : f32 to vector<16xf32>
      %ge3A_121 = arith.cmpf oge, %abs3A, %ge3A_120 : vector<16xf32>
      %or3A = arith.ori %lt3A_119, %ge3A_121 : vector<16xi1>
      %lt3A_122 = arith.constant 1.17809725 : f32
      %lt3A_123 = vector.broadcast %lt3A_122 : f32 to vector<16xf32>
      %lt3A_124 = arith.cmpf olt, %abs3A, %lt3A_123 : vector<16xf32>
      %lt3A_125 = arith.constant 1.96349537 : f32
      %lt3A_126 = vector.broadcast %lt3A_125 : f32 to vector<16xf32>
      %lt3A_127 = arith.cmpf olt, %abs3A, %lt3A_126 : vector<16xf32>
      %select_n3A_128 = arith.select %lt3A_127, %max3A_114, %max3A_116 : vector<16xi1>, vector<16xf32>
      %select_n3A_129 = arith.select %lt3A_124, %max3A_115, %select_n3A_128 : vector<16xi1>, vector<16xf32>
      %select_n3A_130 = arith.select %or3A, %max3A, %select_n3A_129 : vector<16xi1>, vector<16xf32>
      %ge3A_131 = arith.cmpf oge, %get3A_54, %select_n3A_130 : vector<16xf32>
      %le3A = arith.constant 3.14159274 : f32
      %le3A_132 = vector.broadcast %le3A : f32 to vector<16xf32>
      %le3A_133 = arith.cmpf ole, %abs3A, %le3A_132 : vector<16xf32>
      %and3A = arith.andi %ge3A_131, %le3A_133 : vector<16xi1>
      %broadcast_in_dim3A = arith.constant 0.000000e+00 : f32
      %broadcast_in_dim3A_134 = vector.broadcast %broadcast_in_dim3A : f32 to vector<16xf32>
      %select_n3A_135 = arith.select %and3A, %get3A_54, %broadcast_in_dim3A_134 : vector<16xi1>, vector<16xf32>
      %mul3A_136 = arith.constant 512 : i32
      %mul3A_137 = arith.muli %scan3A_36, %mul3A_136 : i32
      %add3A_138 = arith.constant 0 : i32
      %add3A_139 = arith.addi %mul3A_137, %add3A_138 : i32
      %swap3A = arith.index_cast %add3A_139 : i32 to index
      %swap3A_140 = tpu.vector_load %arg7[%swap3A] {strides = array<i32>} : memref<16384xf32, #tpu.memory_space<vmem>>, vector<16xf32>,
      %swap3A_141 = vector.shape_cast %swap3A_140 : vector<16xf32> to vector<16xf32>
      %swap3A_142 = vector.shape_cast %select_n3A_135 : vector<16xf32> to vector<16xf32>
      tpu.vector_store %arg7[%swap3A], %swap3A_142 {strides = array<i32>} : memref<16384xf32, #tpu.memory_space<vmem>>, vector<16xf32>,
      %add3A_143 = arith.constant 16 : i32
      %add3A_144 = arith.addi %mul3A_44, %add3A_143 : i32
      %get3A_145 = arith.index_cast %add3A_144 : i32 to index
      %get3A_146 = tpu.vector_load %arg5[%get3A_145] {strides = array<i32>} : memref<18432xf32, #tpu.memory_space<vmem>>, vector<16xf32>,
      %get3A_147 = vector.shape_cast %get3A_146 : vector<16xf32> to vector<16xf32>
      %add3A_148 = arith.constant 16 : i32
      %add3A_149 = arith.addi %mul3A_40, %add3A_148 : i32
      %get3A_150 = arith.index_cast %add3A_149 : i32 to index
      %get3A_151 = tpu.vector_load %arg5[%get3A_150] {strides = array<i32>} : memref<18432xf32, #tpu.memory_space<vmem>>, vector<16xf32>,
      %get3A_152 = vector.shape_cast %get3A_151 : vector<16xf32> to vector<16xf32>
      %add3A_153 = arith.constant 16 : i32
      %add3A_154 = arith.addi %mul3A_48, %add3A_153 : i32
      %get3A_155 = arith.index_cast %add3A_154 : i32 to index
      %get3A_156 = tpu.vector_load %arg5[%get3A_155] {strides = array<i32>} : memref<18432xf32, #tpu.memory_space<vmem>>, vector<16xf32>,
      %get3A_157 = vector.shape_cast %get3A_156 : vector<16xf32> to vector<16xf32>
      %add3A_158 = arith.constant 16 : i32
      %add3A_159 = arith.addi %mul3A_50, %add3A_158 : i32
      %get3A_160 = arith.index_cast %add3A_159 : i32 to index
      %get3A_161 = tpu.vector_load %arg6[%get3A_160] {strides = array<i32>} : memref<16384xf32, #tpu.memory_space<vmem>>, vector<16xf32>,
      %get3A_162 = vector.shape_cast %get3A_161 : vector<16xf32> to vector<16xf32>
      %abs3A_163 = math.absf %get3A_162 : vector<16xf32>
      %add3A_164 = arith.constant 16 : i32
      %add3A_165 = arith.addi %mul3A_40, %add3A_164 : i32
      %sub3A_166 = arith.constant 1 : i32
      %sub3A_167 = arith.subi %add3A_165, %sub3A_166 : i32
      %get3A_168 = arith.index_cast %sub3A_167 : i32 to index
      %get3A_169 = tpu.vector_load %arg5[%get3A_168] {strides = array<i32>} : memref<18432xf32, #tpu.memory_space<vmem>>, vector<16xf32>,
      %get3A_170 = vector.shape_cast %get3A_169 : vector<16xf32> to vector<16xf32>
      %add3A_171 = arith.constant 16 : i32
      %add3A_172 = arith.addi %mul3A_44, %add3A_171 : i32
      %sub3A_173 = arith.constant 1 : i32
      %sub3A_174 = arith.subi %add3A_172, %sub3A_173 : i32
      %get3A_175 = arith.index_cast %sub3A_174 : i32 to index
      %get3A_176 = tpu.vector_load %arg5[%get3A_175] {strides = array<i32>} : memref<18432xf32, #tpu.memory_space<vmem>>, vector<16xf32>,
      %get3A_177 = vector.shape_cast %get3A_176 : vector<16xf32> to vector<16xf32>
      %add3A_178 = arith.constant 16 : i32
      %add3A_179 = arith.addi %mul3A_48, %add3A_178 : i32
      %sub3A_180 = arith.constant 1 : i32
      %sub3A_181 = arith.subi %add3A_179, %sub3A_180 : i32
      %get3A_182 = arith.index_cast %sub3A_181 : i32 to index
      %get3A_183 = tpu.vector_load %arg5[%get3A_182] {strides = array<i32>} : memref<18432xf32, #tpu.memory_space<vmem>>, vector<16xf32>,
      %get3A_184 = vector.shape_cast %get3A_183 : vector<16xf32> to vector<16xf32>
      %add3A_185 = arith.constant 16 : i32
      %add3A_186 = arith.addi %mul3A_40, %add3A_185 : i32
      %add3A_187 = arith.constant 1 : i32
      %add3A_188 = arith.addi %add3A_186, %add3A_187 : i32
      %get3A_189 = arith.index_cast %add3A_188 : i32 to index
      %get3A_190 = tpu.vector_load %arg5[%get3A_189] {strides = array<i32>} : memref<18432xf32, #tpu.memory_space<vmem>>, vector<16xf32>,
      %get3A_191 = vector.shape_cast %get3A_190 : vector<16xf32> to vector<16xf32>
      %add3A_192 = arith.constant 16 : i32
      %add3A_193 = arith.addi %mul3A_44, %add3A_192 : i32
      %add3A_194 = arith.constant 1 : i32
      %add3A_195 = arith.addi %add3A_193, %add3A_194 : i32
      %get3A_196 = arith.index_cast %add3A_195 : i32 to index
      %get3A_197 = tpu.vector_load %arg5[%get3A_196] {strides = array<i32>} : memref<18432xf32, #tpu.memory_space<vmem>>, vector<16xf32>,
      %get3A_198 = vector.shape_cast %get3A_197 : vector<16xf32> to vector<16xf32>
      %add3A_199 = arith.constant 16 : i32
      %add3A_200 = arith.addi %mul3A_48, %add3A_199 : i32
      %add3A_201 = arith.constant 1 : i32
      %add3A_202 = arith.addi %add3A_200, %add3A_201 : i32
      %get3A_203 = arith.index_cast %add3A_202 : i32 to index
      %get3A_204 = tpu.vector_load %arg5[%get3A_203] {strides = array<i32>} : memref<18432xf32, #tpu.memory_space<vmem>>, vector<16xf32>,
      %get3A_205 = vector.shape_cast %get3A_204 : vector<16xf32> to vector<16xf32>
      %max3A_206 = arith.maximumf %get3A_177, %get3A_198 : vector<16xf32>
      %max3A_207 = arith.maximumf %get3A_152, %get3A_157 : vector<16xf32>
      %max3A_208 = arith.maximumf %get3A_191, %get3A_184 : vector<16xf32>
      %max3A_209 = arith.maximumf %get3A_170, %get3A_205 : vector<16xf32>
      %lt3A_210 = arith.constant 0.392699093 : f32
      %lt3A_211 = vector.broadcast %lt3A_210 : f32 to vector<16xf32>
      %lt3A_212 = arith.cmpf olt, %abs3A_163, %lt3A_211 : vector<16xf32>
      %ge3A_213 = arith.constant 2.7488935 : f32
      %ge3A_214 = vector.broadcast %ge3A_213 : f32 to vector<16xf32>
      %ge3A_215 = arith.cmpf oge, %abs3A_163, %ge3A_214 : vector<16xf32>
      %or3A_216 = arith.ori %lt3A_212, %ge3A_215 : vector<16xi1>
      %lt3A_217 = arith.constant 1.17809725 : f32
      %lt3A_218 = vector.broadcast %lt3A_217 : f32 to vector<16xf32>
      %lt3A_219 = arith.cmpf olt, %abs3A_163, %lt3A_218 : vector<16xf32>
      %lt3A_220 = arith.constant 1.96349537 : f32
      %lt3A_221 = vector.broadcast %lt3A_220 : f32 to vector<16xf32>
      %lt3A_222 = arith.cmpf olt, %abs3A_163, %lt3A_221 : vector<16xf32>
      %select_n3A_223 = arith.select %lt3A_222, %max3A_207, %max3A_209 : vector<16xi1>, vector<16xf32>
      %select_n3A_224 = arith.select %lt3A_219, %max3A_208, %select_n3A_223 : vector<16xi1>, vector<16xf32>
      %select_n3A_225 = arith.select %or3A_216, %max3A_206, %select_n3A_224 : vector<16xi1>, vector<16xf32>
      %ge3A_226 = arith.cmpf oge, %get3A_147, %select_n3A_225 : vector<16xf32>
      %le3A_227 = arith.constant 3.14159274 : f32
      %le3A_228 = vector.broadcast %le3A_227 : f32 to vector<16xf32>
      %le3A_229 = arith.cmpf ole, %abs3A_163, %le3A_228 : vector<16xf32>
      %and3A_230 = arith.andi %ge3A_226, %le3A_229 : vector<16xi1>
      %broadcast_in_dim3A_231 = arith.constant 0.000000e+00 : f32
      %broadcast_in_dim3A_232 = vector.broadcast %broadcast_in_dim3A_231 : f32 to vector<16xf32>
      %select_n3A_233 = arith.select %and3A_230, %get3A_147, %broadcast_in_dim3A_232 : vector<16xi1>, vector<16xf32>
      %mul3A_234 = arith.constant 512 : i32
      %mul3A_235 = arith.muli %scan3A_36, %mul3A_234 : i32
      %add3A_236 = arith.constant 16 : i32
      %add3A_237 = arith.addi %mul3A_235, %add3A_236 : i32
      %swap3A_238 = arith.index_cast %add3A_237 : i32 to index
      %swap3A_239 = tpu.vector_load %arg7[%swap3A_238] {strides = array<i32>} : memref<16384xf32, #tpu.memory_space<vmem>>, vector<16xf32>,
      %swap3A_240 = vector.shape_cast %swap3A_239 : vector<16xf32> to vector<16xf32>
      %swap3A_241 = vector.shape_cast %select_n3A_233 : vector<16xf32> to vector<16xf32>
      tpu.vector_store %arg7[%swap3A_238], %swap3A_241 {strides = array<i32>} : memref<16384xf32, #tpu.memory_space<vmem>>, vector<16xf32>,
      %add3A_242 = arith.constant 32 : i32
      %add3A_243 = arith.addi %mul3A_44, %add3A_242 : i32
      %get3A_244 = arith.index_cast %add3A_243 : i32 to index
      %get3A_245 = tpu.vector_load %arg5[%get3A_244] {strides = array<i32>} : memref<18432xf32, #tpu.memory_space<vmem>>, vector<16xf32>,
      %get3A_246 = vector.shape_cast %get3A_245 : vector<16xf32> to vector<16xf32>
      %add3A_247 = arith.constant 32 : i32
      %add3A_248 = arith.addi %mul3A_40, %add3A_247 : i32
      %get3A_249 = arith.index_cast %add3A_248 : i32 to index
      %get3A_250 = tpu.vector_load %arg5[%get3A_249] {strides = array<i32>} : memref<18432xf32, #tpu.memory_space<vmem>>, vector<16xf32>,
      %get3A_251 = vector.shape_cast %get3A_250 : vector<16xf32> to vector<16xf32>
      %add3A_252 = arith.constant 32 : i32
      %add3A_253 = arith.addi %mul3A_48, %add3A_252 : i32
      %get3A_254 = arith.index_cast %add3A_253 : i32 to index
      %get3A_255 = tpu.vector_load %arg5[%get3A_254] {strides = array<i32>} : memref<18432xf32, #tpu.memory_space<vmem>>, vector<16xf32>,
      %get3A_256 = vector.shape_cast %get3A_255 : vector<16xf32> to vector<16xf32>
      %add3A_257 = arith.constant 32 : i32
      %add3A_258 = arith.addi %mul3A_50, %add3A_257 : i32
      %get3A_259 = arith.index_cast %add3A_258 : i32 to index
      %get3A_260 = tpu.vector_load %arg6[%get3A_259] {strides = array<i32>} : memref<16384xf32, #tpu.memory_space<vmem>>, vector<16xf32>,
      %get3A_261 = vector.shape_cast %get3A_260 : vector<16xf32> to vector<16xf32>
      %abs3A_262 = math.absf %get3A_261 : vector<16xf32>
      %add3A_263 = arith.constant 32 : i32
      %add3A_264 = arith.addi %mul3A_40, %add3A_263 : i32
      %sub3A_265 = arith.constant 1 : i32
      %sub3A_266 = arith.subi %add3A_264, %sub3A_265 : i32
      %get3A_267 = arith.index_cast %sub3A_266 : i32 to index
      %get3A_268 = tpu.vector_load %arg5[%get3A_267] {strides = array<i32>} : memref<18432xf32, #tpu.memory_space<vmem>>, vector<16xf32>,
      %get3A_269 = vector.shape_cast %get3A_268 : vector<16xf32> to vector<16xf32>
      %add3A_270 = arith.constant 32 : i32
      %add3A_271 = arith.addi %mul3A_44, %add3A_270 : i32
      %sub3A_272 = arith.constant 1 : i32
      %sub3A_273 = arith.subi %add3A_271, %sub3A_272 : i32
      %get3A_274 = arith.index_cast %sub3A_273 : i32 to index
      %get3A_275 = tpu.vector_load %arg5[%get3A_274] {strides = array<i32>} : memref<18432xf32, #tpu.memory_space<vmem>>, vector<16xf32>,
      %get3A_276 = vector.shape_cast %get3A_275 : vector<16xf32> to vector<16xf32>
      %add3A_277 = arith.constant 32 : i32
      %add3A_278 = arith.addi %mul3A_48, %add3A_277 : i32
      %sub3A_279 = arith.constant 1 : i32
      %sub3A_280 = arith.subi %add3A_278, %sub3A_279 : i32
      %get3A_281 = arith.index_cast %sub3A_280 : i32 to index
      %get3A_282 = tpu.vector_load %arg5[%get3A_281] {strides = array<i32>} : memref<18432xf32, #tpu.memory_space<vmem>>, vector<16xf32>,
      %get3A_283 = vector.shape_cast %get3A_282 : vector<16xf32> to vector<16xf32>
      %add3A_284 = arith.constant 32 : i32
      %add3A_285 = arith.addi %mul3A_40, %add3A_284 : i32
      %add3A_286 = arith.constant 1 : i32
      %add3A_287 = arith.addi %add3A_285, %add3A_286 : i32
      %get3A_288 = arith.index_cast %add3A_287 : i32 to index
      %get3A_289 = tpu.vector_load %arg5[%get3A_288] {strides = array<i32>} : memref<18432xf32, #tpu.memory_space<vmem>>, vector<16xf32>,
      %get3A_290 = vector.shape_cast %get3A_289 : vector<16xf32> to vector<16xf32>
      %add3A_291 = arith.constant 32 : i32
      %add3A_292 = arith.addi %mul3A_44, %add3A_291 : i32
      %add3A_293 = arith.constant 1 : i32
      %add3A_294 = arith.addi %add3A_292, %add3A_293 : i32
      %get3A_295 = arith.index_cast %add3A_294 : i32 to index
      %get3A_296 = tpu.vector_load %arg5[%get3A_295] {strides = array<i32>} : memref<18432xf32, #tpu.memory_space<vmem>>, vector<16xf32>,
      %get3A_297 = vector.shape_cast %get3A_296 : vector<16xf32> to vector<16xf32>
      %add3A_298 = arith.constant 32 : i32
      %add3A_299 = arith.addi %mul3A_48, %add3A_298 : i32
      %add3A_300 = arith.constant 1 : i32
      %add3A_301 = arith.addi %add3A_299, %add3A_300 : i32
      %get3A_302 = arith.index_cast %add3A_301 : i32 to index
      %get3A_303 = tpu.vector_load %arg5[%get3A_302] {strides = array<i32>} : memref<18432xf32, #tpu.memory_space<vmem>>, vector<16xf32>,
      %get3A_304 = vector.shape_cast %get3A_303 : vector<16xf32> to vector<16xf32>
      %max3A_305 = arith.maximumf %get3A_276, %get3A_297 : vector<16xf32>
      %max3A_306 = arith.maximumf %get3A_251, %get3A_256 : vector<16xf32>
      %max3A_307 = arith.maximumf %get3A_290, %get3A_283 : vector<16xf32>
      %max3A_308 = arith.maximumf %get3A_269, %get3A_304 : vector<16xf32>
      %lt3A_309 = arith.constant 0.392699093 : f32
      %lt3A_310 = vector.broadcast %lt3A_309 : f32 to vector<16xf32>
      %lt3A_311 = arith.cmpf olt, %abs3A_262, %lt3A_310 : vector<16xf32>
      %ge3A_312 = arith.constant 2.7488935 : f32
      %ge3A_313 = vector.broadcast %ge3A_312 : f32 to vector<16xf32>
      %ge3A_314 = arith.cmpf oge, %abs3A_262, %ge3A_313 : vector<16xf32>
      %or3A_315 = arith.ori %lt3A_311, %ge3A_314 : vector<16xi1>
      %lt3A_316 = arith.constant 1.17809725 : f32
      %lt3A_317 = vector.broadcast %lt3A_316 : f32 to vector<16xf32>
      %lt3A_318 = arith.cmpf olt, %abs3A_262, %lt3A_317 : vector<16xf32>
      %lt3A_319 = arith.constant 1.96349537 : f32
      %lt3A_320 = vector.broadcast %lt3A_319 : f32 to vector<16xf32>
      %lt3A_321 = arith.cmpf olt, %abs3A_262, %lt3A_320 : vector<16xf32>
      %select_n3A_322 = arith.select %lt3A_321, %max3A_306, %max3A_308 : vector<16xi1>, vector<16xf32>
      %select_n3A_323 = arith.select %lt3A_318, %max3A_307, %select_n3A_322 : vector<16xi1>, vector<16xf32>
      %select_n3A_324 = arith.select %or3A_315, %max3A_305, %select_n3A_323 : vector<16xi1>, vector<16xf32>
      %ge3A_325 = arith.cmpf oge, %get3A_246, %select_n3A_324 : vector<16xf32>
      %le3A_326 = arith.constant 3.14159274 : f32
      %le3A_327 = vector.broadcast %le3A_326 : f32 to vector<16xf32>
      %le3A_328 = arith.cmpf ole, %abs3A_262, %le3A_327 : vector<16xf32>
      %and3A_329 = arith.andi %ge3A_325, %le3A_328 : vector<16xi1>
      %broadcast_in_dim3A_330 = arith.constant 0.000000e+00 : f32
      %broadcast_in_dim3A_331 = vector.broadcast %broadcast_in_dim3A_330 : f32 to vector<16xf32>
      %select_n3A_332 = arith.select %and3A_329, %get3A_246, %broadcast_in_dim3A_331 : vector<16xi1>, vector<16xf32>
      %mul3A_333 = arith.constant 512 : i32
      %mul3A_334 = arith.muli %scan3A_36, %mul3A_333 : i32
      %add3A_335 = arith.constant 32 : i32
      %add3A_336 = arith.addi %mul3A_334, %add3A_335 : i32
      %swap3A_337 = arith.index_cast %add3A_336 : i32 to index
      %swap3A_338 = tpu.vector_load %arg7[%swap3A_337] {strides = array<i32>} : memref<16384xf32, #tpu.memory_space<vmem>>, vector<16xf32>,
      %swap3A_339 = vector.shape_cast %swap3A_338 : vector<16xf32> to vector<16xf32>
      %swap3A_340 = vector.shape_cast %select_n3A_332 : vector<16xf32> to vector<16xf32>
      tpu.vector_store %arg7[%swap3A_337], %swap3A_340 {strides = array<i32>} : memref<16384xf32, #tpu.memory_space<vmem>>, vector<16xf32>,
      %add3A_341 = arith.constant 48 : i32
      %add3A_342 = arith.addi %mul3A_44, %add3A_341 : i32
      %get3A_343 = arith.index_cast %add3A_342 : i32 to index
      %get3A_344 = tpu.vector_load %arg5[%get3A_343] {strides = array<i32>} : memref<18432xf32, #tpu.memory_space<vmem>>, vector<16xf32>,
      %get3A_345 = vector.shape_cast %get3A_344 : vector<16xf32> to vector<16xf32>
      %add3A_346 = arith.constant 48 : i32
      %add3A_347 = arith.addi %mul3A_40, %add3A_346 : i32
      %get3A_348 = arith.index_cast %add3A_347 : i32 to index
      %get3A_349 = tpu.vector_load %arg5[%get3A_348] {strides = array<i32>} : memref<18432xf32, #tpu.memory_space<vmem>>, vector<16xf32>,
      %get3A_350 = vector.shape_cast %get3A_349 : vector<16xf32> to vector<16xf32>
      %add3A_351 = arith.constant 48 : i32
      %add3A_352 = arith.addi %mul3A_48, %add3A_351 : i32
      %get3A_353 = arith.index_cast %add3A_352 : i32 to index
      %get3A_354 = tpu.vector_load %arg5[%get3A_353] {strides = array<i32>} : memref<18432xf32, #tpu.memory_space<vmem>>, vector<16xf32>,
      %get3A_355 = vector.shape_cast %get3A_354 : vector<16xf32> to vector<16xf32>
      %add3A_356 = arith.constant 48 : i32
      %add3A_357 = arith.addi %mul3A_50, %add3A_356 : i32
      %get3A_358 = arith.index_cast %add3A_357 : i32 to index
      %get3A_359 = tpu.vector_load %arg6[%get3A_358] {strides = array<i32>} : memref<16384xf32, #tpu.memory_space<vmem>>, vector<16xf32>,
      %get3A_360 = vector.shape_cast %get3A_359 : vector<16xf32> to vector<16xf32>
      %abs3A_361 = math.absf %get3A_360 : vector<16xf32>
      %add3A_362 = arith.constant 48 : i32
      %add3A_363 = arith.addi %mul3A_40, %add3A_362 : i32
      %sub3A_364 = arith.constant 1 : i32
      %sub3A_365 = arith.subi %add3A_363, %sub3A_364 : i32
      %get3A_366 = arith.index_cast %sub3A_365 : i32 to index
      %get3A_367 = tpu.vector_load %arg5[%get3A_366] {strides = array<i32>} : memref<18432xf32, #tpu.memory_space<vmem>>, vector<16xf32>,
      %get3A_368 = vector.shape_cast %get3A_367 : vector<16xf32> to vector<16xf32>
      %add3A_369 = arith.constant 48 : i32
      %add3A_370 = arith.addi %mul3A_44, %add3A_369 : i32
      %sub3A_371 = arith.constant 1 : i32
      %sub3A_372 = arith.subi %add3A_370, %sub3A_371 : i32
      %get3A_373 = arith.index_cast %sub3A_372 : i32 to index
      %get3A_374 = tpu.vector_load %arg5[%get3A_373] {strides = array<i32>} : memref<18432xf32, #tpu.memory_space<vmem>>, vector<16xf32>,
      %get3A_375 = vector.shape_cast %get3A_374 : vector<16xf32> to vector<16xf32>
      %add3A_376 = arith.constant 48 : i32
      %add3A_377 = arith.addi %mul3A_48, %add3A_376 : i32
      %sub3A_378 = arith.constant 1 : i32
      %sub3A_379 = arith.subi %add3A_377, %sub3A_378 : i32
      %get3A_380 = arith.index_cast %sub3A_379 : i32 to index
      %get3A_381 = tpu.vector_load %arg5[%get3A_380] {strides = array<i32>} : memref<18432xf32, #tpu.memory_space<vmem>>, vector<16xf32>,
      %get3A_382 = vector.shape_cast %get3A_381 : vector<16xf32> to vector<16xf32>
      %add3A_383 = arith.constant 48 : i32
      %add3A_384 = arith.addi %mul3A_40, %add3A_383 : i32
      %add3A_385 = arith.constant 1 : i32
      %add3A_386 = arith.addi %add3A_384, %add3A_385 : i32
      %get3A_387 = arith.index_cast %add3A_386 : i32 to index
      %get3A_388 = tpu.vector_load %arg5[%get3A_387] {strides = array<i32>} : memref<18432xf32, #tpu.memory_space<vmem>>, vector<16xf32>,
      %get3A_389 = vector.shape_cast %get3A_388 : vector<16xf32> to vector<16xf32>
      %add3A_390 = arith.constant 48 : i32
      %add3A_391 = arith.addi %mul3A_44, %add3A_390 : i32
      %add3A_392 = arith.constant 1 : i32
      %add3A_393 = arith.addi %add3A_391, %add3A_392 : i32
      %get3A_394 = arith.index_cast %add3A_393 : i32 to index
      %get3A_395 = tpu.vector_load %arg5[%get3A_394] {strides = array<i32>} : memref<18432xf32, #tpu.memory_space<vmem>>, vector<16xf32>,
      %get3A_396 = vector.shape_cast %get3A_395 : vector<16xf32> to vector<16xf32>
      %add3A_397 = arith.constant 48 : i32
      %add3A_398 = arith.addi %mul3A_48, %add3A_397 : i32
      %add3A_399 = arith.constant 1 : i32
      %add3A_400 = arith.addi %add3A_398, %add3A_399 : i32
      %get3A_401 = arith.index_cast %add3A_400 : i32 to index
      %get3A_402 = tpu.vector_load %arg5[%get3A_401] {strides = array<i32>} : memref<18432xf32, #tpu.memory_space<vmem>>, vector<16xf32>,
      %get3A_403 = vector.shape_cast %get3A_402 : vector<16xf32> to vector<16xf32>
      %max3A_404 = arith.maximumf %get3A_375, %get3A_396 : vector<16xf32>
      %max3A_405 = arith.maximumf %get3A_350, %get3A_355 : vector<16xf32>
      %max3A_406 = arith.maximumf %get3A_389, %get3A_382 : vector<16xf32>
      %max3A_407 = arith.maximumf %get3A_368, %get3A_403 : vector<16xf32>
      %lt3A_408 = arith.constant 0.392699093 : f32
      %lt3A_409 = vector.broadcast %lt3A_408 : f32 to vector<16xf32>
      %lt3A_410 = arith.cmpf olt, %abs3A_361, %lt3A_409 : vector<16xf32>
      %ge3A_411 = arith.constant 2.7488935 : f32
      %ge3A_412 = vector.broadcast %ge3A_411 : f32 to vector<16xf32>
      %ge3A_413 = arith.cmpf oge, %abs3A_361, %ge3A_412 : vector<16xf32>
      %or3A_414 = arith.ori %lt3A_410, %ge3A_413 : vector<16xi1>
      %lt3A_415 = arith.constant 1.17809725 : f32
      %lt3A_416 = vector.broadcast %lt3A_415 : f32 to vector<16xf32>
      %lt3A_417 = arith.cmpf olt, %abs3A_361, %lt3A_416 : vector<16xf32>
      %lt3A_418 = arith.constant 1.96349537 : f32
      %lt3A_419 = vector.broadcast %lt3A_418 : f32 to vector<16xf32>
      %lt3A_420 = arith.cmpf olt, %abs3A_361, %lt3A_419 : vector<16xf32>
      %select_n3A_421 = arith.select %lt3A_420, %max3A_405, %max3A_407 : vector<16xi1>, vector<16xf32>
      %select_n3A_422 = arith.select %lt3A_417, %max3A_406, %select_n3A_421 : vector<16xi1>, vector<16xf32>
      %select_n3A_423 = arith.select %or3A_414, %max3A_404, %select_n3A_422 : vector<16xi1>, vector<16xf32>
      %ge3A_424 = arith.cmpf oge, %get3A_345, %select_n3A_423 : vector<16xf32>
      %le3A_425 = arith.constant 3.14159274 : f32
      %le3A_426 = vector.broadcast %le3A_425 : f32 to vector<16xf32>
      %le3A_427 = arith.cmpf ole, %abs3A_361, %le3A_426 : vector<16xf32>
      %and3A_428 = arith.andi %ge3A_424, %le3A_427 : vector<16xi1>
      %broadcast_in_dim3A_429 = arith.constant 0.000000e+00 : f32
      %broadcast_in_dim3A_430 = vector.broadcast %broadcast_in_dim3A_429 : f32 to vector<16xf32>
      %select_n3A_431 = arith.select %and3A_428, %get3A_345, %broadcast_in_dim3A_430 : vector<16xi1>, vector<16xf32>
      %mul3A_432 = arith.constant 512 : i32
      %mul3A_433 = arith.muli %scan3A_36, %mul3A_432 : i32
      %add3A_434 = arith.constant 48 : i32
      %add3A_435 = arith.addi %mul3A_433, %add3A_434 : i32
      %swap3A_436 = arith.index_cast %add3A_435 : i32 to index
      %swap3A_437 = tpu.vector_load %arg7[%swap3A_436] {strides = array<i32>} : memref<16384xf32, #tpu.memory_space<vmem>>, vector<16xf32>,
      %swap3A_438 = vector.shape_cast %swap3A_437 : vector<16xf32> to vector<16xf32>
      %swap3A_439 = vector.shape_cast %select_n3A_431 : vector<16xf32> to vector<16xf32>
      tpu.vector_store %arg7[%swap3A_436], %swap3A_439 {strides = array<i32>} : memref<16384xf32, #tpu.memory_space<vmem>>, vector<16xf32>,
      %add3A_440 = arith.constant 64 : i32
      %add3A_441 = arith.addi %mul3A_44, %add3A_440 : i32
      %get3A_442 = arith.index_cast %add3A_441 : i32 to index
      %get3A_443 = tpu.vector_load %arg5[%get3A_442] {strides = array<i32>} : memref<18432xf32, #tpu.memory_space<vmem>>, vector<16xf32>,
      %get3A_444 = vector.shape_cast %get3A_443 : vector<16xf32> to vector<16xf32>
      %add3A_445 = arith.constant 64 : i32
      %add3A_446 = arith.addi %mul3A_40, %add3A_445 : i32
      %get3A_447 = arith.index_cast %add3A_446 : i32 to index
      %get3A_448 = tpu.vector_load %arg5[%get3A_447] {strides = array<i32>} : memref<18432xf32, #tpu.memory_space<vmem>>, vector<16xf32>,
      %get3A_449 = vector.shape_cast %get3A_448 : vector<16xf32> to vector<16xf32>
      %add3A_450 = arith.constant 64 : i32
      %add3A_451 = arith.addi %mul3A_48, %add3A_450 : i32
      %get3A_452 = arith.index_cast %add3A_451 : i32 to index
      %get3A_453 = tpu.vector_load %arg5[%get3A_452] {strides = array<i32>} : memref<18432xf32, #tpu.memory_space<vmem>>, vector<16xf32>,
      %get3A_454 = vector.shape_cast %get3A_453 : vector<16xf32> to vector<16xf32>
      %add3A_455 = arith.constant 64 : i32
      %add3A_456 = arith.addi %mul3A_50, %add3A_455 : i32
      %get3A_457 = arith.index_cast %add3A_456 : i32 to index
      %get3A_458 = tpu.vector_load %arg6[%get3A_457] {strides = array<i32>} : memref<16384xf32, #tpu.memory_space<vmem>>, vector<16xf32>,
      %get3A_459 = vector.shape_cast %get3A_458 : vector<16xf32> to vector<16xf32>
      %abs3A_460 = math.absf %get3A_459 : vector<16xf32>
      %add3A_461 = arith.constant 64 : i32
      %add3A_462 = arith.addi %mul3A_40, %add3A_461 : i32
      %sub3A_463 = arith.constant 1 : i32
      %sub3A_464 = arith.subi %add3A_462, %sub3A_463 : i32
      %get3A_465 = arith.index_cast %sub3A_464 : i32 to index
      %get3A_466 = tpu.vector_load %arg5[%get3A_465] {strides = array<i32>} : memref<18432xf32, #tpu.memory_space<vmem>>, vector<16xf32>,
      %get3A_467 = vector.shape_cast %get3A_466 : vector<16xf32> to vector<16xf32>
      %add3A_468 = arith.constant 64 : i32
      %add3A_469 = arith.addi %mul3A_44, %add3A_468 : i32
      %sub3A_470 = arith.constant 1 : i32
      %sub3A_471 = arith.subi %add3A_469, %sub3A_470 : i32
      %get3A_472 = arith.index_cast %sub3A_471 : i32 to index
      %get3A_473 = tpu.vector_load %arg5[%get3A_472] {strides = array<i32>} : memref<18432xf32, #tpu.memory_space<vmem>>, vector<16xf32>,
      %get3A_474 = vector.shape_cast %get3A_473 : vector<16xf32> to vector<16xf32>
      %add3A_475 = arith.constant 64 : i32
      %add3A_476 = arith.addi %mul3A_48, %add3A_475 : i32
      %sub3A_477 = arith.constant 1 : i32
      %sub3A_478 = arith.subi %add3A_476, %sub3A_477 : i32
      %get3A_479 = arith.index_cast %sub3A_478 : i32 to index
      %get3A_480 = tpu.vector_load %arg5[%get3A_479] {strides = array<i32>} : memref<18432xf32, #tpu.memory_space<vmem>>, vector<16xf32>,
      %get3A_481 = vector.shape_cast %get3A_480 : vector<16xf32> to vector<16xf32>
      %add3A_482 = arith.constant 64 : i32
      %add3A_483 = arith.addi %mul3A_40, %add3A_482 : i32
      %add3A_484 = arith.constant 1 : i32
      %add3A_485 = arith.addi %add3A_483, %add3A_484 : i32
      %get3A_486 = arith.index_cast %add3A_485 : i32 to index
      %get3A_487 = tpu.vector_load %arg5[%get3A_486] {strides = array<i32>} : memref<18432xf32, #tpu.memory_space<vmem>>, vector<16xf32>,
      %get3A_488 = vector.shape_cast %get3A_487 : vector<16xf32> to vector<16xf32>
      %add3A_489 = arith.constant 64 : i32
      %add3A_490 = arith.addi %mul3A_44, %add3A_489 : i32
      %add3A_491 = arith.constant 1 : i32
      %add3A_492 = arith.addi %add3A_490, %add3A_491 : i32
      %get3A_493 = arith.index_cast %add3A_492 : i32 to index
      %get3A_494 = tpu.vector_load %arg5[%get3A_493] {strides = array<i32>} : memref<18432xf32, #tpu.memory_space<vmem>>, vector<16xf32>,
      %get3A_495 = vector.shape_cast %get3A_494 : vector<16xf32> to vector<16xf32>
      %add3A_496 = arith.constant 64 : i32
      %add3A_497 = arith.addi %mul3A_48, %add3A_496 : i32
      %add3A_498 = arith.constant 1 : i32
      %add3A_499 = arith.addi %add3A_497, %add3A_498 : i32
      %get3A_500 = arith.index_cast %add3A_499 : i32 to index
      %get3A_501 = tpu.vector_load %arg5[%get3A_500] {strides = array<i32>} : memref<18432xf32, #tpu.memory_space<vmem>>, vector<16xf32>,
      %get3A_502 = vector.shape_cast %get3A_501 : vector<16xf32> to vector<16xf32>
      %max3A_503 = arith.maximumf %get3A_474, %get3A_495 : vector<16xf32>
      %max3A_504 = arith.maximumf %get3A_449, %get3A_454 : vector<16xf32>
      %max3A_505 = arith.maximumf %get3A_488, %get3A_481 : vector<16xf32>
      %max3A_506 = arith.maximumf %get3A_467, %get3A_502 : vector<16xf32>
      %lt3A_507 = arith.constant 0.392699093 : f32
      %lt3A_508 = vector.broadcast %lt3A_507 : f32 to vector<16xf32>
      %lt3A_509 = arith.cmpf olt, %abs3A_460, %lt3A_508 : vector<16xf32>
      %ge3A_510 = arith.constant 2.7488935 : f32
      %ge3A_511 = vector.broadcast %ge3A_510 : f32 to vector<16xf32>
      %ge3A_512 = arith.cmpf oge, %abs3A_460, %ge3A_511 : vector<16xf32>
      %or3A_513 = arith.ori %lt3A_509, %ge3A_512 : vector<16xi1>
      %lt3A_514 = arith.constant 1.17809725 : f32
      %lt3A_515 = vector.broadcast %lt3A_514 : f32 to vector<16xf32>
      %lt3A_516 = arith.cmpf olt, %abs3A_460, %lt3A_515 : vector<16xf32>
      %lt3A_517 = arith.constant 1.96349537 : f32
      %lt3A_518 = vector.broadcast %lt3A_517 : f32 to vector<16xf32>
      %lt3A_519 = arith.cmpf olt, %abs3A_460, %lt3A_518 : vector<16xf32>
      %select_n3A_520 = arith.select %lt3A_519, %max3A_504, %max3A_506 : vector<16xi1>, vector<16xf32>
      %select_n3A_521 = arith.select %lt3A_516, %max3A_505, %select_n3A_520 : vector<16xi1>, vector<16xf32>
      %select_n3A_522 = arith.select %or3A_513, %max3A_503, %select_n3A_521 : vector<16xi1>, vector<16xf32>
      %ge3A_523 = arith.cmpf oge, %get3A_444, %select_n3A_522 : vector<16xf32>
      %le3A_524 = arith.constant 3.14159274 : f32
      %le3A_525 = vector.broadcast %le3A_524 : f32 to vector<16xf32>
      %le3A_526 = arith.cmpf ole, %abs3A_460, %le3A_525 : vector<16xf32>
      %and3A_527 = arith.andi %ge3A_523, %le3A_526 : vector<16xi1>
      %broadcast_in_dim3A_528 = arith.constant 0.000000e+00 : f32
      %broadcast_in_dim3A_529 = vector.broadcast %broadcast_in_dim3A_528 : f32 to vector<16xf32>
      %select_n3A_530 = arith.select %and3A_527, %get3A_444, %broadcast_in_dim3A_529 : vector<16xi1>, vector<16xf32>
      %mul3A_531 = arith.constant 512 : i32
      %mul3A_532 = arith.muli %scan3A_36, %mul3A_531 : i32
      %add3A_533 = arith.constant 64 : i32
      %add3A_534 = arith.addi %mul3A_532, %add3A_533 : i32
      %swap3A_535 = arith.index_cast %add3A_534 : i32 to index
      %swap3A_536 = tpu.vector_load %arg7[%swap3A_535] {strides = array<i32>} : memref<16384xf32, #tpu.memory_space<vmem>>, vector<16xf32>,
      %swap3A_537 = vector.shape_cast %swap3A_536 : vector<16xf32> to vector<16xf32>
      %swap3A_538 = vector.shape_cast %select_n3A_530 : vector<16xf32> to vector<16xf32>
      tpu.vector_store %arg7[%swap3A_535], %swap3A_538 {strides = array<i32>} : memref<16384xf32, #tpu.memory_space<vmem>>, vector<16xf32>,
      %add3A_539 = arith.constant 80 : i32
      %add3A_540 = arith.addi %mul3A_44, %add3A_539 : i32
      %get3A_541 = arith.index_cast %add3A_540 : i32 to index
      %get3A_542 = tpu.vector_load %arg5[%get3A_541] {strides = array<i32>} : memref<18432xf32, #tpu.memory_space<vmem>>, vector<16xf32>,
      %get3A_543 = vector.shape_cast %get3A_542 : vector<16xf32> to vector<16xf32>
      %add3A_544 = arith.constant 80 : i32
      %add3A_545 = arith.addi %mul3A_40, %add3A_544 : i32
      %get3A_546 = arith.index_cast %add3A_545 : i32 to index
      %get3A_547 = tpu.vector_load %arg5[%get3A_546] {strides = array<i32>} : memref<18432xf32, #tpu.memory_space<vmem>>, vector<16xf32>,
      %get3A_548 = vector.shape_cast %get3A_547 : vector<16xf32> to vector<16xf32>
      %add3A_549 = arith.constant 80 : i32
      %add3A_550 = arith.addi %mul3A_48, %add3A_549 : i32
      %get3A_551 = arith.index_cast %add3A_550 : i32 to index
      %get3A_552 = tpu.vector_load %arg5[%get3A_551] {strides = array<i32>} : memref<18432xf32, #tpu.memory_space<vmem>>, vector<16xf32>,
      %get3A_553 = vector.shape_cast %get3A_552 : vector<16xf32> to vector<16xf32>
      %add3A_554 = arith.constant 80 : i32
      %add3A_555 = arith.addi %mul3A_50, %add3A_554 : i32
      %get3A_556 = arith.index_cast %add3A_555 : i32 to index
      %get3A_557 = tpu.vector_load %arg6[%get3A_556] {strides = array<i32>} : memref<16384xf32, #tpu.memory_space<vmem>>, vector<16xf32>,
      %get3A_558 = vector.shape_cast %get3A_557 : vector<16xf32> to vector<16xf32>
      %abs3A_559 = math.absf %get3A_558 : vector<16xf32>
      %add3A_560 = arith.constant 80 : i32
      %add3A_561 = arith.addi %mul3A_40, %add3A_560 : i32
      %sub3A_562 = arith.constant 1 : i32
      %sub3A_563 = arith.subi %add3A_561, %sub3A_562 : i32
      %get3A_564 = arith.index_cast %sub3A_563 : i32 to index
      %get3A_565 = tpu.vector_load %arg5[%get3A_564] {strides = array<i32>} : memref<18432xf32, #tpu.memory_space<vmem>>, vector<16xf32>,
      %get3A_566 = vector.shape_cast %get3A_565 : vector<16xf32> to vector<16xf32>
      %add3A_567 = arith.constant 80 : i32
      %add3A_568 = arith.addi %mul3A_44, %add3A_567 : i32
      %sub3A_569 = arith.constant 1 : i32
      %sub3A_570 = arith.subi %add3A_568, %sub3A_569 : i32
      %get3A_571 = arith.index_cast %sub3A_570 : i32 to index
      %get3A_572 = tpu.vector_load %arg5[%get3A_571] {strides = array<i32>} : memref<18432xf32, #tpu.memory_space<vmem>>, vector<16xf32>,
      %get3A_573 = vector.shape_cast %get3A_572 : vector<16xf32> to vector<16xf32>
      %add3A_574 = arith.constant 80 : i32
      %add3A_575 = arith.addi %mul3A_48, %add3A_574 : i32
      %sub3A_576 = arith.constant 1 : i32
      %sub3A_577 = arith.subi %add3A_575, %sub3A_576 : i32
      %get3A_578 = arith.index_cast %sub3A_577 : i32 to index
      %get3A_579 = tpu.vector_load %arg5[%get3A_578] {strides = array<i32>} : memref<18432xf32, #tpu.memory_space<vmem>>, vector<16xf32>,
      %get3A_580 = vector.shape_cast %get3A_579 : vector<16xf32> to vector<16xf32>
      %add3A_581 = arith.constant 80 : i32
      %add3A_582 = arith.addi %mul3A_40, %add3A_581 : i32
      %add3A_583 = arith.constant 1 : i32
      %add3A_584 = arith.addi %add3A_582, %add3A_583 : i32
      %get3A_585 = arith.index_cast %add3A_584 : i32 to index
      %get3A_586 = tpu.vector_load %arg5[%get3A_585] {strides = array<i32>} : memref<18432xf32, #tpu.memory_space<vmem>>, vector<16xf32>,
      %get3A_587 = vector.shape_cast %get3A_586 : vector<16xf32> to vector<16xf32>
      %add3A_588 = arith.constant 80 : i32
      %add3A_589 = arith.addi %mul3A_44, %add3A_588 : i32
      %add3A_590 = arith.constant 1 : i32
      %add3A_591 = arith.addi %add3A_589, %add3A_590 : i32
      %get3A_592 = arith.index_cast %add3A_591 : i32 to index
      %get3A_593 = tpu.vector_load %arg5[%get3A_592] {strides = array<i32>} : memref<18432xf32, #tpu.memory_space<vmem>>, vector<16xf32>,
      %get3A_594 = vector.shape_cast %get3A_593 : vector<16xf32> to vector<16xf32>
      %add3A_595 = arith.constant 80 : i32
      %add3A_596 = arith.addi %mul3A_48, %add3A_595 : i32
      %add3A_597 = arith.constant 1 : i32
      %add3A_598 = arith.addi %add3A_596, %add3A_597 : i32
      %get3A_599 = arith.index_cast %add3A_598 : i32 to index
      %get3A_600 = tpu.vector_load %arg5[%get3A_599] {strides = array<i32>} : memref<18432xf32, #tpu.memory_space<vmem>>, vector<16xf32>,
      %get3A_601 = vector.shape_cast %get3A_600 : vector<16xf32> to vector<16xf32>
      %max3A_602 = arith.maximumf %get3A_573, %get3A_594 : vector<16xf32>
      %max3A_603 = arith.maximumf %get3A_548, %get3A_553 : vector<16xf32>
      %max3A_604 = arith.maximumf %get3A_587, %get3A_580 : vector<16xf32>
      %max3A_605 = arith.maximumf %get3A_566, %get3A_601 : vector<16xf32>
      %lt3A_606 = arith.constant 0.392699093 : f32
      %lt3A_607 = vector.broadcast %lt3A_606 : f32 to vector<16xf32>
      %lt3A_608 = arith.cmpf olt, %abs3A_559, %lt3A_607 : vector<16xf32>
      %ge3A_609 = arith.constant 2.7488935 : f32
      %ge3A_610 = vector.broadcast %ge3A_609 : f32 to vector<16xf32>
      %ge3A_611 = arith.cmpf oge, %abs3A_559, %ge3A_610 : vector<16xf32>
      %or3A_612 = arith.ori %lt3A_608, %ge3A_611 : vector<16xi1>
      %lt3A_613 = arith.constant 1.17809725 : f32
      %lt3A_614 = vector.broadcast %lt3A_613 : f32 to vector<16xf32>
      %lt3A_615 = arith.cmpf olt, %abs3A_559, %lt3A_614 : vector<16xf32>
      %lt3A_616 = arith.constant 1.96349537 : f32
      %lt3A_617 = vector.broadcast %lt3A_616 : f32 to vector<16xf32>
      %lt3A_618 = arith.cmpf olt, %abs3A_559, %lt3A_617 : vector<16xf32>
      %select_n3A_619 = arith.select %lt3A_618, %max3A_603, %max3A_605 : vector<16xi1>, vector<16xf32>
      %select_n3A_620 = arith.select %lt3A_615, %max3A_604, %select_n3A_619 : vector<16xi1>, vector<16xf32>
      %select_n3A_621 = arith.select %or3A_612, %max3A_602, %select_n3A_620 : vector<16xi1>, vector<16xf32>
      %ge3A_622 = arith.cmpf oge, %get3A_543, %select_n3A_621 : vector<16xf32>
      %le3A_623 = arith.constant 3.14159274 : f32
      %le3A_624 = vector.broadcast %le3A_623 : f32 to vector<16xf32>
      %le3A_625 = arith.cmpf ole, %abs3A_559, %le3A_624 : vector<16xf32>
      %and3A_626 = arith.andi %ge3A_622, %le3A_625 : vector<16xi1>
      %broadcast_in_dim3A_627 = arith.constant 0.000000e+00 : f32
      %broadcast_in_dim3A_628 = vector.broadcast %broadcast_in_dim3A_627 : f32 to vector<16xf32>
      %select_n3A_629 = arith.select %and3A_626, %get3A_543, %broadcast_in_dim3A_628 : vector<16xi1>, vector<16xf32>
      %mul3A_630 = arith.constant 512 : i32
      %mul3A_631 = arith.muli %scan3A_36, %mul3A_630 : i32
      %add3A_632 = arith.constant 80 : i32
      %add3A_633 = arith.addi %mul3A_631, %add3A_632 : i32
      %swap3A_634 = arith.index_cast %add3A_633 : i32 to index
      %swap3A_635 = tpu.vector_load %arg7[%swap3A_634] {strides = array<i32>} : memref<16384xf32, #tpu.memory_space<vmem>>, vector<16xf32>,
      %swap3A_636 = vector.shape_cast %swap3A_635 : vector<16xf32> to vector<16xf32>
      %swap3A_637 = vector.shape_cast %select_n3A_629 : vector<16xf32> to vector<16xf32>
      tpu.vector_store %arg7[%swap3A_634], %swap3A_637 {strides = array<i32>} : memref<16384xf32, #tpu.memory_space<vmem>>, vector<16xf32>,
      %add3A_638 = arith.constant 96 : i32
      %add3A_639 = arith.addi %mul3A_44, %add3A_638 : i32
      %get3A_640 = arith.index_cast %add3A_639 : i32 to index
      %get3A_641 = tpu.vector_load %arg5[%get3A_640] {strides = array<i32>} : memref<18432xf32, #tpu.memory_space<vmem>>, vector<16xf32>,
      %get3A_642 = vector.shape_cast %get3A_641 : vector<16xf32> to vector<16xf32>
      %add3A_643 = arith.constant 96 : i32
      %add3A_644 = arith.addi %mul3A_40, %add3A_643 : i32
      %get3A_645 = arith.index_cast %add3A_644 : i32 to index
      %get3A_646 = tpu.vector_load %arg5[%get3A_645] {strides = array<i32>} : memref<18432xf32, #tpu.memory_space<vmem>>, vector<16xf32>,
      %get3A_647 = vector.shape_cast %get3A_646 : vector<16xf32> to vector<16xf32>
      %add3A_648 = arith.constant 96 : i32
      %add3A_649 = arith.addi %mul3A_48, %add3A_648 : i32
      %get3A_650 = arith.index_cast %add3A_649 : i32 to index
      %get3A_651 = tpu.vector_load %arg5[%get3A_650] {strides = array<i32>} : memref<18432xf32, #tpu.memory_space<vmem>>, vector<16xf32>,
      %get3A_652 = vector.shape_cast %get3A_651 : vector<16xf32> to vector<16xf32>
      %add3A_653 = arith.constant 96 : i32
      %add3A_654 = arith.addi %mul3A_50, %add3A_653 : i32
      %get3A_655 = arith.index_cast %add3A_654 : i32 to index
      %get3A_656 = tpu.vector_load %arg6[%get3A_655] {strides = array<i32>} : memref<16384xf32, #tpu.memory_space<vmem>>, vector<16xf32>,
      %get3A_657 = vector.shape_cast %get3A_656 : vector<16xf32> to vector<16xf32>
      %abs3A_658 = math.absf %get3A_657 : vector<16xf32>
      %add3A_659 = arith.constant 96 : i32
      %add3A_660 = arith.addi %mul3A_40, %add3A_659 : i32
      %sub3A_661 = arith.constant 1 : i32
      %sub3A_662 = arith.subi %add3A_660, %sub3A_661 : i32
      %get3A_663 = arith.index_cast %sub3A_662 : i32 to index
      %get3A_664 = tpu.vector_load %arg5[%get3A_663] {strides = array<i32>} : memref<18432xf32, #tpu.memory_space<vmem>>, vector<16xf32>,
      %get3A_665 = vector.shape_cast %get3A_664 : vector<16xf32> to vector<16xf32>
      %add3A_666 = arith.constant 96 : i32
      %add3A_667 = arith.addi %mul3A_44, %add3A_666 : i32
      %sub3A_668 = arith.constant 1 : i32
      %sub3A_669 = arith.subi %add3A_667, %sub3A_668 : i32
      %get3A_670 = arith.index_cast %sub3A_669 : i32 to index
      %get3A_671 = tpu.vector_load %arg5[%get3A_670] {strides = array<i32>} : memref<18432xf32, #tpu.memory_space<vmem>>, vector<16xf32>,
      %get3A_672 = vector.shape_cast %get3A_671 : vector<16xf32> to vector<16xf32>
      %add3A_673 = arith.constant 96 : i32
      %add3A_674 = arith.addi %mul3A_48, %add3A_673 : i32
      %sub3A_675 = arith.constant 1 : i32
      %sub3A_676 = arith.subi %add3A_674, %sub3A_675 : i32
      %get3A_677 = arith.index_cast %sub3A_676 : i32 to index
      %get3A_678 = tpu.vector_load %arg5[%get3A_677] {strides = array<i32>} : memref<18432xf32, #tpu.memory_space<vmem>>, vector<16xf32>,
      %get3A_679 = vector.shape_cast %get3A_678 : vector<16xf32> to vector<16xf32>
      %add3A_680 = arith.constant 96 : i32
      %add3A_681 = arith.addi %mul3A_40, %add3A_680 : i32
      %add3A_682 = arith.constant 1 : i32
      %add3A_683 = arith.addi %add3A_681, %add3A_682 : i32
      %get3A_684 = arith.index_cast %add3A_683 : i32 to index
      %get3A_685 = tpu.vector_load %arg5[%get3A_684] {strides = array<i32>} : memref<18432xf32, #tpu.memory_space<vmem>>, vector<16xf32>,
      %get3A_686 = vector.shape_cast %get3A_685 : vector<16xf32> to vector<16xf32>
      %add3A_687 = arith.constant 96 : i32
      %add3A_688 = arith.addi %mul3A_44, %add3A_687 : i32
      %add3A_689 = arith.constant 1 : i32
      %add3A_690 = arith.addi %add3A_688, %add3A_689 : i32
      %get3A_691 = arith.index_cast %add3A_690 : i32 to index
      %get3A_692 = tpu.vector_load %arg5[%get3A_691] {strides = array<i32>} : memref<18432xf32, #tpu.memory_space<vmem>>, vector<16xf32>,
      %get3A_693 = vector.shape_cast %get3A_692 : vector<16xf32> to vector<16xf32>
      %add3A_694 = arith.constant 96 : i32
      %add3A_695 = arith.addi %mul3A_48, %add3A_694 : i32
      %add3A_696 = arith.constant 1 : i32
      %add3A_697 = arith.addi %add3A_695, %add3A_696 : i32
      %get3A_698 = arith.index_cast %add3A_697 : i32 to index
      %get3A_699 = tpu.vector_load %arg5[%get3A_698] {strides = array<i32>} : memref<18432xf32, #tpu.memory_space<vmem>>, vector<16xf32>,
      %get3A_700 = vector.shape_cast %get3A_699 : vector<16xf32> to vector<16xf32>
      %max3A_701 = arith.maximumf %get3A_672, %get3A_693 : vector<16xf32>
      %max3A_702 = arith.maximumf %get3A_647, %get3A_652 : vector<16xf32>
      %max3A_703 = arith.maximumf %get3A_686, %get3A_679 : vector<16xf32>
      %max3A_704 = arith.maximumf %get3A_665, %get3A_700 : vector<16xf32>
      %lt3A_705 = arith.constant 0.392699093 : f32
      %lt3A_706 = vector.broadcast %lt3A_705 : f32 to vector<16xf32>
      %lt3A_707 = arith.cmpf olt, %abs3A_658, %lt3A_706 : vector<16xf32>
      %ge3A_708 = arith.constant 2.7488935 : f32
      %ge3A_709 = vector.broadcast %ge3A_708 : f32 to vector<16xf32>
      %ge3A_710 = arith.cmpf oge, %abs3A_658, %ge3A_709 : vector<16xf32>
      %or3A_711 = arith.ori %lt3A_707, %ge3A_710 : vector<16xi1>
      %lt3A_712 = arith.constant 1.17809725 : f32
      %lt3A_713 = vector.broadcast %lt3A_712 : f32 to vector<16xf32>
      %lt3A_714 = arith.cmpf olt, %abs3A_658, %lt3A_713 : vector<16xf32>
      %lt3A_715 = arith.constant 1.96349537 : f32
      %lt3A_716 = vector.broadcast %lt3A_715 : f32 to vector<16xf32>
      %lt3A_717 = arith.cmpf olt, %abs3A_658, %lt3A_716 : vector<16xf32>
      %select_n3A_718 = arith.select %lt3A_717, %max3A_702, %max3A_704 : vector<16xi1>, vector<16xf32>
      %select_n3A_719 = arith.select %lt3A_714, %max3A_703, %select_n3A_718 : vector<16xi1>, vector<16xf32>
      %select_n3A_720 = arith.select %or3A_711, %max3A_701, %select_n3A_719 : vector<16xi1>, vector<16xf32>
      %ge3A_721 = arith.cmpf oge, %get3A_642, %select_n3A_720 : vector<16xf32>
      %le3A_722 = arith.constant 3.14159274 : f32
      %le3A_723 = vector.broadcast %le3A_722 : f32 to vector<16xf32>
      %le3A_724 = arith.cmpf ole, %abs3A_658, %le3A_723 : vector<16xf32>
      %and3A_725 = arith.andi %ge3A_721, %le3A_724 : vector<16xi1>
      %broadcast_in_dim3A_726 = arith.constant 0.000000e+00 : f32
      %broadcast_in_dim3A_727 = vector.broadcast %broadcast_in_dim3A_726 : f32 to vector<16xf32>
      %select_n3A_728 = arith.select %and3A_725, %get3A_642, %broadcast_in_dim3A_727 : vector<16xi1>, vector<16xf32>
      %mul3A_729 = arith.constant 512 : i32
      %mul3A_730 = arith.muli %scan3A_36, %mul3A_729 : i32
      %add3A_731 = arith.constant 96 : i32
      %add3A_732 = arith.addi %mul3A_730, %add3A_731 : i32
      %swap3A_733 = arith.index_cast %add3A_732 : i32 to index
      %swap3A_734 = tpu.vector_load %arg7[%swap3A_733] {strides = array<i32>} : memref<16384xf32, #tpu.memory_space<vmem>>, vector<16xf32>,
      %swap3A_735 = vector.shape_cast %swap3A_734 : vector<16xf32> to vector<16xf32>
      %swap3A_736 = vector.shape_cast %select_n3A_728 : vector<16xf32> to vector<16xf32>
      tpu.vector_store %arg7[%swap3A_733], %swap3A_736 {strides = array<i32>} : memref<16384xf32, #tpu.memory_space<vmem>>, vector<16xf32>,
      %add3A_737 = arith.constant 112 : i32
      %add3A_738 = arith.addi %mul3A_44, %add3A_737 : i32
      %get3A_739 = arith.index_cast %add3A_738 : i32 to index
      %get3A_740 = tpu.vector_load %arg5[%get3A_739] {strides = array<i32>} : memref<18432xf32, #tpu.memory_space<vmem>>, vector<16xf32>,
      %get3A_741 = vector.shape_cast %get3A_740 : vector<16xf32> to vector<16xf32>
      %add3A_742 = arith.constant 112 : i32
      %add3A_743 = arith.addi %mul3A_40, %add3A_742 : i32
      %get3A_744 = arith.index_cast %add3A_743 : i32 to index
      %get3A_745 = tpu.vector_load %arg5[%get3A_744] {strides = array<i32>} : memref<18432xf32, #tpu.memory_space<vmem>>, vector<16xf32>,
      %get3A_746 = vector.shape_cast %get3A_745 : vector<16xf32> to vector<16xf32>
      %add3A_747 = arith.constant 112 : i32
      %add3A_748 = arith.addi %mul3A_48, %add3A_747 : i32
      %get3A_749 = arith.index_cast %add3A_748 : i32 to index
      %get3A_750 = tpu.vector_load %arg5[%get3A_749] {strides = array<i32>} : memref<18432xf32, #tpu.memory_space<vmem>>, vector<16xf32>,
      %get3A_751 = vector.shape_cast %get3A_750 : vector<16xf32> to vector<16xf32>
      %add3A_752 = arith.constant 112 : i32
      %add3A_753 = arith.addi %mul3A_50, %add3A_752 : i32
      %get3A_754 = arith.index_cast %add3A_753 : i32 to index
      %get3A_755 = tpu.vector_load %arg6[%get3A_754] {strides = array<i32>} : memref<16384xf32, #tpu.memory_space<vmem>>, vector<16xf32>,
      %get3A_756 = vector.shape_cast %get3A_755 : vector<16xf32> to vector<16xf32>
      %abs3A_757 = math.absf %get3A_756 : vector<16xf32>
      %add3A_758 = arith.constant 112 : i32
      %add3A_759 = arith.addi %mul3A_40, %add3A_758 : i32
      %sub3A_760 = arith.constant 1 : i32
      %sub3A_761 = arith.subi %add3A_759, %sub3A_760 : i32
      %get3A_762 = arith.index_cast %sub3A_761 : i32 to index
      %get3A_763 = tpu.vector_load %arg5[%get3A_762] {strides = array<i32>} : memref<18432xf32, #tpu.memory_space<vmem>>, vector<16xf32>,
      %get3A_764 = vector.shape_cast %get3A_763 : vector<16xf32> to vector<16xf32>
      %add3A_765 = arith.constant 112 : i32
      %add3A_766 = arith.addi %mul3A_44, %add3A_765 : i32
      %sub3A_767 = arith.constant 1 : i32
      %sub3A_768 = arith.subi %add3A_766, %sub3A_767 : i32
      %get3A_769 = arith.index_cast %sub3A_768 : i32 to index
      %get3A_770 = tpu.vector_load %arg5[%get3A_769] {strides = array<i32>} : memref<18432xf32, #tpu.memory_space<vmem>>, vector<16xf32>,
      %get3A_771 = vector.shape_cast %get3A_770 : vector<16xf32> to vector<16xf32>
      %add3A_772 = arith.constant 112 : i32
      %add3A_773 = arith.addi %mul3A_48, %add3A_772 : i32
      %sub3A_774 = arith.constant 1 : i32
      %sub3A_775 = arith.subi %add3A_773, %sub3A_774 : i32
      %get3A_776 = arith.index_cast %sub3A_775 : i32 to index
      %get3A_777 = tpu.vector_load %arg5[%get3A_776] {strides = array<i32>} : memref<18432xf32, #tpu.memory_space<vmem>>, vector<16xf32>,
      %get3A_778 = vector.shape_cast %get3A_777 : vector<16xf32> to vector<16xf32>
      %add3A_779 = arith.constant 112 : i32
      %add3A_780 = arith.addi %mul3A_40, %add3A_779 : i32
      %add3A_781 = arith.constant 1 : i32
      %add3A_782 = arith.addi %add3A_780, %add3A_781 : i32
      %get3A_783 = arith.index_cast %add3A_782 : i32 to index
      %get3A_784 = tpu.vector_load %arg5[%get3A_783] {strides = array<i32>} : memref<18432xf32, #tpu.memory_space<vmem>>, vector<16xf32>,
      %get3A_785 = vector.shape_cast %get3A_784 : vector<16xf32> to vector<16xf32>
      %add3A_786 = arith.constant 112 : i32
      %add3A_787 = arith.addi %mul3A_44, %add3A_786 : i32
      %add3A_788 = arith.constant 1 : i32
      %add3A_789 = arith.addi %add3A_787, %add3A_788 : i32
      %get3A_790 = arith.index_cast %add3A_789 : i32 to index
      %get3A_791 = tpu.vector_load %arg5[%get3A_790] {strides = array<i32>} : memref<18432xf32, #tpu.memory_space<vmem>>, vector<16xf32>,
      %get3A_792 = vector.shape_cast %get3A_791 : vector<16xf32> to vector<16xf32>
      %add3A_793 = arith.constant 112 : i32
      %add3A_794 = arith.addi %mul3A_48, %add3A_793 : i32
      %add3A_795 = arith.constant 1 : i32
      %add3A_796 = arith.addi %add3A_794, %add3A_795 : i32
      %get3A_797 = arith.index_cast %add3A_796 : i32 to index
      %get3A_798 = tpu.vector_load %arg5[%get3A_797] {strides = array<i32>} : memref<18432xf32, #tpu.memory_space<vmem>>, vector<16xf32>,
      %get3A_799 = vector.shape_cast %get3A_798 : vector<16xf32> to vector<16xf32>
      %max3A_800 = arith.maximumf %get3A_771, %get3A_792 : vector<16xf32>
      %max3A_801 = arith.maximumf %get3A_746, %get3A_751 : vector<16xf32>
      %max3A_802 = arith.maximumf %get3A_785, %get3A_778 : vector<16xf32>
      %max3A_803 = arith.maximumf %get3A_764, %get3A_799 : vector<16xf32>
      %lt3A_804 = arith.constant 0.392699093 : f32
      %lt3A_805 = vector.broadcast %lt3A_804 : f32 to vector<16xf32>
      %lt3A_806 = arith.cmpf olt, %abs3A_757, %lt3A_805 : vector<16xf32>
      %ge3A_807 = arith.constant 2.7488935 : f32
      %ge3A_808 = vector.broadcast %ge3A_807 : f32 to vector<16xf32>
      %ge3A_809 = arith.cmpf oge, %abs3A_757, %ge3A_808 : vector<16xf32>
      %or3A_810 = arith.ori %lt3A_806, %ge3A_809 : vector<16xi1>
      %lt3A_811 = arith.constant 1.17809725 : f32
      %lt3A_812 = vector.broadcast %lt3A_811 : f32 to vector<16xf32>
      %lt3A_813 = arith.cmpf olt, %abs3A_757, %lt3A_812 : vector<16xf32>
      %lt3A_814 = arith.constant 1.96349537 : f32
      %lt3A_815 = vector.broadcast %lt3A_814 : f32 to vector<16xf32>
      %lt3A_816 = arith.cmpf olt, %abs3A_757, %lt3A_815 : vector<16xf32>
      %select_n3A_817 = arith.select %lt3A_816, %max3A_801, %max3A_803 : vector<16xi1>, vector<16xf32>
      %select_n3A_818 = arith.select %lt3A_813, %max3A_802, %select_n3A_817 : vector<16xi1>, vector<16xf32>
      %select_n3A_819 = arith.select %or3A_810, %max3A_800, %select_n3A_818 : vector<16xi1>, vector<16xf32>
      %ge3A_820 = arith.cmpf oge, %get3A_741, %select_n3A_819 : vector<16xf32>
      %le3A_821 = arith.constant 3.14159274 : f32
      %le3A_822 = vector.broadcast %le3A_821 : f32 to vector<16xf32>
      %le3A_823 = arith.cmpf ole, %abs3A_757, %le3A_822 : vector<16xf32>
      %and3A_824 = arith.andi %ge3A_820, %le3A_823 : vector<16xi1>
      %broadcast_in_dim3A_825 = arith.constant 0.000000e+00 : f32
      %broadcast_in_dim3A_826 = vector.broadcast %broadcast_in_dim3A_825 : f32 to vector<16xf32>
      %select_n3A_827 = arith.select %and3A_824, %get3A_741, %broadcast_in_dim3A_826 : vector<16xi1>, vector<16xf32>
      %mul3A_828 = arith.constant 512 : i32
      %mul3A_829 = arith.muli %scan3A_36, %mul3A_828 : i32
      %add3A_830 = arith.constant 112 : i32
      %add3A_831 = arith.addi %mul3A_829, %add3A_830 : i32
      %swap3A_832 = arith.index_cast %add3A_831 : i32 to index
      %swap3A_833 = tpu.vector_load %arg7[%swap3A_832] {strides = array<i32>} : memref<16384xf32, #tpu.memory_space<vmem>>, vector<16xf32>,
      %swap3A_834 = vector.shape_cast %swap3A_833 : vector<16xf32> to vector<16xf32>
      %swap3A_835 = vector.shape_cast %select_n3A_827 : vector<16xf32> to vector<16xf32>
      tpu.vector_store %arg7[%swap3A_832], %swap3A_835 {strides = array<i32>} : memref<16384xf32, #tpu.memory_space<vmem>>, vector<16xf32>,
      %add3A_836 = arith.constant 128 : i32
      %add3A_837 = arith.addi %mul3A_44, %add3A_836 : i32
      %get3A_838 = arith.index_cast %add3A_837 : i32 to index
      %get3A_839 = tpu.vector_load %arg5[%get3A_838] {strides = array<i32>} : memref<18432xf32, #tpu.memory_space<vmem>>, vector<16xf32>,
      %get3A_840 = vector.shape_cast %get3A_839 : vector<16xf32> to vector<16xf32>
      %add3A_841 = arith.constant 128 : i32
      %add3A_842 = arith.addi %mul3A_40, %add3A_841 : i32
      %get3A_843 = arith.index_cast %add3A_842 : i32 to index
      %get3A_844 = tpu.vector_load %arg5[%get3A_843] {strides = array<i32>} : memref<18432xf32, #tpu.memory_space<vmem>>, vector<16xf32>,
      %get3A_845 = vector.shape_cast %get3A_844 : vector<16xf32> to vector<16xf32>
      %add3A_846 = arith.constant 128 : i32
      %add3A_847 = arith.addi %mul3A_48, %add3A_846 : i32
      %get3A_848 = arith.index_cast %add3A_847 : i32 to index
      %get3A_849 = tpu.vector_load %arg5[%get3A_848] {strides = array<i32>} : memref<18432xf32, #tpu.memory_space<vmem>>, vector<16xf32>,
      %get3A_850 = vector.shape_cast %get3A_849 : vector<16xf32> to vector<16xf32>
      %add3A_851 = arith.constant 128 : i32
      %add3A_852 = arith.addi %mul3A_50, %add3A_851 : i32
      %get3A_853 = arith.index_cast %add3A_852 : i32 to index
      %get3A_854 = tpu.vector_load %arg6[%get3A_853] {strides = array<i32>} : memref<16384xf32, #tpu.memory_space<vmem>>, vector<16xf32>,
      %get3A_855 = vector.shape_cast %get3A_854 : vector<16xf32> to vector<16xf32>
      %abs3A_856 = math.absf %get3A_855 : vector<16xf32>
      %add3A_857 = arith.constant 128 : i32
      %add3A_858 = arith.addi %mul3A_40, %add3A_857 : i32
      %sub3A_859 = arith.constant 1 : i32
      %sub3A_860 = arith.subi %add3A_858, %sub3A_859 : i32
      %get3A_861 = arith.index_cast %sub3A_860 : i32 to index
      %get3A_862 = tpu.vector_load %arg5[%get3A_861] {strides = array<i32>} : memref<18432xf32, #tpu.memory_space<vmem>>, vector<16xf32>,
      %get3A_863 = vector.shape_cast %get3A_862 : vector<16xf32> to vector<16xf32>
      %add3A_864 = arith.constant 128 : i32
      %add3A_865 = arith.addi %mul3A_44, %add3A_864 : i32
      %sub3A_866 = arith.constant 1 : i32
      %sub3A_867 = arith.subi %add3A_865, %sub3A_866 : i32
      %get3A_868 = arith.index_cast %sub3A_867 : i32 to index
      %get3A_869 = tpu.vector_load %arg5[%get3A_868] {strides = array<i32>} : memref<18432xf32, #tpu.memory_space<vmem>>, vector<16xf32>,
      %get3A_870 = vector.shape_cast %get3A_869 : vector<16xf32> to vector<16xf32>
      %add3A_871 = arith.constant 128 : i32
      %add3A_872 = arith.addi %mul3A_48, %add3A_871 : i32
      %sub3A_873 = arith.constant 1 : i32
      %sub3A_874 = arith.subi %add3A_872, %sub3A_873 : i32
      %get3A_875 = arith.index_cast %sub3A_874 : i32 to index
      %get3A_876 = tpu.vector_load %arg5[%get3A_875] {strides = array<i32>} : memref<18432xf32, #tpu.memory_space<vmem>>, vector<16xf32>,
      %get3A_877 = vector.shape_cast %get3A_876 : vector<16xf32> to vector<16xf32>
      %add3A_878 = arith.constant 128 : i32
      %add3A_879 = arith.addi %mul3A_40, %add3A_878 : i32
      %add3A_880 = arith.constant 1 : i32
      %add3A_881 = arith.addi %add3A_879, %add3A_880 : i32
      %get3A_882 = arith.index_cast %add3A_881 : i32 to index
      %get3A_883 = tpu.vector_load %arg5[%get3A_882] {strides = array<i32>} : memref<18432xf32, #tpu.memory_space<vmem>>, vector<16xf32>,
      %get3A_884 = vector.shape_cast %get3A_883 : vector<16xf32> to vector<16xf32>
      %add3A_885 = arith.constant 128 : i32
      %add3A_886 = arith.addi %mul3A_44, %add3A_885 : i32
      %add3A_887 = arith.constant 1 : i32
      %add3A_888 = arith.addi %add3A_886, %add3A_887 : i32
      %get3A_889 = arith.index_cast %add3A_888 : i32 to index
      %get3A_890 = tpu.vector_load %arg5[%get3A_889] {strides = array<i32>} : memref<18432xf32, #tpu.memory_space<vmem>>, vector<16xf32>,
      %get3A_891 = vector.shape_cast %get3A_890 : vector<16xf32> to vector<16xf32>
      %add3A_892 = arith.constant 128 : i32
      %add3A_893 = arith.addi %mul3A_48, %add3A_892 : i32
      %add3A_894 = arith.constant 1 : i32
      %add3A_895 = arith.addi %add3A_893, %add3A_894 : i32
      %get3A_896 = arith.index_cast %add3A_895 : i32 to index
      %get3A_897 = tpu.vector_load %arg5[%get3A_896] {strides = array<i32>} : memref<18432xf32, #tpu.memory_space<vmem>>, vector<16xf32>,
      %get3A_898 = vector.shape_cast %get3A_897 : vector<16xf32> to vector<16xf32>
      %max3A_899 = arith.maximumf %get3A_870, %get3A_891 : vector<16xf32>
      %max3A_900 = arith.maximumf %get3A_845, %get3A_850 : vector<16xf32>
      %max3A_901 = arith.maximumf %get3A_884, %get3A_877 : vector<16xf32>
      %max3A_902 = arith.maximumf %get3A_863, %get3A_898 : vector<16xf32>
      %lt3A_903 = arith.constant 0.392699093 : f32
      %lt3A_904 = vector.broadcast %lt3A_903 : f32 to vector<16xf32>
      %lt3A_905 = arith.cmpf olt, %abs3A_856, %lt3A_904 : vector<16xf32>
      %ge3A_906 = arith.constant 2.7488935 : f32
      %ge3A_907 = vector.broadcast %ge3A_906 : f32 to vector<16xf32>
      %ge3A_908 = arith.cmpf oge, %abs3A_856, %ge3A_907 : vector<16xf32>
      %or3A_909 = arith.ori %lt3A_905, %ge3A_908 : vector<16xi1>
      %lt3A_910 = arith.constant 1.17809725 : f32
      %lt3A_911 = vector.broadcast %lt3A_910 : f32 to vector<16xf32>
      %lt3A_912 = arith.cmpf olt, %abs3A_856, %lt3A_911 : vector<16xf32>
      %lt3A_913 = arith.constant 1.96349537 : f32
      %lt3A_914 = vector.broadcast %lt3A_913 : f32 to vector<16xf32>
      %lt3A_915 = arith.cmpf olt, %abs3A_856, %lt3A_914 : vector<16xf32>
      %select_n3A_916 = arith.select %lt3A_915, %max3A_900, %max3A_902 : vector<16xi1>, vector<16xf32>
      %select_n3A_917 = arith.select %lt3A_912, %max3A_901, %select_n3A_916 : vector<16xi1>, vector<16xf32>
      %select_n3A_918 = arith.select %or3A_909, %max3A_899, %select_n3A_917 : vector<16xi1>, vector<16xf32>
      %ge3A_919 = arith.cmpf oge, %get3A_840, %select_n3A_918 : vector<16xf32>
      %le3A_920 = arith.constant 3.14159274 : f32
      %le3A_921 = vector.broadcast %le3A_920 : f32 to vector<16xf32>
      %le3A_922 = arith.cmpf ole, %abs3A_856, %le3A_921 : vector<16xf32>
      %and3A_923 = arith.andi %ge3A_919, %le3A_922 : vector<16xi1>
      %broadcast_in_dim3A_924 = arith.constant 0.000000e+00 : f32
      %broadcast_in_dim3A_925 = vector.broadcast %broadcast_in_dim3A_924 : f32 to vector<16xf32>
      %select_n3A_926 = arith.select %and3A_923, %get3A_840, %broadcast_in_dim3A_925 : vector<16xi1>, vector<16xf32>
      %mul3A_927 = arith.constant 512 : i32
      %mul3A_928 = arith.muli %scan3A_36, %mul3A_927 : i32
      %add3A_929 = arith.constant 128 : i32
      %add3A_930 = arith.addi %mul3A_928, %add3A_929 : i32
      %swap3A_931 = arith.index_cast %add3A_930 : i32 to index
      %swap3A_932 = tpu.vector_load %arg7[%swap3A_931] {strides = array<i32>} : memref<16384xf32, #tpu.memory_space<vmem>>, vector<16xf32>,
      %swap3A_933 = vector.shape_cast %swap3A_932 : vector<16xf32> to vector<16xf32>
      %swap3A_934 = vector.shape_cast %select_n3A_926 : vector<16xf32> to vector<16xf32>
      tpu.vector_store %arg7[%swap3A_931], %swap3A_934 {strides = array<i32>} : memref<16384xf32, #tpu.memory_space<vmem>>, vector<16xf32>,
      %add3A_935 = arith.constant 144 : i32
      %add3A_936 = arith.addi %mul3A_44, %add3A_935 : i32
      %get3A_937 = arith.index_cast %add3A_936 : i32 to index
      %get3A_938 = tpu.vector_load %arg5[%get3A_937] {strides = array<i32>} : memref<18432xf32, #tpu.memory_space<vmem>>, vector<16xf32>,
      %get3A_939 = vector.shape_cast %get3A_938 : vector<16xf32> to vector<16xf32>
      %add3A_940 = arith.constant 144 : i32
      %add3A_941 = arith.addi %mul3A_40, %add3A_940 : i32
      %get3A_942 = arith.index_cast %add3A_941 : i32 to index
      %get3A_943 = tpu.vector_load %arg5[%get3A_942] {strides = array<i32>} : memref<18432xf32, #tpu.memory_space<vmem>>, vector<16xf32>,
      %get3A_944 = vector.shape_cast %get3A_943 : vector<16xf32> to vector<16xf32>
      %add3A_945 = arith.constant 144 : i32
      %add3A_946 = arith.addi %mul3A_48, %add3A_945 : i32
      %get3A_947 = arith.index_cast %add3A_946 : i32 to index
      %get3A_948 = tpu.vector_load %arg5[%get3A_947] {strides = array<i32>} : memref<18432xf32, #tpu.memory_space<vmem>>, vector<16xf32>,
      %get3A_949 = vector.shape_cast %get3A_948 : vector<16xf32> to vector<16xf32>
      %add3A_950 = arith.constant 144 : i32
      %add3A_951 = arith.addi %mul3A_50, %add3A_950 : i32
      %get3A_952 = arith.index_cast %add3A_951 : i32 to index
      %get3A_953 = tpu.vector_load %arg6[%get3A_952] {strides = array<i32>} : memref<16384xf32, #tpu.memory_space<vmem>>, vector<16xf32>,
      %get3A_954 = vector.shape_cast %get3A_953 : vector<16xf32> to vector<16xf32>
      %abs3A_955 = math.absf %get3A_954 : vector<16xf32>
      %add3A_956 = arith.constant 144 : i32
      %add3A_957 = arith.addi %mul3A_40, %add3A_956 : i32
      %sub3A_958 = arith.constant 1 : i32
      %sub3A_959 = arith.subi %add3A_957, %sub3A_958 : i32
      %get3A_960 = arith.index_cast %sub3A_959 : i32 to index
      %get3A_961 = tpu.vector_load %arg5[%get3A_960] {strides = array<i32>} : memref<18432xf32, #tpu.memory_space<vmem>>, vector<16xf32>,
      %get3A_962 = vector.shape_cast %get3A_961 : vector<16xf32> to vector<16xf32>
      %add3A_963 = arith.constant 144 : i32
      %add3A_964 = arith.addi %mul3A_44, %add3A_963 : i32
      %sub3A_965 = arith.constant 1 : i32
      %sub3A_966 = arith.subi %add3A_964, %sub3A_965 : i32
      %get3A_967 = arith.index_cast %sub3A_966 : i32 to index
      %get3A_968 = tpu.vector_load %arg5[%get3A_967] {strides = array<i32>} : memref<18432xf32, #tpu.memory_space<vmem>>, vector<16xf32>,
      %get3A_969 = vector.shape_cast %get3A_968 : vector<16xf32> to vector<16xf32>
      %add3A_970 = arith.constant 144 : i32
      %add3A_971 = arith.addi %mul3A_48, %add3A_970 : i32
      %sub3A_972 = arith.constant 1 : i32
      %sub3A_973 = arith.subi %add3A_971, %sub3A_972 : i32
      %get3A_974 = arith.index_cast %sub3A_973 : i32 to index
      %get3A_975 = tpu.vector_load %arg5[%get3A_974] {strides = array<i32>} : memref<18432xf32, #tpu.memory_space<vmem>>, vector<16xf32>,
      %get3A_976 = vector.shape_cast %get3A_975 : vector<16xf32> to vector<16xf32>
      %add3A_977 = arith.constant 144 : i32
      %add3A_978 = arith.addi %mul3A_40, %add3A_977 : i32
      %add3A_979 = arith.constant 1 : i32
      %add3A_980 = arith.addi %add3A_978, %add3A_979 : i32
      %get3A_981 = arith.index_cast %add3A_980 : i32 to index
      %get3A_982 = tpu.vector_load %arg5[%get3A_981] {strides = array<i32>} : memref<18432xf32, #tpu.memory_space<vmem>>, vector<16xf32>,
      %get3A_983 = vector.shape_cast %get3A_982 : vector<16xf32> to vector<16xf32>
      %add3A_984 = arith.constant 144 : i32
      %add3A_985 = arith.addi %mul3A_44, %add3A_984 : i32
      %add3A_986 = arith.constant 1 : i32
      %add3A_987 = arith.addi %add3A_985, %add3A_986 : i32
      %get3A_988 = arith.index_cast %add3A_987 : i32 to index
      %get3A_989 = tpu.vector_load %arg5[%get3A_988] {strides = array<i32>} : memref<18432xf32, #tpu.memory_space<vmem>>, vector<16xf32>,
      %get3A_990 = vector.shape_cast %get3A_989 : vector<16xf32> to vector<16xf32>
      %add3A_991 = arith.constant 144 : i32
      %add3A_992 = arith.addi %mul3A_48, %add3A_991 : i32
      %add3A_993 = arith.constant 1 : i32
      %add3A_994 = arith.addi %add3A_992, %add3A_993 : i32
      %get3A_995 = arith.index_cast %add3A_994 : i32 to index
      %get3A_996 = tpu.vector_load %arg5[%get3A_995] {strides = array<i32>} : memref<18432xf32, #tpu.memory_space<vmem>>, vector<16xf32>,
      %get3A_997 = vector.shape_cast %get3A_996 : vector<16xf32> to vector<16xf32>
      %max3A_998 = arith.maximumf %get3A_969, %get3A_990 : vector<16xf32>
      %max3A_999 = arith.maximumf %get3A_944, %get3A_949 : vector<16xf32>
      %max3A_1000 = arith.maximumf %get3A_983, %get3A_976 : vector<16xf32>
      %max3A_1001 = arith.maximumf %get3A_962, %get3A_997 : vector<16xf32>
      %lt3A_1002 = arith.constant 0.392699093 : f32
      %lt3A_1003 = vector.broadcast %lt3A_1002 : f32 to vector<16xf32>
      %lt3A_1004 = arith.cmpf olt, %abs3A_955, %lt3A_1003 : vector<16xf32>
      %ge3A_1005 = arith.constant 2.7488935 : f32
      %ge3A_1006 = vector.broadcast %ge3A_1005 : f32 to vector<16xf32>
      %ge3A_1007 = arith.cmpf oge, %abs3A_955, %ge3A_1006 : vector<16xf32>
      %or3A_1008 = arith.ori %lt3A_1004, %ge3A_1007 : vector<16xi1>
      %lt3A_1009 = arith.constant 1.17809725 : f32
      %lt3A_1010 = vector.broadcast %lt3A_1009 : f32 to vector<16xf32>
      %lt3A_1011 = arith.cmpf olt, %abs3A_955, %lt3A_1010 : vector<16xf32>
      %lt3A_1012 = arith.constant 1.96349537 : f32
      %lt3A_1013 = vector.broadcast %lt3A_1012 : f32 to vector<16xf32>
      %lt3A_1014 = arith.cmpf olt, %abs3A_955, %lt3A_1013 : vector<16xf32>
      %select_n3A_1015 = arith.select %lt3A_1014, %max3A_999, %max3A_1001 : vector<16xi1>, vector<16xf32>
      %select_n3A_1016 = arith.select %lt3A_1011, %max3A_1000, %select_n3A_1015 : vector<16xi1>, vector<16xf32>
      %select_n3A_1017 = arith.select %or3A_1008, %max3A_998, %select_n3A_1016 : vector<16xi1>, vector<16xf32>
      %ge3A_1018 = arith.cmpf oge, %get3A_939, %select_n3A_1017 : vector<16xf32>
      %le3A_1019 = arith.constant 3.14159274 : f32
      %le3A_1020 = vector.broadcast %le3A_1019 : f32 to vector<16xf32>
      %le3A_1021 = arith.cmpf ole, %abs3A_955, %le3A_1020 : vector<16xf32>
      %and3A_1022 = arith.andi %ge3A_1018, %le3A_1021 : vector<16xi1>
      %broadcast_in_dim3A_1023 = arith.constant 0.000000e+00 : f32
      %broadcast_in_dim3A_1024 = vector.broadcast %broadcast_in_dim3A_1023 : f32 to vector<16xf32>
      %select_n3A_1025 = arith.select %and3A_1022, %get3A_939, %broadcast_in_dim3A_1024 : vector<16xi1>, vector<16xf32>
      %mul3A_1026 = arith.constant 512 : i32
      %mul3A_1027 = arith.muli %scan3A_36, %mul3A_1026 : i32
      %add3A_1028 = arith.constant 144 : i32
      %add3A_1029 = arith.addi %mul3A_1027, %add3A_1028 : i32
      %swap3A_1030 = arith.index_cast %add3A_1029 : i32 to index
      %swap3A_1031 = tpu.vector_load %arg7[%swap3A_1030] {strides = array<i32>} : memref<16384xf32, #tpu.memory_space<vmem>>, vector<16xf32>,
      %swap3A_1032 = vector.shape_cast %swap3A_1031 : vector<16xf32> to vector<16xf32>
      %swap3A_1033 = vector.shape_cast %select_n3A_1025 : vector<16xf32> to vector<16xf32>
      tpu.vector_store %arg7[%swap3A_1030], %swap3A_1033 {strides = array<i32>} : memref<16384xf32, #tpu.memory_space<vmem>>, vector<16xf32>,
      %add3A_1034 = arith.constant 160 : i32
      %add3A_1035 = arith.addi %mul3A_44, %add3A_1034 : i32
      %get3A_1036 = arith.index_cast %add3A_1035 : i32 to index
      %get3A_1037 = tpu.vector_load %arg5[%get3A_1036] {strides = array<i32>} : memref<18432xf32, #tpu.memory_space<vmem>>, vector<16xf32>,
      %get3A_1038 = vector.shape_cast %get3A_1037 : vector<16xf32> to vector<16xf32>
      %add3A_1039 = arith.constant 160 : i32
      %add3A_1040 = arith.addi %mul3A_40, %add3A_1039 : i32
      %get3A_1041 = arith.index_cast %add3A_1040 : i32 to index
      %get3A_1042 = tpu.vector_load %arg5[%get3A_1041] {strides = array<i32>} : memref<18432xf32, #tpu.memory_space<vmem>>, vector<16xf32>,
      %get3A_1043 = vector.shape_cast %get3A_1042 : vector<16xf32> to vector<16xf32>
      %add3A_1044 = arith.constant 160 : i32
      %add3A_1045 = arith.addi %mul3A_48, %add3A_1044 : i32
      %get3A_1046 = arith.index_cast %add3A_1045 : i32 to index
      %get3A_1047 = tpu.vector_load %arg5[%get3A_1046] {strides = array<i32>} : memref<18432xf32, #tpu.memory_space<vmem>>, vector<16xf32>,
      %get3A_1048 = vector.shape_cast %get3A_1047 : vector<16xf32> to vector<16xf32>
      %add3A_1049 = arith.constant 160 : i32
      %add3A_1050 = arith.addi %mul3A_50, %add3A_1049 : i32
      %get3A_1051 = arith.index_cast %add3A_1050 : i32 to index
      %get3A_1052 = tpu.vector_load %arg6[%get3A_1051] {strides = array<i32>} : memref<16384xf32, #tpu.memory_space<vmem>>, vector<16xf32>,
      %get3A_1053 = vector.shape_cast %get3A_1052 : vector<16xf32> to vector<16xf32>
      %abs3A_1054 = math.absf %get3A_1053 : vector<16xf32>
      %add3A_1055 = arith.constant 160 : i32
      %add3A_1056 = arith.addi %mul3A_40, %add3A_1055 : i32
      %sub3A_1057 = arith.constant 1 : i32
      %sub3A_1058 = arith.subi %add3A_1056, %sub3A_1057 : i32
      %get3A_1059 = arith.index_cast %sub3A_1058 : i32 to index
      %get3A_1060 = tpu.vector_load %arg5[%get3A_1059] {strides = array<i32>} : memref<18432xf32, #tpu.memory_space<vmem>>, vector<16xf32>,
      %get3A_1061 = vector.shape_cast %get3A_1060 : vector<16xf32> to vector<16xf32>
      %add3A_1062 = arith.constant 160 : i32
      %add3A_1063 = arith.addi %mul3A_44, %add3A_1062 : i32
      %sub3A_1064 = arith.constant 1 : i32
      %sub3A_1065 = arith.subi %add3A_1063, %sub3A_1064 : i32
      %get3A_1066 = arith.index_cast %sub3A_1065 : i32 to index
      %get3A_1067 = tpu.vector_load %arg5[%get3A_1066] {strides = array<i32>} : memref<18432xf32, #tpu.memory_space<vmem>>, vector<16xf32>,
      %get3A_1068 = vector.shape_cast %get3A_1067 : vector<16xf32> to vector<16xf32>
      %add3A_1069 = arith.constant 160 : i32
      %add3A_1070 = arith.addi %mul3A_48, %add3A_1069 : i32
      %sub3A_1071 = arith.constant 1 : i32
      %sub3A_1072 = arith.subi %add3A_1070, %sub3A_1071 : i32
      %get3A_1073 = arith.index_cast %sub3A_1072 : i32 to index
      %get3A_1074 = tpu.vector_load %arg5[%get3A_1073] {strides = array<i32>} : memref<18432xf32, #tpu.memory_space<vmem>>, vector<16xf32>,
      %get3A_1075 = vector.shape_cast %get3A_1074 : vector<16xf32> to vector<16xf32>
      %add3A_1076 = arith.constant 160 : i32
      %add3A_1077 = arith.addi %mul3A_40, %add3A_1076 : i32
      %add3A_1078 = arith.constant 1 : i32
      %add3A_1079 = arith.addi %add3A_1077, %add3A_1078 : i32
      %get3A_1080 = arith.index_cast %add3A_1079 : i32 to index
      %get3A_1081 = tpu.vector_load %arg5[%get3A_1080] {strides = array<i32>} : memref<18432xf32, #tpu.memory_space<vmem>>, vector<16xf32>,
      %get3A_1082 = vector.shape_cast %get3A_1081 : vector<16xf32> to vector<16xf32>
      %add3A_1083 = arith.constant 160 : i32
      %add3A_1084 = arith.addi %mul3A_44, %add3A_1083 : i32
      %add3A_1085 = arith.constant 1 : i32
      %add3A_1086 = arith.addi %add3A_1084, %add3A_1085 : i32
      %get3A_1087 = arith.index_cast %add3A_1086 : i32 to index
      %get3A_1088 = tpu.vector_load %arg5[%get3A_1087] {strides = array<i32>} : memref<18432xf32, #tpu.memory_space<vmem>>, vector<16xf32>,
      %get3A_1089 = vector.shape_cast %get3A_1088 : vector<16xf32> to vector<16xf32>
      %add3A_1090 = arith.constant 160 : i32
      %add3A_1091 = arith.addi %mul3A_48, %add3A_1090 : i32
      %add3A_1092 = arith.constant 1 : i32
      %add3A_1093 = arith.addi %add3A_1091, %add3A_1092 : i32
      %get3A_1094 = arith.index_cast %add3A_1093 : i32 to index
      %get3A_1095 = tpu.vector_load %arg5[%get3A_1094] {strides = array<i32>} : memref<18432xf32, #tpu.memory_space<vmem>>, vector<16xf32>,
      %get3A_1096 = vector.shape_cast %get3A_1095 : vector<16xf32> to vector<16xf32>
      %max3A_1097 = arith.maximumf %get3A_1068, %get3A_1089 : vector<16xf32>
      %max3A_1098 = arith.maximumf %get3A_1043, %get3A_1048 : vector<16xf32>
      %max3A_1099 = arith.maximumf %get3A_1082, %get3A_1075 : vector<16xf32>
      %max3A_1100 = arith.maximumf %get3A_1061, %get3A_1096 : vector<16xf32>
      %lt3A_1101 = arith.constant 0.392699093 : f32
      %lt3A_1102 = vector.broadcast %lt3A_1101 : f32 to vector<16xf32>
      %lt3A_1103 = arith.cmpf olt, %abs3A_1054, %lt3A_1102 : vector<16xf32>
      %ge3A_1104 = arith.constant 2.7488935 : f32
      %ge3A_1105 = vector.broadcast %ge3A_1104 : f32 to vector<16xf32>
      %ge3A_1106 = arith.cmpf oge, %abs3A_1054, %ge3A_1105 : vector<16xf32>
      %or3A_1107 = arith.ori %lt3A_1103, %ge3A_1106 : vector<16xi1>
      %lt3A_1108 = arith.constant 1.17809725 : f32
      %lt3A_1109 = vector.broadcast %lt3A_1108 : f32 to vector<16xf32>
      %lt3A_1110 = arith.cmpf olt, %abs3A_1054, %lt3A_1109 : vector<16xf32>
      %lt3A_1111 = arith.constant 1.96349537 : f32
      %lt3A_1112 = vector.broadcast %lt3A_1111 : f32 to vector<16xf32>
      %lt3A_1113 = arith.cmpf olt, %abs3A_1054, %lt3A_1112 : vector<16xf32>
      %select_n3A_1114 = arith.select %lt3A_1113, %max3A_1098, %max3A_1100 : vector<16xi1>, vector<16xf32>
      %select_n3A_1115 = arith.select %lt3A_1110, %max3A_1099, %select_n3A_1114 : vector<16xi1>, vector<16xf32>
      %select_n3A_1116 = arith.select %or3A_1107, %max3A_1097, %select_n3A_1115 : vector<16xi1>, vector<16xf32>
      %ge3A_1117 = arith.cmpf oge, %get3A_1038, %select_n3A_1116 : vector<16xf32>
      %le3A_1118 = arith.constant 3.14159274 : f32
      %le3A_1119 = vector.broadcast %le3A_1118 : f32 to vector<16xf32>
      %le3A_1120 = arith.cmpf ole, %abs3A_1054, %le3A_1119 : vector<16xf32>
      %and3A_1121 = arith.andi %ge3A_1117, %le3A_1120 : vector<16xi1>
      %broadcast_in_dim3A_1122 = arith.constant 0.000000e+00 : f32
      %broadcast_in_dim3A_1123 = vector.broadcast %broadcast_in_dim3A_1122 : f32 to vector<16xf32>
      %select_n3A_1124 = arith.select %and3A_1121, %get3A_1038, %broadcast_in_dim3A_1123 : vector<16xi1>, vector<16xf32>
      %mul3A_1125 = arith.constant 512 : i32
      %mul3A_1126 = arith.muli %scan3A_36, %mul3A_1125 : i32
      %add3A_1127 = arith.constant 160 : i32
      %add3A_1128 = arith.addi %mul3A_1126, %add3A_1127 : i32
      %swap3A_1129 = arith.index_cast %add3A_1128 : i32 to index
      %swap3A_1130 = tpu.vector_load %arg7[%swap3A_1129] {strides = array<i32>} : memref<16384xf32, #tpu.memory_space<vmem>>, vector<16xf32>,
      %swap3A_1131 = vector.shape_cast %swap3A_1130 : vector<16xf32> to vector<16xf32>
      %swap3A_1132 = vector.shape_cast %select_n3A_1124 : vector<16xf32> to vector<16xf32>
      tpu.vector_store %arg7[%swap3A_1129], %swap3A_1132 {strides = array<i32>} : memref<16384xf32, #tpu.memory_space<vmem>>, vector<16xf32>,
      %add3A_1133 = arith.constant 176 : i32
      %add3A_1134 = arith.addi %mul3A_44, %add3A_1133 : i32
      %get3A_1135 = arith.index_cast %add3A_1134 : i32 to index
      %get3A_1136 = tpu.vector_load %arg5[%get3A_1135] {strides = array<i32>} : memref<18432xf32, #tpu.memory_space<vmem>>, vector<16xf32>,
      %get3A_1137 = vector.shape_cast %get3A_1136 : vector<16xf32> to vector<16xf32>
      %add3A_1138 = arith.constant 176 : i32
      %add3A_1139 = arith.addi %mul3A_40, %add3A_1138 : i32
      %get3A_1140 = arith.index_cast %add3A_1139 : i32 to index
      %get3A_1141 = tpu.vector_load %arg5[%get3A_1140] {strides = array<i32>} : memref<18432xf32, #tpu.memory_space<vmem>>, vector<16xf32>,
      %get3A_1142 = vector.shape_cast %get3A_1141 : vector<16xf32> to vector<16xf32>
      %add3A_1143 = arith.constant 176 : i32
      %add3A_1144 = arith.addi %mul3A_48, %add3A_1143 : i32
      %get3A_1145 = arith.index_cast %add3A_1144 : i32 to index
      %get3A_1146 = tpu.vector_load %arg5[%get3A_1145] {strides = array<i32>} : memref<18432xf32, #tpu.memory_space<vmem>>, vector<16xf32>,
      %get3A_1147 = vector.shape_cast %get3A_1146 : vector<16xf32> to vector<16xf32>
      %add3A_1148 = arith.constant 176 : i32
      %add3A_1149 = arith.addi %mul3A_50, %add3A_1148 : i32
      %get3A_1150 = arith.index_cast %add3A_1149 : i32 to index
      %get3A_1151 = tpu.vector_load %arg6[%get3A_1150] {strides = array<i32>} : memref<16384xf32, #tpu.memory_space<vmem>>, vector<16xf32>,
      %get3A_1152 = vector.shape_cast %get3A_1151 : vector<16xf32> to vector<16xf32>
      %abs3A_1153 = math.absf %get3A_1152 : vector<16xf32>
      %add3A_1154 = arith.constant 176 : i32
      %add3A_1155 = arith.addi %mul3A_40, %add3A_1154 : i32
      %sub3A_1156 = arith.constant 1 : i32
      %sub3A_1157 = arith.subi %add3A_1155, %sub3A_1156 : i32
      %get3A_1158 = arith.index_cast %sub3A_1157 : i32 to index
      %get3A_1159 = tpu.vector_load %arg5[%get3A_1158] {strides = array<i32>} : memref<18432xf32, #tpu.memory_space<vmem>>, vector<16xf32>,
      %get3A_1160 = vector.shape_cast %get3A_1159 : vector<16xf32> to vector<16xf32>
      %add3A_1161 = arith.constant 176 : i32
      %add3A_1162 = arith.addi %mul3A_44, %add3A_1161 : i32
      %sub3A_1163 = arith.constant 1 : i32
      %sub3A_1164 = arith.subi %add3A_1162, %sub3A_1163 : i32
      %get3A_1165 = arith.index_cast %sub3A_1164 : i32 to index
      %get3A_1166 = tpu.vector_load %arg5[%get3A_1165] {strides = array<i32>} : memref<18432xf32, #tpu.memory_space<vmem>>, vector<16xf32>,
      %get3A_1167 = vector.shape_cast %get3A_1166 : vector<16xf32> to vector<16xf32>
      %add3A_1168 = arith.constant 176 : i32
      %add3A_1169 = arith.addi %mul3A_48, %add3A_1168 : i32
      %sub3A_1170 = arith.constant 1 : i32
      %sub3A_1171 = arith.subi %add3A_1169, %sub3A_1170 : i32
      %get3A_1172 = arith.index_cast %sub3A_1171 : i32 to index
      %get3A_1173 = tpu.vector_load %arg5[%get3A_1172] {strides = array<i32>} : memref<18432xf32, #tpu.memory_space<vmem>>, vector<16xf32>,
      %get3A_1174 = vector.shape_cast %get3A_1173 : vector<16xf32> to vector<16xf32>
      %add3A_1175 = arith.constant 176 : i32
      %add3A_1176 = arith.addi %mul3A_40, %add3A_1175 : i32
      %add3A_1177 = arith.constant 1 : i32
      %add3A_1178 = arith.addi %add3A_1176, %add3A_1177 : i32
      %get3A_1179 = arith.index_cast %add3A_1178 : i32 to index
      %get3A_1180 = tpu.vector_load %arg5[%get3A_1179] {strides = array<i32>} : memref<18432xf32, #tpu.memory_space<vmem>>, vector<16xf32>,
      %get3A_1181 = vector.shape_cast %get3A_1180 : vector<16xf32> to vector<16xf32>
      %add3A_1182 = arith.constant 176 : i32
      %add3A_1183 = arith.addi %mul3A_44, %add3A_1182 : i32
      %add3A_1184 = arith.constant 1 : i32
      %add3A_1185 = arith.addi %add3A_1183, %add3A_1184 : i32
      %get3A_1186 = arith.index_cast %add3A_1185 : i32 to index
      %get3A_1187 = tpu.vector_load %arg5[%get3A_1186] {strides = array<i32>} : memref<18432xf32, #tpu.memory_space<vmem>>, vector<16xf32>,
      %get3A_1188 = vector.shape_cast %get3A_1187 : vector<16xf32> to vector<16xf32>
      %add3A_1189 = arith.constant 176 : i32
      %add3A_1190 = arith.addi %mul3A_48, %add3A_1189 : i32
      %add3A_1191 = arith.constant 1 : i32
      %add3A_1192 = arith.addi %add3A_1190, %add3A_1191 : i32
      %get3A_1193 = arith.index_cast %add3A_1192 : i32 to index
      %get3A_1194 = tpu.vector_load %arg5[%get3A_1193] {strides = array<i32>} : memref<18432xf32, #tpu.memory_space<vmem>>, vector<16xf32>,
      %get3A_1195 = vector.shape_cast %get3A_1194 : vector<16xf32> to vector<16xf32>
      %max3A_1196 = arith.maximumf %get3A_1167, %get3A_1188 : vector<16xf32>
      %max3A_1197 = arith.maximumf %get3A_1142, %get3A_1147 : vector<16xf32>
      %max3A_1198 = arith.maximumf %get3A_1181, %get3A_1174 : vector<16xf32>
      %max3A_1199 = arith.maximumf %get3A_1160, %get3A_1195 : vector<16xf32>
      %lt3A_1200 = arith.constant 0.392699093 : f32
      %lt3A_1201 = vector.broadcast %lt3A_1200 : f32 to vector<16xf32>
      %lt3A_1202 = arith.cmpf olt, %abs3A_1153, %lt3A_1201 : vector<16xf32>
      %ge3A_1203 = arith.constant 2.7488935 : f32
      %ge3A_1204 = vector.broadcast %ge3A_1203 : f32 to vector<16xf32>
      %ge3A_1205 = arith.cmpf oge, %abs3A_1153, %ge3A_1204 : vector<16xf32>
      %or3A_1206 = arith.ori %lt3A_1202, %ge3A_1205 : vector<16xi1>
      %lt3A_1207 = arith.constant 1.17809725 : f32
      %lt3A_1208 = vector.broadcast %lt3A_1207 : f32 to vector<16xf32>
      %lt3A_1209 = arith.cmpf olt, %abs3A_1153, %lt3A_1208 : vector<16xf32>
      %lt3A_1210 = arith.constant 1.96349537 : f32
      %lt3A_1211 = vector.broadcast %lt3A_1210 : f32 to vector<16xf32>
      %lt3A_1212 = arith.cmpf olt, %abs3A_1153, %lt3A_1211 : vector<16xf32>
      %select_n3A_1213 = arith.select %lt3A_1212, %max3A_1197, %max3A_1199 : vector<16xi1>, vector<16xf32>
      %select_n3A_1214 = arith.select %lt3A_1209, %max3A_1198, %select_n3A_1213 : vector<16xi1>, vector<16xf32>
      %select_n3A_1215 = arith.select %or3A_1206, %max3A_1196, %select_n3A_1214 : vector<16xi1>, vector<16xf32>
      %ge3A_1216 = arith.cmpf oge, %get3A_1137, %select_n3A_1215 : vector<16xf32>
      %le3A_1217 = arith.constant 3.14159274 : f32
      %le3A_1218 = vector.broadcast %le3A_1217 : f32 to vector<16xf32>
      %le3A_1219 = arith.cmpf ole, %abs3A_1153, %le3A_1218 : vector<16xf32>
      %and3A_1220 = arith.andi %ge3A_1216, %le3A_1219 : vector<16xi1>
      %broadcast_in_dim3A_1221 = arith.constant 0.000000e+00 : f32
      %broadcast_in_dim3A_1222 = vector.broadcast %broadcast_in_dim3A_1221 : f32 to vector<16xf32>
      %select_n3A_1223 = arith.select %and3A_1220, %get3A_1137, %broadcast_in_dim3A_1222 : vector<16xi1>, vector<16xf32>
      %mul3A_1224 = arith.constant 512 : i32
      %mul3A_1225 = arith.muli %scan3A_36, %mul3A_1224 : i32
      %add3A_1226 = arith.constant 176 : i32
      %add3A_1227 = arith.addi %mul3A_1225, %add3A_1226 : i32
      %swap3A_1228 = arith.index_cast %add3A_1227 : i32 to index
      %swap3A_1229 = tpu.vector_load %arg7[%swap3A_1228] {strides = array<i32>} : memref<16384xf32, #tpu.memory_space<vmem>>, vector<16xf32>,
      %swap3A_1230 = vector.shape_cast %swap3A_1229 : vector<16xf32> to vector<16xf32>
      %swap3A_1231 = vector.shape_cast %select_n3A_1223 : vector<16xf32> to vector<16xf32>
      tpu.vector_store %arg7[%swap3A_1228], %swap3A_1231 {strides = array<i32>} : memref<16384xf32, #tpu.memory_space<vmem>>, vector<16xf32>,
      %add3A_1232 = arith.constant 192 : i32
      %add3A_1233 = arith.addi %mul3A_44, %add3A_1232 : i32
      %get3A_1234 = arith.index_cast %add3A_1233 : i32 to index
      %get3A_1235 = tpu.vector_load %arg5[%get3A_1234] {strides = array<i32>} : memref<18432xf32, #tpu.memory_space<vmem>>, vector<16xf32>,
      %get3A_1236 = vector.shape_cast %get3A_1235 : vector<16xf32> to vector<16xf32>
      %add3A_1237 = arith.constant 192 : i32
      %add3A_1238 = arith.addi %mul3A_40, %add3A_1237 : i32
      %get3A_1239 = arith.index_cast %add3A_1238 : i32 to index
      %get3A_1240 = tpu.vector_load %arg5[%get3A_1239] {strides = array<i32>} : memref<18432xf32, #tpu.memory_space<vmem>>, vector<16xf32>,
      %get3A_1241 = vector.shape_cast %get3A_1240 : vector<16xf32> to vector<16xf32>
      %add3A_1242 = arith.constant 192 : i32
      %add3A_1243 = arith.addi %mul3A_48, %add3A_1242 : i32
      %get3A_1244 = arith.index_cast %add3A_1243 : i32 to index
      %get3A_1245 = tpu.vector_load %arg5[%get3A_1244] {strides = array<i32>} : memref<18432xf32, #tpu.memory_space<vmem>>, vector<16xf32>,
      %get3A_1246 = vector.shape_cast %get3A_1245 : vector<16xf32> to vector<16xf32>
      %add3A_1247 = arith.constant 192 : i32
      %add3A_1248 = arith.addi %mul3A_50, %add3A_1247 : i32
      %get3A_1249 = arith.index_cast %add3A_1248 : i32 to index
      %get3A_1250 = tpu.vector_load %arg6[%get3A_1249] {strides = array<i32>} : memref<16384xf32, #tpu.memory_space<vmem>>, vector<16xf32>,
      %get3A_1251 = vector.shape_cast %get3A_1250 : vector<16xf32> to vector<16xf32>
      %abs3A_1252 = math.absf %get3A_1251 : vector<16xf32>
      %add3A_1253 = arith.constant 192 : i32
      %add3A_1254 = arith.addi %mul3A_40, %add3A_1253 : i32
      %sub3A_1255 = arith.constant 1 : i32
      %sub3A_1256 = arith.subi %add3A_1254, %sub3A_1255 : i32
      %get3A_1257 = arith.index_cast %sub3A_1256 : i32 to index
      %get3A_1258 = tpu.vector_load %arg5[%get3A_1257] {strides = array<i32>} : memref<18432xf32, #tpu.memory_space<vmem>>, vector<16xf32>,
      %get3A_1259 = vector.shape_cast %get3A_1258 : vector<16xf32> to vector<16xf32>
      %add3A_1260 = arith.constant 192 : i32
      %add3A_1261 = arith.addi %mul3A_44, %add3A_1260 : i32
      %sub3A_1262 = arith.constant 1 : i32
      %sub3A_1263 = arith.subi %add3A_1261, %sub3A_1262 : i32
      %get3A_1264 = arith.index_cast %sub3A_1263 : i32 to index
      %get3A_1265 = tpu.vector_load %arg5[%get3A_1264] {strides = array<i32>} : memref<18432xf32, #tpu.memory_space<vmem>>, vector<16xf32>,
      %get3A_1266 = vector.shape_cast %get3A_1265 : vector<16xf32> to vector<16xf32>
      %add3A_1267 = arith.constant 192 : i32
      %add3A_1268 = arith.addi %mul3A_48, %add3A_1267 : i32
      %sub3A_1269 = arith.constant 1 : i32
      %sub3A_1270 = arith.subi %add3A_1268, %sub3A_1269 : i32
      %get3A_1271 = arith.index_cast %sub3A_1270 : i32 to index
      %get3A_1272 = tpu.vector_load %arg5[%get3A_1271] {strides = array<i32>} : memref<18432xf32, #tpu.memory_space<vmem>>, vector<16xf32>,
      %get3A_1273 = vector.shape_cast %get3A_1272 : vector<16xf32> to vector<16xf32>
      %add3A_1274 = arith.constant 192 : i32
      %add3A_1275 = arith.addi %mul3A_40, %add3A_1274 : i32
      %add3A_1276 = arith.constant 1 : i32
      %add3A_1277 = arith.addi %add3A_1275, %add3A_1276 : i32
      %get3A_1278 = arith.index_cast %add3A_1277 : i32 to index
      %get3A_1279 = tpu.vector_load %arg5[%get3A_1278] {strides = array<i32>} : memref<18432xf32, #tpu.memory_space<vmem>>, vector<16xf32>,
      %get3A_1280 = vector.shape_cast %get3A_1279 : vector<16xf32> to vector<16xf32>
      %add3A_1281 = arith.constant 192 : i32
      %add3A_1282 = arith.addi %mul3A_44, %add3A_1281 : i32
      %add3A_1283 = arith.constant 1 : i32
      %add3A_1284 = arith.addi %add3A_1282, %add3A_1283 : i32
      %get3A_1285 = arith.index_cast %add3A_1284 : i32 to index
      %get3A_1286 = tpu.vector_load %arg5[%get3A_1285] {strides = array<i32>} : memref<18432xf32, #tpu.memory_space<vmem>>, vector<16xf32>,
      %get3A_1287 = vector.shape_cast %get3A_1286 : vector<16xf32> to vector<16xf32>
      %add3A_1288 = arith.constant 192 : i32
      %add3A_1289 = arith.addi %mul3A_48, %add3A_1288 : i32
      %add3A_1290 = arith.constant 1 : i32
      %add3A_1291 = arith.addi %add3A_1289, %add3A_1290 : i32
      %get3A_1292 = arith.index_cast %add3A_1291 : i32 to index
      %get3A_1293 = tpu.vector_load %arg5[%get3A_1292] {strides = array<i32>} : memref<18432xf32, #tpu.memory_space<vmem>>, vector<16xf32>,
      %get3A_1294 = vector.shape_cast %get3A_1293 : vector<16xf32> to vector<16xf32>
      %max3A_1295 = arith.maximumf %get3A_1266, %get3A_1287 : vector<16xf32>
      %max3A_1296 = arith.maximumf %get3A_1241, %get3A_1246 : vector<16xf32>
      %max3A_1297 = arith.maximumf %get3A_1280, %get3A_1273 : vector<16xf32>
      %max3A_1298 = arith.maximumf %get3A_1259, %get3A_1294 : vector<16xf32>
      %lt3A_1299 = arith.constant 0.392699093 : f32
      %lt3A_1300 = vector.broadcast %lt3A_1299 : f32 to vector<16xf32>
      %lt3A_1301 = arith.cmpf olt, %abs3A_1252, %lt3A_1300 : vector<16xf32>
      %ge3A_1302 = arith.constant 2.7488935 : f32
      %ge3A_1303 = vector.broadcast %ge3A_1302 : f32 to vector<16xf32>
      %ge3A_1304 = arith.cmpf oge, %abs3A_1252, %ge3A_1303 : vector<16xf32>
      %or3A_1305 = arith.ori %lt3A_1301, %ge3A_1304 : vector<16xi1>
      %lt3A_1306 = arith.constant 1.17809725 : f32
      %lt3A_1307 = vector.broadcast %lt3A_1306 : f32 to vector<16xf32>
      %lt3A_1308 = arith.cmpf olt, %abs3A_1252, %lt3A_1307 : vector<16xf32>
      %lt3A_1309 = arith.constant 1.96349537 : f32
      %lt3A_1310 = vector.broadcast %lt3A_1309 : f32 to vector<16xf32>
      %lt3A_1311 = arith.cmpf olt, %abs3A_1252, %lt3A_1310 : vector<16xf32>
      %select_n3A_1312 = arith.select %lt3A_1311, %max3A_1296, %max3A_1298 : vector<16xi1>, vector<16xf32>
      %select_n3A_1313 = arith.select %lt3A_1308, %max3A_1297, %select_n3A_1312 : vector<16xi1>, vector<16xf32>
      %select_n3A_1314 = arith.select %or3A_1305, %max3A_1295, %select_n3A_1313 : vector<16xi1>, vector<16xf32>
      %ge3A_1315 = arith.cmpf oge, %get3A_1236, %select_n3A_1314 : vector<16xf32>
      %le3A_1316 = arith.constant 3.14159274 : f32
      %le3A_1317 = vector.broadcast %le3A_1316 : f32 to vector<16xf32>
      %le3A_1318 = arith.cmpf ole, %abs3A_1252, %le3A_1317 : vector<16xf32>
      %and3A_1319 = arith.andi %ge3A_1315, %le3A_1318 : vector<16xi1>
      %broadcast_in_dim3A_1320 = arith.constant 0.000000e+00 : f32
      %broadcast_in_dim3A_1321 = vector.broadcast %broadcast_in_dim3A_1320 : f32 to vector<16xf32>
      %select_n3A_1322 = arith.select %and3A_1319, %get3A_1236, %broadcast_in_dim3A_1321 : vector<16xi1>, vector<16xf32>
      %mul3A_1323 = arith.constant 512 : i32
      %mul3A_1324 = arith.muli %scan3A_36, %mul3A_1323 : i32
      %add3A_1325 = arith.constant 192 : i32
      %add3A_1326 = arith.addi %mul3A_1324, %add3A_1325 : i32
      %swap3A_1327 = arith.index_cast %add3A_1326 : i32 to index
      %swap3A_1328 = tpu.vector_load %arg7[%swap3A_1327] {strides = array<i32>} : memref<16384xf32, #tpu.memory_space<vmem>>, vector<16xf32>,
      %swap3A_1329 = vector.shape_cast %swap3A_1328 : vector<16xf32> to vector<16xf32>
      %swap3A_1330 = vector.shape_cast %select_n3A_1322 : vector<16xf32> to vector<16xf32>
      tpu.vector_store %arg7[%swap3A_1327], %swap3A_1330 {strides = array<i32>} : memref<16384xf32, #tpu.memory_space<vmem>>, vector<16xf32>,
      %add3A_1331 = arith.constant 208 : i32
      %add3A_1332 = arith.addi %mul3A_44, %add3A_1331 : i32
      %get3A_1333 = arith.index_cast %add3A_1332 : i32 to index
      %get3A_1334 = tpu.vector_load %arg5[%get3A_1333] {strides = array<i32>} : memref<18432xf32, #tpu.memory_space<vmem>>, vector<16xf32>,
      %get3A_1335 = vector.shape_cast %get3A_1334 : vector<16xf32> to vector<16xf32>
      %add3A_1336 = arith.constant 208 : i32
      %add3A_1337 = arith.addi %mul3A_40, %add3A_1336 : i32
      %get3A_1338 = arith.index_cast %add3A_1337 : i32 to index
      %get3A_1339 = tpu.vector_load %arg5[%get3A_1338] {strides = array<i32>} : memref<18432xf32, #tpu.memory_space<vmem>>, vector<16xf32>,
      %get3A_1340 = vector.shape_cast %get3A_1339 : vector<16xf32> to vector<16xf32>
      %add3A_1341 = arith.constant 208 : i32
      %add3A_1342 = arith.addi %mul3A_48, %add3A_1341 : i32
      %get3A_1343 = arith.index_cast %add3A_1342 : i32 to index
      %get3A_1344 = tpu.vector_load %arg5[%get3A_1343] {strides = array<i32>} : memref<18432xf32, #tpu.memory_space<vmem>>, vector<16xf32>,
      %get3A_1345 = vector.shape_cast %get3A_1344 : vector<16xf32> to vector<16xf32>
      %add3A_1346 = arith.constant 208 : i32
      %add3A_1347 = arith.addi %mul3A_50, %add3A_1346 : i32
      %get3A_1348 = arith.index_cast %add3A_1347 : i32 to index
      %get3A_1349 = tpu.vector_load %arg6[%get3A_1348] {strides = array<i32>} : memref<16384xf32, #tpu.memory_space<vmem>>, vector<16xf32>,
      %get3A_1350 = vector.shape_cast %get3A_1349 : vector<16xf32> to vector<16xf32>
      %abs3A_1351 = math.absf %get3A_1350 : vector<16xf32>
      %add3A_1352 = arith.constant 208 : i32
      %add3A_1353 = arith.addi %mul3A_40, %add3A_1352 : i32
      %sub3A_1354 = arith.constant 1 : i32
      %sub3A_1355 = arith.subi %add3A_1353, %sub3A_1354 : i32
      %get3A_1356 = arith.index_cast %sub3A_1355 : i32 to index
      %get3A_1357 = tpu.vector_load %arg5[%get3A_1356] {strides = array<i32>} : memref<18432xf32, #tpu.memory_space<vmem>>, vector<16xf32>,
      %get3A_1358 = vector.shape_cast %get3A_1357 : vector<16xf32> to vector<16xf32>
      %add3A_1359 = arith.constant 208 : i32
      %add3A_1360 = arith.addi %mul3A_44, %add3A_1359 : i32
      %sub3A_1361 = arith.constant 1 : i32
      %sub3A_1362 = arith.subi %add3A_1360, %sub3A_1361 : i32
      %get3A_1363 = arith.index_cast %sub3A_1362 : i32 to index
      %get3A_1364 = tpu.vector_load %arg5[%get3A_1363] {strides = array<i32>} : memref<18432xf32, #tpu.memory_space<vmem>>, vector<16xf32>,
      %get3A_1365 = vector.shape_cast %get3A_1364 : vector<16xf32> to vector<16xf32>
      %add3A_1366 = arith.constant 208 : i32
      %add3A_1367 = arith.addi %mul3A_48, %add3A_1366 : i32
      %sub3A_1368 = arith.constant 1 : i32
      %sub3A_1369 = arith.subi %add3A_1367, %sub3A_1368 : i32
      %get3A_1370 = arith.index_cast %sub3A_1369 : i32 to index
      %get3A_1371 = tpu.vector_load %arg5[%get3A_1370] {strides = array<i32>} : memref<18432xf32, #tpu.memory_space<vmem>>, vector<16xf32>,
      %get3A_1372 = vector.shape_cast %get3A_1371 : vector<16xf32> to vector<16xf32>
      %add3A_1373 = arith.constant 208 : i32
      %add3A_1374 = arith.addi %mul3A_40, %add3A_1373 : i32
      %add3A_1375 = arith.constant 1 : i32
      %add3A_1376 = arith.addi %add3A_1374, %add3A_1375 : i32
      %get3A_1377 = arith.index_cast %add3A_1376 : i32 to index
      %get3A_1378 = tpu.vector_load %arg5[%get3A_1377] {strides = array<i32>} : memref<18432xf32, #tpu.memory_space<vmem>>, vector<16xf32>,
      %get3A_1379 = vector.shape_cast %get3A_1378 : vector<16xf32> to vector<16xf32>
      %add3A_1380 = arith.constant 208 : i32
      %add3A_1381 = arith.addi %mul3A_44, %add3A_1380 : i32
      %add3A_1382 = arith.constant 1 : i32
      %add3A_1383 = arith.addi %add3A_1381, %add3A_1382 : i32
      %get3A_1384 = arith.index_cast %add3A_1383 : i32 to index
      %get3A_1385 = tpu.vector_load %arg5[%get3A_1384] {strides = array<i32>} : memref<18432xf32, #tpu.memory_space<vmem>>, vector<16xf32>,
      %get3A_1386 = vector.shape_cast %get3A_1385 : vector<16xf32> to vector<16xf32>
      %add3A_1387 = arith.constant 208 : i32
      %add3A_1388 = arith.addi %mul3A_48, %add3A_1387 : i32
      %add3A_1389 = arith.constant 1 : i32
      %add3A_1390 = arith.addi %add3A_1388, %add3A_1389 : i32
      %get3A_1391 = arith.index_cast %add3A_1390 : i32 to index
      %get3A_1392 = tpu.vector_load %arg5[%get3A_1391] {strides = array<i32>} : memref<18432xf32, #tpu.memory_space<vmem>>, vector<16xf32>,
      %get3A_1393 = vector.shape_cast %get3A_1392 : vector<16xf32> to vector<16xf32>
      %max3A_1394 = arith.maximumf %get3A_1365, %get3A_1386 : vector<16xf32>
      %max3A_1395 = arith.maximumf %get3A_1340, %get3A_1345 : vector<16xf32>
      %max3A_1396 = arith.maximumf %get3A_1379, %get3A_1372 : vector<16xf32>
      %max3A_1397 = arith.maximumf %get3A_1358, %get3A_1393 : vector<16xf32>
      %lt3A_1398 = arith.constant 0.392699093 : f32
      %lt3A_1399 = vector.broadcast %lt3A_1398 : f32 to vector<16xf32>
      %lt3A_1400 = arith.cmpf olt, %abs3A_1351, %lt3A_1399 : vector<16xf32>
      %ge3A_1401 = arith.constant 2.7488935 : f32
      %ge3A_1402 = vector.broadcast %ge3A_1401 : f32 to vector<16xf32>
      %ge3A_1403 = arith.cmpf oge, %abs3A_1351, %ge3A_1402 : vector<16xf32>
      %or3A_1404 = arith.ori %lt3A_1400, %ge3A_1403 : vector<16xi1>
      %lt3A_1405 = arith.constant 1.17809725 : f32
      %lt3A_1406 = vector.broadcast %lt3A_1405 : f32 to vector<16xf32>
      %lt3A_1407 = arith.cmpf olt, %abs3A_1351, %lt3A_1406 : vector<16xf32>
      %lt3A_1408 = arith.constant 1.96349537 : f32
      %lt3A_1409 = vector.broadcast %lt3A_1408 : f32 to vector<16xf32>
      %lt3A_1410 = arith.cmpf olt, %abs3A_1351, %lt3A_1409 : vector<16xf32>
      %select_n3A_1411 = arith.select %lt3A_1410, %max3A_1395, %max3A_1397 : vector<16xi1>, vector<16xf32>
      %select_n3A_1412 = arith.select %lt3A_1407, %max3A_1396, %select_n3A_1411 : vector<16xi1>, vector<16xf32>
      %select_n3A_1413 = arith.select %or3A_1404, %max3A_1394, %select_n3A_1412 : vector<16xi1>, vector<16xf32>
      %ge3A_1414 = arith.cmpf oge, %get3A_1335, %select_n3A_1413 : vector<16xf32>
      %le3A_1415 = arith.constant 3.14159274 : f32
      %le3A_1416 = vector.broadcast %le3A_1415 : f32 to vector<16xf32>
      %le3A_1417 = arith.cmpf ole, %abs3A_1351, %le3A_1416 : vector<16xf32>
      %and3A_1418 = arith.andi %ge3A_1414, %le3A_1417 : vector<16xi1>
      %broadcast_in_dim3A_1419 = arith.constant 0.000000e+00 : f32
      %broadcast_in_dim3A_1420 = vector.broadcast %broadcast_in_dim3A_1419 : f32 to vector<16xf32>
      %select_n3A_1421 = arith.select %and3A_1418, %get3A_1335, %broadcast_in_dim3A_1420 : vector<16xi1>, vector<16xf32>
      %mul3A_1422 = arith.constant 512 : i32
      %mul3A_1423 = arith.muli %scan3A_36, %mul3A_1422 : i32
      %add3A_1424 = arith.constant 208 : i32
      %add3A_1425 = arith.addi %mul3A_1423, %add3A_1424 : i32
      %swap3A_1426 = arith.index_cast %add3A_1425 : i32 to index
      %swap3A_1427 = tpu.vector_load %arg7[%swap3A_1426] {strides = array<i32>} : memref<16384xf32, #tpu.memory_space<vmem>>, vector<16xf32>,
      %swap3A_1428 = vector.shape_cast %swap3A_1427 : vector<16xf32> to vector<16xf32>
      %swap3A_1429 = vector.shape_cast %select_n3A_1421 : vector<16xf32> to vector<16xf32>
      tpu.vector_store %arg7[%swap3A_1426], %swap3A_1429 {strides = array<i32>} : memref<16384xf32, #tpu.memory_space<vmem>>, vector<16xf32>,
      %add3A_1430 = arith.constant 224 : i32
      %add3A_1431 = arith.addi %mul3A_44, %add3A_1430 : i32
      %get3A_1432 = arith.index_cast %add3A_1431 : i32 to index
      %get3A_1433 = tpu.vector_load %arg5[%get3A_1432] {strides = array<i32>} : memref<18432xf32, #tpu.memory_space<vmem>>, vector<16xf32>,
      %get3A_1434 = vector.shape_cast %get3A_1433 : vector<16xf32> to vector<16xf32>
      %add3A_1435 = arith.constant 224 : i32
      %add3A_1436 = arith.addi %mul3A_40, %add3A_1435 : i32
      %get3A_1437 = arith.index_cast %add3A_1436 : i32 to index
      %get3A_1438 = tpu.vector_load %arg5[%get3A_1437] {strides = array<i32>} : memref<18432xf32, #tpu.memory_space<vmem>>, vector<16xf32>,
      %get3A_1439 = vector.shape_cast %get3A_1438 : vector<16xf32> to vector<16xf32>
      %add3A_1440 = arith.constant 224 : i32
      %add3A_1441 = arith.addi %mul3A_48, %add3A_1440 : i32
      %get3A_1442 = arith.index_cast %add3A_1441 : i32 to index
      %get3A_1443 = tpu.vector_load %arg5[%get3A_1442] {strides = array<i32>} : memref<18432xf32, #tpu.memory_space<vmem>>, vector<16xf32>,
      %get3A_1444 = vector.shape_cast %get3A_1443 : vector<16xf32> to vector<16xf32>
      %add3A_1445 = arith.constant 224 : i32
      %add3A_1446 = arith.addi %mul3A_50, %add3A_1445 : i32
      %get3A_1447 = arith.index_cast %add3A_1446 : i32 to index
      %get3A_1448 = tpu.vector_load %arg6[%get3A_1447] {strides = array<i32>} : memref<16384xf32, #tpu.memory_space<vmem>>, vector<16xf32>,
      %get3A_1449 = vector.shape_cast %get3A_1448 : vector<16xf32> to vector<16xf32>
      %abs3A_1450 = math.absf %get3A_1449 : vector<16xf32>
      %add3A_1451 = arith.constant 224 : i32
      %add3A_1452 = arith.addi %mul3A_40, %add3A_1451 : i32
      %sub3A_1453 = arith.constant 1 : i32
      %sub3A_1454 = arith.subi %add3A_1452, %sub3A_1453 : i32
      %get3A_1455 = arith.index_cast %sub3A_1454 : i32 to index
      %get3A_1456 = tpu.vector_load %arg5[%get3A_1455] {strides = array<i32>} : memref<18432xf32, #tpu.memory_space<vmem>>, vector<16xf32>,
      %get3A_1457 = vector.shape_cast %get3A_1456 : vector<16xf32> to vector<16xf32>
      %add3A_1458 = arith.constant 224 : i32
      %add3A_1459 = arith.addi %mul3A_44, %add3A_1458 : i32
      %sub3A_1460 = arith.constant 1 : i32
      %sub3A_1461 = arith.subi %add3A_1459, %sub3A_1460 : i32
      %get3A_1462 = arith.index_cast %sub3A_1461 : i32 to index
      %get3A_1463 = tpu.vector_load %arg5[%get3A_1462] {strides = array<i32>} : memref<18432xf32, #tpu.memory_space<vmem>>, vector<16xf32>,
      %get3A_1464 = vector.shape_cast %get3A_1463 : vector<16xf32> to vector<16xf32>
      %add3A_1465 = arith.constant 224 : i32
      %add3A_1466 = arith.addi %mul3A_48, %add3A_1465 : i32
      %sub3A_1467 = arith.constant 1 : i32
      %sub3A_1468 = arith.subi %add3A_1466, %sub3A_1467 : i32
      %get3A_1469 = arith.index_cast %sub3A_1468 : i32 to index
      %get3A_1470 = tpu.vector_load %arg5[%get3A_1469] {strides = array<i32>} : memref<18432xf32, #tpu.memory_space<vmem>>, vector<16xf32>,
      %get3A_1471 = vector.shape_cast %get3A_1470 : vector<16xf32> to vector<16xf32>
      %add3A_1472 = arith.constant 224 : i32
      %add3A_1473 = arith.addi %mul3A_40, %add3A_1472 : i32
      %add3A_1474 = arith.constant 1 : i32
      %add3A_1475 = arith.addi %add3A_1473, %add3A_1474 : i32
      %get3A_1476 = arith.index_cast %add3A_1475 : i32 to index
      %get3A_1477 = tpu.vector_load %arg5[%get3A_1476] {strides = array<i32>} : memref<18432xf32, #tpu.memory_space<vmem>>, vector<16xf32>,
      %get3A_1478 = vector.shape_cast %get3A_1477 : vector<16xf32> to vector<16xf32>
      %add3A_1479 = arith.constant 224 : i32
      %add3A_1480 = arith.addi %mul3A_44, %add3A_1479 : i32
      %add3A_1481 = arith.constant 1 : i32
      %add3A_1482 = arith.addi %add3A_1480, %add3A_1481 : i32
      %get3A_1483 = arith.index_cast %add3A_1482 : i32 to index
      %get3A_1484 = tpu.vector_load %arg5[%get3A_1483] {strides = array<i32>} : memref<18432xf32, #tpu.memory_space<vmem>>, vector<16xf32>,
      %get3A_1485 = vector.shape_cast %get3A_1484 : vector<16xf32> to vector<16xf32>
      %add3A_1486 = arith.constant 224 : i32
      %add3A_1487 = arith.addi %mul3A_48, %add3A_1486 : i32
      %add3A_1488 = arith.constant 1 : i32
      %add3A_1489 = arith.addi %add3A_1487, %add3A_1488 : i32
      %get3A_1490 = arith.index_cast %add3A_1489 : i32 to index
      %get3A_1491 = tpu.vector_load %arg5[%get3A_1490] {strides = array<i32>} : memref<18432xf32, #tpu.memory_space<vmem>>, vector<16xf32>,
      %get3A_1492 = vector.shape_cast %get3A_1491 : vector<16xf32> to vector<16xf32>
      %max3A_1493 = arith.maximumf %get3A_1464, %get3A_1485 : vector<16xf32>
      %max3A_1494 = arith.maximumf %get3A_1439, %get3A_1444 : vector<16xf32>
      %max3A_1495 = arith.maximumf %get3A_1478, %get3A_1471 : vector<16xf32>
      %max3A_1496 = arith.maximumf %get3A_1457, %get3A_1492 : vector<16xf32>
      %lt3A_1497 = arith.constant 0.392699093 : f32
      %lt3A_1498 = vector.broadcast %lt3A_1497 : f32 to vector<16xf32>
      %lt3A_1499 = arith.cmpf olt, %abs3A_1450, %lt3A_1498 : vector<16xf32>
      %ge3A_1500 = arith.constant 2.7488935 : f32
      %ge3A_1501 = vector.broadcast %ge3A_1500 : f32 to vector<16xf32>
      %ge3A_1502 = arith.cmpf oge, %abs3A_1450, %ge3A_1501 : vector<16xf32>
      %or3A_1503 = arith.ori %lt3A_1499, %ge3A_1502 : vector<16xi1>
      %lt3A_1504 = arith.constant 1.17809725 : f32
      %lt3A_1505 = vector.broadcast %lt3A_1504 : f32 to vector<16xf32>
      %lt3A_1506 = arith.cmpf olt, %abs3A_1450, %lt3A_1505 : vector<16xf32>
      %lt3A_1507 = arith.constant 1.96349537 : f32
      %lt3A_1508 = vector.broadcast %lt3A_1507 : f32 to vector<16xf32>
      %lt3A_1509 = arith.cmpf olt, %abs3A_1450, %lt3A_1508 : vector<16xf32>
      %select_n3A_1510 = arith.select %lt3A_1509, %max3A_1494, %max3A_1496 : vector<16xi1>, vector<16xf32>
      %select_n3A_1511 = arith.select %lt3A_1506, %max3A_1495, %select_n3A_1510 : vector<16xi1>, vector<16xf32>
      %select_n3A_1512 = arith.select %or3A_1503, %max3A_1493, %select_n3A_1511 : vector<16xi1>, vector<16xf32>
      %ge3A_1513 = arith.cmpf oge, %get3A_1434, %select_n3A_1512 : vector<16xf32>
      %le3A_1514 = arith.constant 3.14159274 : f32
      %le3A_1515 = vector.broadcast %le3A_1514 : f32 to vector<16xf32>
      %le3A_1516 = arith.cmpf ole, %abs3A_1450, %le3A_1515 : vector<16xf32>
      %and3A_1517 = arith.andi %ge3A_1513, %le3A_1516 : vector<16xi1>
      %broadcast_in_dim3A_1518 = arith.constant 0.000000e+00 : f32
      %broadcast_in_dim3A_1519 = vector.broadcast %broadcast_in_dim3A_1518 : f32 to vector<16xf32>
      %select_n3A_1520 = arith.select %and3A_1517, %get3A_1434, %broadcast_in_dim3A_1519 : vector<16xi1>, vector<16xf32>
      %mul3A_1521 = arith.constant 512 : i32
      %mul3A_1522 = arith.muli %scan3A_36, %mul3A_1521 : i32
      %add3A_1523 = arith.constant 224 : i32
      %add3A_1524 = arith.addi %mul3A_1522, %add3A_1523 : i32
      %swap3A_1525 = arith.index_cast %add3A_1524 : i32 to index
      %swap3A_1526 = tpu.vector_load %arg7[%swap3A_1525] {strides = array<i32>} : memref<16384xf32, #tpu.memory_space<vmem>>, vector<16xf32>,
      %swap3A_1527 = vector.shape_cast %swap3A_1526 : vector<16xf32> to vector<16xf32>
      %swap3A_1528 = vector.shape_cast %select_n3A_1520 : vector<16xf32> to vector<16xf32>
      tpu.vector_store %arg7[%swap3A_1525], %swap3A_1528 {strides = array<i32>} : memref<16384xf32, #tpu.memory_space<vmem>>, vector<16xf32>,
      %add3A_1529 = arith.constant 240 : i32
      %add3A_1530 = arith.addi %mul3A_44, %add3A_1529 : i32
      %get3A_1531 = arith.index_cast %add3A_1530 : i32 to index
      %get3A_1532 = tpu.vector_load %arg5[%get3A_1531] {strides = array<i32>} : memref<18432xf32, #tpu.memory_space<vmem>>, vector<16xf32>,
      %get3A_1533 = vector.shape_cast %get3A_1532 : vector<16xf32> to vector<16xf32>
      %add3A_1534 = arith.constant 240 : i32
      %add3A_1535 = arith.addi %mul3A_40, %add3A_1534 : i32
      %get3A_1536 = arith.index_cast %add3A_1535 : i32 to index
      %get3A_1537 = tpu.vector_load %arg5[%get3A_1536] {strides = array<i32>} : memref<18432xf32, #tpu.memory_space<vmem>>, vector<16xf32>,
      %get3A_1538 = vector.shape_cast %get3A_1537 : vector<16xf32> to vector<16xf32>
      %add3A_1539 = arith.constant 240 : i32
      %add3A_1540 = arith.addi %mul3A_48, %add3A_1539 : i32
      %get3A_1541 = arith.index_cast %add3A_1540 : i32 to index
      %get3A_1542 = tpu.vector_load %arg5[%get3A_1541] {strides = array<i32>} : memref<18432xf32, #tpu.memory_space<vmem>>, vector<16xf32>,
      %get3A_1543 = vector.shape_cast %get3A_1542 : vector<16xf32> to vector<16xf32>
      %add3A_1544 = arith.constant 240 : i32
      %add3A_1545 = arith.addi %mul3A_50, %add3A_1544 : i32
      %get3A_1546 = arith.index_cast %add3A_1545 : i32 to index
      %get3A_1547 = tpu.vector_load %arg6[%get3A_1546] {strides = array<i32>} : memref<16384xf32, #tpu.memory_space<vmem>>, vector<16xf32>,
      %get3A_1548 = vector.shape_cast %get3A_1547 : vector<16xf32> to vector<16xf32>
      %abs3A_1549 = math.absf %get3A_1548 : vector<16xf32>
      %add3A_1550 = arith.constant 240 : i32
      %add3A_1551 = arith.addi %mul3A_40, %add3A_1550 : i32
      %sub3A_1552 = arith.constant 1 : i32
      %sub3A_1553 = arith.subi %add3A_1551, %sub3A_1552 : i32
      %get3A_1554 = arith.index_cast %sub3A_1553 : i32 to index
      %get3A_1555 = tpu.vector_load %arg5[%get3A_1554] {strides = array<i32>} : memref<18432xf32, #tpu.memory_space<vmem>>, vector<16xf32>,
      %get3A_1556 = vector.shape_cast %get3A_1555 : vector<16xf32> to vector<16xf32>
      %add3A_1557 = arith.constant 240 : i32
      %add3A_1558 = arith.addi %mul3A_44, %add3A_1557 : i32
      %sub3A_1559 = arith.constant 1 : i32
      %sub3A_1560 = arith.subi %add3A_1558, %sub3A_1559 : i32
      %get3A_1561 = arith.index_cast %sub3A_1560 : i32 to index
      %get3A_1562 = tpu.vector_load %arg5[%get3A_1561] {strides = array<i32>} : memref<18432xf32, #tpu.memory_space<vmem>>, vector<16xf32>,
      %get3A_1563 = vector.shape_cast %get3A_1562 : vector<16xf32> to vector<16xf32>
      %add3A_1564 = arith.constant 240 : i32
      %add3A_1565 = arith.addi %mul3A_48, %add3A_1564 : i32
      %sub3A_1566 = arith.constant 1 : i32
      %sub3A_1567 = arith.subi %add3A_1565, %sub3A_1566 : i32
      %get3A_1568 = arith.index_cast %sub3A_1567 : i32 to index
      %get3A_1569 = tpu.vector_load %arg5[%get3A_1568] {strides = array<i32>} : memref<18432xf32, #tpu.memory_space<vmem>>, vector<16xf32>,
      %get3A_1570 = vector.shape_cast %get3A_1569 : vector<16xf32> to vector<16xf32>
      %add3A_1571 = arith.constant 240 : i32
      %add3A_1572 = arith.addi %mul3A_40, %add3A_1571 : i32
      %add3A_1573 = arith.constant 1 : i32
      %add3A_1574 = arith.addi %add3A_1572, %add3A_1573 : i32
      %get3A_1575 = arith.index_cast %add3A_1574 : i32 to index
      %get3A_1576 = tpu.vector_load %arg5[%get3A_1575] {strides = array<i32>} : memref<18432xf32, #tpu.memory_space<vmem>>, vector<16xf32>,
      %get3A_1577 = vector.shape_cast %get3A_1576 : vector<16xf32> to vector<16xf32>
      %add3A_1578 = arith.constant 240 : i32
      %add3A_1579 = arith.addi %mul3A_44, %add3A_1578 : i32
      %add3A_1580 = arith.constant 1 : i32
      %add3A_1581 = arith.addi %add3A_1579, %add3A_1580 : i32
      %get3A_1582 = arith.index_cast %add3A_1581 : i32 to index
      %get3A_1583 = tpu.vector_load %arg5[%get3A_1582] {strides = array<i32>} : memref<18432xf32, #tpu.memory_space<vmem>>, vector<16xf32>,
      %get3A_1584 = vector.shape_cast %get3A_1583 : vector<16xf32> to vector<16xf32>
      %add3A_1585 = arith.constant 240 : i32
      %add3A_1586 = arith.addi %mul3A_48, %add3A_1585 : i32
      %add3A_1587 = arith.constant 1 : i32
      %add3A_1588 = arith.addi %add3A_1586, %add3A_1587 : i32
      %get3A_1589 = arith.index_cast %add3A_1588 : i32 to index
      %get3A_1590 = tpu.vector_load %arg5[%get3A_1589] {strides = array<i32>} : memref<18432xf32, #tpu.memory_space<vmem>>, vector<16xf32>,
      %get3A_1591 = vector.shape_cast %get3A_1590 : vector<16xf32> to vector<16xf32>
      %max3A_1592 = arith.maximumf %get3A_1563, %get3A_1584 : vector<16xf32>
      %max3A_1593 = arith.maximumf %get3A_1538, %get3A_1543 : vector<16xf32>
      %max3A_1594 = arith.maximumf %get3A_1577, %get3A_1570 : vector<16xf32>
      %max3A_1595 = arith.maximumf %get3A_1556, %get3A_1591 : vector<16xf32>
      %lt3A_1596 = arith.constant 0.392699093 : f32
      %lt3A_1597 = vector.broadcast %lt3A_1596 : f32 to vector<16xf32>
      %lt3A_1598 = arith.cmpf olt, %abs3A_1549, %lt3A_1597 : vector<16xf32>
      %ge3A_1599 = arith.constant 2.7488935 : f32
      %ge3A_1600 = vector.broadcast %ge3A_1599 : f32 to vector<16xf32>
      %ge3A_1601 = arith.cmpf oge, %abs3A_1549, %ge3A_1600 : vector<16xf32>
      %or3A_1602 = arith.ori %lt3A_1598, %ge3A_1601 : vector<16xi1>
      %lt3A_1603 = arith.constant 1.17809725 : f32
      %lt3A_1604 = vector.broadcast %lt3A_1603 : f32 to vector<16xf32>
      %lt3A_1605 = arith.cmpf olt, %abs3A_1549, %lt3A_1604 : vector<16xf32>
      %lt3A_1606 = arith.constant 1.96349537 : f32
      %lt3A_1607 = vector.broadcast %lt3A_1606 : f32 to vector<16xf32>
      %lt3A_1608 = arith.cmpf olt, %abs3A_1549, %lt3A_1607 : vector<16xf32>
      %select_n3A_1609 = arith.select %lt3A_1608, %max3A_1593, %max3A_1595 : vector<16xi1>, vector<16xf32>
      %select_n3A_1610 = arith.select %lt3A_1605, %max3A_1594, %select_n3A_1609 : vector<16xi1>, vector<16xf32>
      %select_n3A_1611 = arith.select %or3A_1602, %max3A_1592, %select_n3A_1610 : vector<16xi1>, vector<16xf32>
      %ge3A_1612 = arith.cmpf oge, %get3A_1533, %select_n3A_1611 : vector<16xf32>
      %le3A_1613 = arith.constant 3.14159274 : f32
      %le3A_1614 = vector.broadcast %le3A_1613 : f32 to vector<16xf32>
      %le3A_1615 = arith.cmpf ole, %abs3A_1549, %le3A_1614 : vector<16xf32>
      %and3A_1616 = arith.andi %ge3A_1612, %le3A_1615 : vector<16xi1>
      %broadcast_in_dim3A_1617 = arith.constant 0.000000e+00 : f32
      %broadcast_in_dim3A_1618 = vector.broadcast %broadcast_in_dim3A_1617 : f32 to vector<16xf32>
      %select_n3A_1619 = arith.select %and3A_1616, %get3A_1533, %broadcast_in_dim3A_1618 : vector<16xi1>, vector<16xf32>
      %mul3A_1620 = arith.constant 512 : i32
      %mul3A_1621 = arith.muli %scan3A_36, %mul3A_1620 : i32
      %add3A_1622 = arith.constant 240 : i32
      %add3A_1623 = arith.addi %mul3A_1621, %add3A_1622 : i32
      %swap3A_1624 = arith.index_cast %add3A_1623 : i32 to index
      %swap3A_1625 = tpu.vector_load %arg7[%swap3A_1624] {strides = array<i32>} : memref<16384xf32, #tpu.memory_space<vmem>>, vector<16xf32>,
      %swap3A_1626 = vector.shape_cast %swap3A_1625 : vector<16xf32> to vector<16xf32>
      %swap3A_1627 = vector.shape_cast %select_n3A_1619 : vector<16xf32> to vector<16xf32>
      tpu.vector_store %arg7[%swap3A_1624], %swap3A_1627 {strides = array<i32>} : memref<16384xf32, #tpu.memory_space<vmem>>, vector<16xf32>,
      %add3A_1628 = arith.constant 256 : i32
      %add3A_1629 = arith.addi %mul3A_44, %add3A_1628 : i32
      %get3A_1630 = arith.index_cast %add3A_1629 : i32 to index
      %get3A_1631 = tpu.vector_load %arg5[%get3A_1630] {strides = array<i32>} : memref<18432xf32, #tpu.memory_space<vmem>>, vector<16xf32>,
      %get3A_1632 = vector.shape_cast %get3A_1631 : vector<16xf32> to vector<16xf32>
      %add3A_1633 = arith.constant 256 : i32
      %add3A_1634 = arith.addi %mul3A_40, %add3A_1633 : i32
      %get3A_1635 = arith.index_cast %add3A_1634 : i32 to index
      %get3A_1636 = tpu.vector_load %arg5[%get3A_1635] {strides = array<i32>} : memref<18432xf32, #tpu.memory_space<vmem>>, vector<16xf32>,
      %get3A_1637 = vector.shape_cast %get3A_1636 : vector<16xf32> to vector<16xf32>
      %add3A_1638 = arith.constant 256 : i32
      %add3A_1639 = arith.addi %mul3A_48, %add3A_1638 : i32
      %get3A_1640 = arith.index_cast %add3A_1639 : i32 to index
      %get3A_1641 = tpu.vector_load %arg5[%get3A_1640] {strides = array<i32>} : memref<18432xf32, #tpu.memory_space<vmem>>, vector<16xf32>,
      %get3A_1642 = vector.shape_cast %get3A_1641 : vector<16xf32> to vector<16xf32>
      %add3A_1643 = arith.constant 256 : i32
      %add3A_1644 = arith.addi %mul3A_50, %add3A_1643 : i32
      %get3A_1645 = arith.index_cast %add3A_1644 : i32 to index
      %get3A_1646 = tpu.vector_load %arg6[%get3A_1645] {strides = array<i32>} : memref<16384xf32, #tpu.memory_space<vmem>>, vector<16xf32>,
      %get3A_1647 = vector.shape_cast %get3A_1646 : vector<16xf32> to vector<16xf32>
      %abs3A_1648 = math.absf %get3A_1647 : vector<16xf32>
      %add3A_1649 = arith.constant 256 : i32
      %add3A_1650 = arith.addi %mul3A_40, %add3A_1649 : i32
      %sub3A_1651 = arith.constant 1 : i32
      %sub3A_1652 = arith.subi %add3A_1650, %sub3A_1651 : i32
      %get3A_1653 = arith.index_cast %sub3A_1652 : i32 to index
      %get3A_1654 = tpu.vector_load %arg5[%get3A_1653] {strides = array<i32>} : memref<18432xf32, #tpu.memory_space<vmem>>, vector<16xf32>,
      %get3A_1655 = vector.shape_cast %get3A_1654 : vector<16xf32> to vector<16xf32>
      %add3A_1656 = arith.constant 256 : i32
      %add3A_1657 = arith.addi %mul3A_44, %add3A_1656 : i32
      %sub3A_1658 = arith.constant 1 : i32
      %sub3A_1659 = arith.subi %add3A_1657, %sub3A_1658 : i32
      %get3A_1660 = arith.index_cast %sub3A_1659 : i32 to index
      %get3A_1661 = tpu.vector_load %arg5[%get3A_1660] {strides = array<i32>} : memref<18432xf32, #tpu.memory_space<vmem>>, vector<16xf32>,
      %get3A_1662 = vector.shape_cast %get3A_1661 : vector<16xf32> to vector<16xf32>
      %add3A_1663 = arith.constant 256 : i32
      %add3A_1664 = arith.addi %mul3A_48, %add3A_1663 : i32
      %sub3A_1665 = arith.constant 1 : i32
      %sub3A_1666 = arith.subi %add3A_1664, %sub3A_1665 : i32
      %get3A_1667 = arith.index_cast %sub3A_1666 : i32 to index
      %get3A_1668 = tpu.vector_load %arg5[%get3A_1667] {strides = array<i32>} : memref<18432xf32, #tpu.memory_space<vmem>>, vector<16xf32>,
      %get3A_1669 = vector.shape_cast %get3A_1668 : vector<16xf32> to vector<16xf32>
      %add3A_1670 = arith.constant 256 : i32
      %add3A_1671 = arith.addi %mul3A_40, %add3A_1670 : i32
      %add3A_1672 = arith.constant 1 : i32
      %add3A_1673 = arith.addi %add3A_1671, %add3A_1672 : i32
      %get3A_1674 = arith.index_cast %add3A_1673 : i32 to index
      %get3A_1675 = tpu.vector_load %arg5[%get3A_1674] {strides = array<i32>} : memref<18432xf32, #tpu.memory_space<vmem>>, vector<16xf32>,
      %get3A_1676 = vector.shape_cast %get3A_1675 : vector<16xf32> to vector<16xf32>
      %add3A_1677 = arith.constant 256 : i32
      %add3A_1678 = arith.addi %mul3A_44, %add3A_1677 : i32
      %add3A_1679 = arith.constant 1 : i32
      %add3A_1680 = arith.addi %add3A_1678, %add3A_1679 : i32
      %get3A_1681 = arith.index_cast %add3A_1680 : i32 to index
      %get3A_1682 = tpu.vector_load %arg5[%get3A_1681] {strides = array<i32>} : memref<18432xf32, #tpu.memory_space<vmem>>, vector<16xf32>,
      %get3A_1683 = vector.shape_cast %get3A_1682 : vector<16xf32> to vector<16xf32>
      %add3A_1684 = arith.constant 256 : i32
      %add3A_1685 = arith.addi %mul3A_48, %add3A_1684 : i32
      %add3A_1686 = arith.constant 1 : i32
      %add3A_1687 = arith.addi %add3A_1685, %add3A_1686 : i32
      %get3A_1688 = arith.index_cast %add3A_1687 : i32 to index
      %get3A_1689 = tpu.vector_load %arg5[%get3A_1688] {strides = array<i32>} : memref<18432xf32, #tpu.memory_space<vmem>>, vector<16xf32>,
      %get3A_1690 = vector.shape_cast %get3A_1689 : vector<16xf32> to vector<16xf32>
      %max3A_1691 = arith.maximumf %get3A_1662, %get3A_1683 : vector<16xf32>
      %max3A_1692 = arith.maximumf %get3A_1637, %get3A_1642 : vector<16xf32>
      %max3A_1693 = arith.maximumf %get3A_1676, %get3A_1669 : vector<16xf32>
      %max3A_1694 = arith.maximumf %get3A_1655, %get3A_1690 : vector<16xf32>
      %lt3A_1695 = arith.constant 0.392699093 : f32
      %lt3A_1696 = vector.broadcast %lt3A_1695 : f32 to vector<16xf32>
      %lt3A_1697 = arith.cmpf olt, %abs3A_1648, %lt3A_1696 : vector<16xf32>
      %ge3A_1698 = arith.constant 2.7488935 : f32
      %ge3A_1699 = vector.broadcast %ge3A_1698 : f32 to vector<16xf32>
      %ge3A_1700 = arith.cmpf oge, %abs3A_1648, %ge3A_1699 : vector<16xf32>
      %or3A_1701 = arith.ori %lt3A_1697, %ge3A_1700 : vector<16xi1>
      %lt3A_1702 = arith.constant 1.17809725 : f32
      %lt3A_1703 = vector.broadcast %lt3A_1702 : f32 to vector<16xf32>
      %lt3A_1704 = arith.cmpf olt, %abs3A_1648, %lt3A_1703 : vector<16xf32>
      %lt3A_1705 = arith.constant 1.96349537 : f32
      %lt3A_1706 = vector.broadcast %lt3A_1705 : f32 to vector<16xf32>
      %lt3A_1707 = arith.cmpf olt, %abs3A_1648, %lt3A_1706 : vector<16xf32>
      %select_n3A_1708 = arith.select %lt3A_1707, %max3A_1692, %max3A_1694 : vector<16xi1>, vector<16xf32>
      %select_n3A_1709 = arith.select %lt3A_1704, %max3A_1693, %select_n3A_1708 : vector<16xi1>, vector<16xf32>
      %select_n3A_1710 = arith.select %or3A_1701, %max3A_1691, %select_n3A_1709 : vector<16xi1>, vector<16xf32>
      %ge3A_1711 = arith.cmpf oge, %get3A_1632, %select_n3A_1710 : vector<16xf32>
      %le3A_1712 = arith.constant 3.14159274 : f32
      %le3A_1713 = vector.broadcast %le3A_1712 : f32 to vector<16xf32>
      %le3A_1714 = arith.cmpf ole, %abs3A_1648, %le3A_1713 : vector<16xf32>
      %and3A_1715 = arith.andi %ge3A_1711, %le3A_1714 : vector<16xi1>
      %broadcast_in_dim3A_1716 = arith.constant 0.000000e+00 : f32
      %broadcast_in_dim3A_1717 = vector.broadcast %broadcast_in_dim3A_1716 : f32 to vector<16xf32>
      %select_n3A_1718 = arith.select %and3A_1715, %get3A_1632, %broadcast_in_dim3A_1717 : vector<16xi1>, vector<16xf32>
      %mul3A_1719 = arith.constant 512 : i32
      %mul3A_1720 = arith.muli %scan3A_36, %mul3A_1719 : i32
      %add3A_1721 = arith.constant 256 : i32
      %add3A_1722 = arith.addi %mul3A_1720, %add3A_1721 : i32
      %swap3A_1723 = arith.index_cast %add3A_1722 : i32 to index
      %swap3A_1724 = tpu.vector_load %arg7[%swap3A_1723] {strides = array<i32>} : memref<16384xf32, #tpu.memory_space<vmem>>, vector<16xf32>,
      %swap3A_1725 = vector.shape_cast %swap3A_1724 : vector<16xf32> to vector<16xf32>
      %swap3A_1726 = vector.shape_cast %select_n3A_1718 : vector<16xf32> to vector<16xf32>
      tpu.vector_store %arg7[%swap3A_1723], %swap3A_1726 {strides = array<i32>} : memref<16384xf32, #tpu.memory_space<vmem>>, vector<16xf32>,
      %add3A_1727 = arith.constant 272 : i32
      %add3A_1728 = arith.addi %mul3A_44, %add3A_1727 : i32
      %get3A_1729 = arith.index_cast %add3A_1728 : i32 to index
      %get3A_1730 = tpu.vector_load %arg5[%get3A_1729] {strides = array<i32>} : memref<18432xf32, #tpu.memory_space<vmem>>, vector<16xf32>,
      %get3A_1731 = vector.shape_cast %get3A_1730 : vector<16xf32> to vector<16xf32>
      %add3A_1732 = arith.constant 272 : i32
      %add3A_1733 = arith.addi %mul3A_40, %add3A_1732 : i32
      %get3A_1734 = arith.index_cast %add3A_1733 : i32 to index
      %get3A_1735 = tpu.vector_load %arg5[%get3A_1734] {strides = array<i32>} : memref<18432xf32, #tpu.memory_space<vmem>>, vector<16xf32>,
      %get3A_1736 = vector.shape_cast %get3A_1735 : vector<16xf32> to vector<16xf32>
      %add3A_1737 = arith.constant 272 : i32
      %add3A_1738 = arith.addi %mul3A_48, %add3A_1737 : i32
      %get3A_1739 = arith.index_cast %add3A_1738 : i32 to index
      %get3A_1740 = tpu.vector_load %arg5[%get3A_1739] {strides = array<i32>} : memref<18432xf32, #tpu.memory_space<vmem>>, vector<16xf32>,
      %get3A_1741 = vector.shape_cast %get3A_1740 : vector<16xf32> to vector<16xf32>
      %add3A_1742 = arith.constant 272 : i32
      %add3A_1743 = arith.addi %mul3A_50, %add3A_1742 : i32
      %get3A_1744 = arith.index_cast %add3A_1743 : i32 to index
      %get3A_1745 = tpu.vector_load %arg6[%get3A_1744] {strides = array<i32>} : memref<16384xf32, #tpu.memory_space<vmem>>, vector<16xf32>,
      %get3A_1746 = vector.shape_cast %get3A_1745 : vector<16xf32> to vector<16xf32>
      %abs3A_1747 = math.absf %get3A_1746 : vector<16xf32>
      %add3A_1748 = arith.constant 272 : i32
      %add3A_1749 = arith.addi %mul3A_40, %add3A_1748 : i32
      %sub3A_1750 = arith.constant 1 : i32
      %sub3A_1751 = arith.subi %add3A_1749, %sub3A_1750 : i32
      %get3A_1752 = arith.index_cast %sub3A_1751 : i32 to index
      %get3A_1753 = tpu.vector_load %arg5[%get3A_1752] {strides = array<i32>} : memref<18432xf32, #tpu.memory_space<vmem>>, vector<16xf32>,
      %get3A_1754 = vector.shape_cast %get3A_1753 : vector<16xf32> to vector<16xf32>
      %add3A_1755 = arith.constant 272 : i32
      %add3A_1756 = arith.addi %mul3A_44, %add3A_1755 : i32
      %sub3A_1757 = arith.constant 1 : i32
      %sub3A_1758 = arith.subi %add3A_1756, %sub3A_1757 : i32
      %get3A_1759 = arith.index_cast %sub3A_1758 : i32 to index
      %get3A_1760 = tpu.vector_load %arg5[%get3A_1759] {strides = array<i32>} : memref<18432xf32, #tpu.memory_space<vmem>>, vector<16xf32>,
      %get3A_1761 = vector.shape_cast %get3A_1760 : vector<16xf32> to vector<16xf32>
      %add3A_1762 = arith.constant 272 : i32
      %add3A_1763 = arith.addi %mul3A_48, %add3A_1762 : i32
      %sub3A_1764 = arith.constant 1 : i32
      %sub3A_1765 = arith.subi %add3A_1763, %sub3A_1764 : i32
      %get3A_1766 = arith.index_cast %sub3A_1765 : i32 to index
      %get3A_1767 = tpu.vector_load %arg5[%get3A_1766] {strides = array<i32>} : memref<18432xf32, #tpu.memory_space<vmem>>, vector<16xf32>,
      %get3A_1768 = vector.shape_cast %get3A_1767 : vector<16xf32> to vector<16xf32>
      %add3A_1769 = arith.constant 272 : i32
      %add3A_1770 = arith.addi %mul3A_40, %add3A_1769 : i32
      %add3A_1771 = arith.constant 1 : i32
      %add3A_1772 = arith.addi %add3A_1770, %add3A_1771 : i32
      %get3A_1773 = arith.index_cast %add3A_1772 : i32 to index
      %get3A_1774 = tpu.vector_load %arg5[%get3A_1773] {strides = array<i32>} : memref<18432xf32, #tpu.memory_space<vmem>>, vector<16xf32>,
      %get3A_1775 = vector.shape_cast %get3A_1774 : vector<16xf32> to vector<16xf32>
      %add3A_1776 = arith.constant 272 : i32
      %add3A_1777 = arith.addi %mul3A_44, %add3A_1776 : i32
      %add3A_1778 = arith.constant 1 : i32
      %add3A_1779 = arith.addi %add3A_1777, %add3A_1778 : i32
      %get3A_1780 = arith.index_cast %add3A_1779 : i32 to index
      %get3A_1781 = tpu.vector_load %arg5[%get3A_1780] {strides = array<i32>} : memref<18432xf32, #tpu.memory_space<vmem>>, vector<16xf32>,
      %get3A_1782 = vector.shape_cast %get3A_1781 : vector<16xf32> to vector<16xf32>
      %add3A_1783 = arith.constant 272 : i32
      %add3A_1784 = arith.addi %mul3A_48, %add3A_1783 : i32
      %add3A_1785 = arith.constant 1 : i32
      %add3A_1786 = arith.addi %add3A_1784, %add3A_1785 : i32
      %get3A_1787 = arith.index_cast %add3A_1786 : i32 to index
      %get3A_1788 = tpu.vector_load %arg5[%get3A_1787] {strides = array<i32>} : memref<18432xf32, #tpu.memory_space<vmem>>, vector<16xf32>,
      %get3A_1789 = vector.shape_cast %get3A_1788 : vector<16xf32> to vector<16xf32>
      %max3A_1790 = arith.maximumf %get3A_1761, %get3A_1782 : vector<16xf32>
      %max3A_1791 = arith.maximumf %get3A_1736, %get3A_1741 : vector<16xf32>
      %max3A_1792 = arith.maximumf %get3A_1775, %get3A_1768 : vector<16xf32>
      %max3A_1793 = arith.maximumf %get3A_1754, %get3A_1789 : vector<16xf32>
      %lt3A_1794 = arith.constant 0.392699093 : f32
      %lt3A_1795 = vector.broadcast %lt3A_1794 : f32 to vector<16xf32>
      %lt3A_1796 = arith.cmpf olt, %abs3A_1747, %lt3A_1795 : vector<16xf32>
      %ge3A_1797 = arith.constant 2.7488935 : f32
      %ge3A_1798 = vector.broadcast %ge3A_1797 : f32 to vector<16xf32>
      %ge3A_1799 = arith.cmpf oge, %abs3A_1747, %ge3A_1798 : vector<16xf32>
      %or3A_1800 = arith.ori %lt3A_1796, %ge3A_1799 : vector<16xi1>
      %lt3A_1801 = arith.constant 1.17809725 : f32
      %lt3A_1802 = vector.broadcast %lt3A_1801 : f32 to vector<16xf32>
      %lt3A_1803 = arith.cmpf olt, %abs3A_1747, %lt3A_1802 : vector<16xf32>
      %lt3A_1804 = arith.constant 1.96349537 : f32
      %lt3A_1805 = vector.broadcast %lt3A_1804 : f32 to vector<16xf32>
      %lt3A_1806 = arith.cmpf olt, %abs3A_1747, %lt3A_1805 : vector<16xf32>
      %select_n3A_1807 = arith.select %lt3A_1806, %max3A_1791, %max3A_1793 : vector<16xi1>, vector<16xf32>
      %select_n3A_1808 = arith.select %lt3A_1803, %max3A_1792, %select_n3A_1807 : vector<16xi1>, vector<16xf32>
      %select_n3A_1809 = arith.select %or3A_1800, %max3A_1790, %select_n3A_1808 : vector<16xi1>, vector<16xf32>
      %ge3A_1810 = arith.cmpf oge, %get3A_1731, %select_n3A_1809 : vector<16xf32>
      %le3A_1811 = arith.constant 3.14159274 : f32
      %le3A_1812 = vector.broadcast %le3A_1811 : f32 to vector<16xf32>
      %le3A_1813 = arith.cmpf ole, %abs3A_1747, %le3A_1812 : vector<16xf32>
      %and3A_1814 = arith.andi %ge3A_1810, %le3A_1813 : vector<16xi1>
      %broadcast_in_dim3A_1815 = arith.constant 0.000000e+00 : f32
      %broadcast_in_dim3A_1816 = vector.broadcast %broadcast_in_dim3A_1815 : f32 to vector<16xf32>
      %select_n3A_1817 = arith.select %and3A_1814, %get3A_1731, %broadcast_in_dim3A_1816 : vector<16xi1>, vector<16xf32>
      %mul3A_1818 = arith.constant 512 : i32
      %mul3A_1819 = arith.muli %scan3A_36, %mul3A_1818 : i32
      %add3A_1820 = arith.constant 272 : i32
      %add3A_1821 = arith.addi %mul3A_1819, %add3A_1820 : i32
      %swap3A_1822 = arith.index_cast %add3A_1821 : i32 to index
      %swap3A_1823 = tpu.vector_load %arg7[%swap3A_1822] {strides = array<i32>} : memref<16384xf32, #tpu.memory_space<vmem>>, vector<16xf32>,
      %swap3A_1824 = vector.shape_cast %swap3A_1823 : vector<16xf32> to vector<16xf32>
      %swap3A_1825 = vector.shape_cast %select_n3A_1817 : vector<16xf32> to vector<16xf32>
      tpu.vector_store %arg7[%swap3A_1822], %swap3A_1825 {strides = array<i32>} : memref<16384xf32, #tpu.memory_space<vmem>>, vector<16xf32>,
      %add3A_1826 = arith.constant 288 : i32
      %add3A_1827 = arith.addi %mul3A_44, %add3A_1826 : i32
      %get3A_1828 = arith.index_cast %add3A_1827 : i32 to index
      %get3A_1829 = tpu.vector_load %arg5[%get3A_1828] {strides = array<i32>} : memref<18432xf32, #tpu.memory_space<vmem>>, vector<16xf32>,
      %get3A_1830 = vector.shape_cast %get3A_1829 : vector<16xf32> to vector<16xf32>
      %add3A_1831 = arith.constant 288 : i32
      %add3A_1832 = arith.addi %mul3A_40, %add3A_1831 : i32
      %get3A_1833 = arith.index_cast %add3A_1832 : i32 to index
      %get3A_1834 = tpu.vector_load %arg5[%get3A_1833] {strides = array<i32>} : memref<18432xf32, #tpu.memory_space<vmem>>, vector<16xf32>,
      %get3A_1835 = vector.shape_cast %get3A_1834 : vector<16xf32> to vector<16xf32>
      %add3A_1836 = arith.constant 288 : i32
      %add3A_1837 = arith.addi %mul3A_48, %add3A_1836 : i32
      %get3A_1838 = arith.index_cast %add3A_1837 : i32 to index
      %get3A_1839 = tpu.vector_load %arg5[%get3A_1838] {strides = array<i32>} : memref<18432xf32, #tpu.memory_space<vmem>>, vector<16xf32>,
      %get3A_1840 = vector.shape_cast %get3A_1839 : vector<16xf32> to vector<16xf32>
      %add3A_1841 = arith.constant 288 : i32
      %add3A_1842 = arith.addi %mul3A_50, %add3A_1841 : i32
      %get3A_1843 = arith.index_cast %add3A_1842 : i32 to index
      %get3A_1844 = tpu.vector_load %arg6[%get3A_1843] {strides = array<i32>} : memref<16384xf32, #tpu.memory_space<vmem>>, vector<16xf32>,
      %get3A_1845 = vector.shape_cast %get3A_1844 : vector<16xf32> to vector<16xf32>
      %abs3A_1846 = math.absf %get3A_1845 : vector<16xf32>
      %add3A_1847 = arith.constant 288 : i32
      %add3A_1848 = arith.addi %mul3A_40, %add3A_1847 : i32
      %sub3A_1849 = arith.constant 1 : i32
      %sub3A_1850 = arith.subi %add3A_1848, %sub3A_1849 : i32
      %get3A_1851 = arith.index_cast %sub3A_1850 : i32 to index
      %get3A_1852 = tpu.vector_load %arg5[%get3A_1851] {strides = array<i32>} : memref<18432xf32, #tpu.memory_space<vmem>>, vector<16xf32>,
      %get3A_1853 = vector.shape_cast %get3A_1852 : vector<16xf32> to vector<16xf32>
      %add3A_1854 = arith.constant 288 : i32
      %add3A_1855 = arith.addi %mul3A_44, %add3A_1854 : i32
      %sub3A_1856 = arith.constant 1 : i32
      %sub3A_1857 = arith.subi %add3A_1855, %sub3A_1856 : i32
      %get3A_1858 = arith.index_cast %sub3A_1857 : i32 to index
      %get3A_1859 = tpu.vector_load %arg5[%get3A_1858] {strides = array<i32>} : memref<18432xf32, #tpu.memory_space<vmem>>, vector<16xf32>,
      %get3A_1860 = vector.shape_cast %get3A_1859 : vector<16xf32> to vector<16xf32>
      %add3A_1861 = arith.constant 288 : i32
      %add3A_1862 = arith.addi %mul3A_48, %add3A_1861 : i32
      %sub3A_1863 = arith.constant 1 : i32
      %sub3A_1864 = arith.subi %add3A_1862, %sub3A_1863 : i32
      %get3A_1865 = arith.index_cast %sub3A_1864 : i32 to index
      %get3A_1866 = tpu.vector_load %arg5[%get3A_1865] {strides = array<i32>} : memref<18432xf32, #tpu.memory_space<vmem>>, vector<16xf32>,
      %get3A_1867 = vector.shape_cast %get3A_1866 : vector<16xf32> to vector<16xf32>
      %add3A_1868 = arith.constant 288 : i32
      %add3A_1869 = arith.addi %mul3A_40, %add3A_1868 : i32
      %add3A_1870 = arith.constant 1 : i32
      %add3A_1871 = arith.addi %add3A_1869, %add3A_1870 : i32
      %get3A_1872 = arith.index_cast %add3A_1871 : i32 to index
      %get3A_1873 = tpu.vector_load %arg5[%get3A_1872] {strides = array<i32>} : memref<18432xf32, #tpu.memory_space<vmem>>, vector<16xf32>,
      %get3A_1874 = vector.shape_cast %get3A_1873 : vector<16xf32> to vector<16xf32>
      %add3A_1875 = arith.constant 288 : i32
      %add3A_1876 = arith.addi %mul3A_44, %add3A_1875 : i32
      %add3A_1877 = arith.constant 1 : i32
      %add3A_1878 = arith.addi %add3A_1876, %add3A_1877 : i32
      %get3A_1879 = arith.index_cast %add3A_1878 : i32 to index
      %get3A_1880 = tpu.vector_load %arg5[%get3A_1879] {strides = array<i32>} : memref<18432xf32, #tpu.memory_space<vmem>>, vector<16xf32>,
      %get3A_1881 = vector.shape_cast %get3A_1880 : vector<16xf32> to vector<16xf32>
      %add3A_1882 = arith.constant 288 : i32
      %add3A_1883 = arith.addi %mul3A_48, %add3A_1882 : i32
      %add3A_1884 = arith.constant 1 : i32
      %add3A_1885 = arith.addi %add3A_1883, %add3A_1884 : i32
      %get3A_1886 = arith.index_cast %add3A_1885 : i32 to index
      %get3A_1887 = tpu.vector_load %arg5[%get3A_1886] {strides = array<i32>} : memref<18432xf32, #tpu.memory_space<vmem>>, vector<16xf32>,
      %get3A_1888 = vector.shape_cast %get3A_1887 : vector<16xf32> to vector<16xf32>
      %max3A_1889 = arith.maximumf %get3A_1860, %get3A_1881 : vector<16xf32>
      %max3A_1890 = arith.maximumf %get3A_1835, %get3A_1840 : vector<16xf32>
      %max3A_1891 = arith.maximumf %get3A_1874, %get3A_1867 : vector<16xf32>
      %max3A_1892 = arith.maximumf %get3A_1853, %get3A_1888 : vector<16xf32>
      %lt3A_1893 = arith.constant 0.392699093 : f32
      %lt3A_1894 = vector.broadcast %lt3A_1893 : f32 to vector<16xf32>
      %lt3A_1895 = arith.cmpf olt, %abs3A_1846, %lt3A_1894 : vector<16xf32>
      %ge3A_1896 = arith.constant 2.7488935 : f32
      %ge3A_1897 = vector.broadcast %ge3A_1896 : f32 to vector<16xf32>
      %ge3A_1898 = arith.cmpf oge, %abs3A_1846, %ge3A_1897 : vector<16xf32>
      %or3A_1899 = arith.ori %lt3A_1895, %ge3A_1898 : vector<16xi1>
      %lt3A_1900 = arith.constant 1.17809725 : f32
      %lt3A_1901 = vector.broadcast %lt3A_1900 : f32 to vector<16xf32>
      %lt3A_1902 = arith.cmpf olt, %abs3A_1846, %lt3A_1901 : vector<16xf32>
      %lt3A_1903 = arith.constant 1.96349537 : f32
      %lt3A_1904 = vector.broadcast %lt3A_1903 : f32 to vector<16xf32>
      %lt3A_1905 = arith.cmpf olt, %abs3A_1846, %lt3A_1904 : vector<16xf32>
      %select_n3A_1906 = arith.select %lt3A_1905, %max3A_1890, %max3A_1892 : vector<16xi1>, vector<16xf32>
      %select_n3A_1907 = arith.select %lt3A_1902, %max3A_1891, %select_n3A_1906 : vector<16xi1>, vector<16xf32>
      %select_n3A_1908 = arith.select %or3A_1899, %max3A_1889, %select_n3A_1907 : vector<16xi1>, vector<16xf32>
      %ge3A_1909 = arith.cmpf oge, %get3A_1830, %select_n3A_1908 : vector<16xf32>
      %le3A_1910 = arith.constant 3.14159274 : f32
      %le3A_1911 = vector.broadcast %le3A_1910 : f32 to vector<16xf32>
      %le3A_1912 = arith.cmpf ole, %abs3A_1846, %le3A_1911 : vector<16xf32>
      %and3A_1913 = arith.andi %ge3A_1909, %le3A_1912 : vector<16xi1>
      %broadcast_in_dim3A_1914 = arith.constant 0.000000e+00 : f32
      %broadcast_in_dim3A_1915 = vector.broadcast %broadcast_in_dim3A_1914 : f32 to vector<16xf32>
      %select_n3A_1916 = arith.select %and3A_1913, %get3A_1830, %broadcast_in_dim3A_1915 : vector<16xi1>, vector<16xf32>
      %mul3A_1917 = arith.constant 512 : i32
      %mul3A_1918 = arith.muli %scan3A_36, %mul3A_1917 : i32
      %add3A_1919 = arith.constant 288 : i32
      %add3A_1920 = arith.addi %mul3A_1918, %add3A_1919 : i32
      %swap3A_1921 = arith.index_cast %add3A_1920 : i32 to index
      %swap3A_1922 = tpu.vector_load %arg7[%swap3A_1921] {strides = array<i32>} : memref<16384xf32, #tpu.memory_space<vmem>>, vector<16xf32>,
      %swap3A_1923 = vector.shape_cast %swap3A_1922 : vector<16xf32> to vector<16xf32>
      %swap3A_1924 = vector.shape_cast %select_n3A_1916 : vector<16xf32> to vector<16xf32>
      tpu.vector_store %arg7[%swap3A_1921], %swap3A_1924 {strides = array<i32>} : memref<16384xf32, #tpu.memory_space<vmem>>, vector<16xf32>,
      %add3A_1925 = arith.constant 304 : i32
      %add3A_1926 = arith.addi %mul3A_44, %add3A_1925 : i32
      %get3A_1927 = arith.index_cast %add3A_1926 : i32 to index
      %get3A_1928 = tpu.vector_load %arg5[%get3A_1927] {strides = array<i32>} : memref<18432xf32, #tpu.memory_space<vmem>>, vector<16xf32>,
      %get3A_1929 = vector.shape_cast %get3A_1928 : vector<16xf32> to vector<16xf32>
      %add3A_1930 = arith.constant 304 : i32
      %add3A_1931 = arith.addi %mul3A_40, %add3A_1930 : i32
      %get3A_1932 = arith.index_cast %add3A_1931 : i32 to index
      %get3A_1933 = tpu.vector_load %arg5[%get3A_1932] {strides = array<i32>} : memref<18432xf32, #tpu.memory_space<vmem>>, vector<16xf32>,
      %get3A_1934 = vector.shape_cast %get3A_1933 : vector<16xf32> to vector<16xf32>
      %add3A_1935 = arith.constant 304 : i32
      %add3A_1936 = arith.addi %mul3A_48, %add3A_1935 : i32
      %get3A_1937 = arith.index_cast %add3A_1936 : i32 to index
      %get3A_1938 = tpu.vector_load %arg5[%get3A_1937] {strides = array<i32>} : memref<18432xf32, #tpu.memory_space<vmem>>, vector<16xf32>,
      %get3A_1939 = vector.shape_cast %get3A_1938 : vector<16xf32> to vector<16xf32>
      %add3A_1940 = arith.constant 304 : i32
      %add3A_1941 = arith.addi %mul3A_50, %add3A_1940 : i32
      %get3A_1942 = arith.index_cast %add3A_1941 : i32 to index
      %get3A_1943 = tpu.vector_load %arg6[%get3A_1942] {strides = array<i32>} : memref<16384xf32, #tpu.memory_space<vmem>>, vector<16xf32>,
      %get3A_1944 = vector.shape_cast %get3A_1943 : vector<16xf32> to vector<16xf32>
      %abs3A_1945 = math.absf %get3A_1944 : vector<16xf32>
      %add3A_1946 = arith.constant 304 : i32
      %add3A_1947 = arith.addi %mul3A_40, %add3A_1946 : i32
      %sub3A_1948 = arith.constant 1 : i32
      %sub3A_1949 = arith.subi %add3A_1947, %sub3A_1948 : i32
      %get3A_1950 = arith.index_cast %sub3A_1949 : i32 to index
      %get3A_1951 = tpu.vector_load %arg5[%get3A_1950] {strides = array<i32>} : memref<18432xf32, #tpu.memory_space<vmem>>, vector<16xf32>,
      %get3A_1952 = vector.shape_cast %get3A_1951 : vector<16xf32> to vector<16xf32>
      %add3A_1953 = arith.constant 304 : i32
      %add3A_1954 = arith.addi %mul3A_44, %add3A_1953 : i32
      %sub3A_1955 = arith.constant 1 : i32
      %sub3A_1956 = arith.subi %add3A_1954, %sub3A_1955 : i32
      %get3A_1957 = arith.index_cast %sub3A_1956 : i32 to index
      %get3A_1958 = tpu.vector_load %arg5[%get3A_1957] {strides = array<i32>} : memref<18432xf32, #tpu.memory_space<vmem>>, vector<16xf32>,
      %get3A_1959 = vector.shape_cast %get3A_1958 : vector<16xf32> to vector<16xf32>
      %add3A_1960 = arith.constant 304 : i32
      %add3A_1961 = arith.addi %mul3A_48, %add3A_1960 : i32
      %sub3A_1962 = arith.constant 1 : i32
      %sub3A_1963 = arith.subi %add3A_1961, %sub3A_1962 : i32
      %get3A_1964 = arith.index_cast %sub3A_1963 : i32 to index
      %get3A_1965 = tpu.vector_load %arg5[%get3A_1964] {strides = array<i32>} : memref<18432xf32, #tpu.memory_space<vmem>>, vector<16xf32>,
      %get3A_1966 = vector.shape_cast %get3A_1965 : vector<16xf32> to vector<16xf32>
      %add3A_1967 = arith.constant 304 : i32
      %add3A_1968 = arith.addi %mul3A_40, %add3A_1967 : i32
      %add3A_1969 = arith.constant 1 : i32
      %add3A_1970 = arith.addi %add3A_1968, %add3A_1969 : i32
      %get3A_1971 = arith.index_cast %add3A_1970 : i32 to index
      %get3A_1972 = tpu.vector_load %arg5[%get3A_1971] {strides = array<i32>} : memref<18432xf32, #tpu.memory_space<vmem>>, vector<16xf32>,
      %get3A_1973 = vector.shape_cast %get3A_1972 : vector<16xf32> to vector<16xf32>
      %add3A_1974 = arith.constant 304 : i32
      %add3A_1975 = arith.addi %mul3A_44, %add3A_1974 : i32
      %add3A_1976 = arith.constant 1 : i32
      %add3A_1977 = arith.addi %add3A_1975, %add3A_1976 : i32
      %get3A_1978 = arith.index_cast %add3A_1977 : i32 to index
      %get3A_1979 = tpu.vector_load %arg5[%get3A_1978] {strides = array<i32>} : memref<18432xf32, #tpu.memory_space<vmem>>, vector<16xf32>,
      %get3A_1980 = vector.shape_cast %get3A_1979 : vector<16xf32> to vector<16xf32>
      %add3A_1981 = arith.constant 304 : i32
      %add3A_1982 = arith.addi %mul3A_48, %add3A_1981 : i32
      %add3A_1983 = arith.constant 1 : i32
      %add3A_1984 = arith.addi %add3A_1982, %add3A_1983 : i32
      %get3A_1985 = arith.index_cast %add3A_1984 : i32 to index
      %get3A_1986 = tpu.vector_load %arg5[%get3A_1985] {strides = array<i32>} : memref<18432xf32, #tpu.memory_space<vmem>>, vector<16xf32>,
      %get3A_1987 = vector.shape_cast %get3A_1986 : vector<16xf32> to vector<16xf32>
      %max3A_1988 = arith.maximumf %get3A_1959, %get3A_1980 : vector<16xf32>
      %max3A_1989 = arith.maximumf %get3A_1934, %get3A_1939 : vector<16xf32>
      %max3A_1990 = arith.maximumf %get3A_1973, %get3A_1966 : vector<16xf32>
      %max3A_1991 = arith.maximumf %get3A_1952, %get3A_1987 : vector<16xf32>
      %lt3A_1992 = arith.constant 0.392699093 : f32
      %lt3A_1993 = vector.broadcast %lt3A_1992 : f32 to vector<16xf32>
      %lt3A_1994 = arith.cmpf olt, %abs3A_1945, %lt3A_1993 : vector<16xf32>
      %ge3A_1995 = arith.constant 2.7488935 : f32
      %ge3A_1996 = vector.broadcast %ge3A_1995 : f32 to vector<16xf32>
      %ge3A_1997 = arith.cmpf oge, %abs3A_1945, %ge3A_1996 : vector<16xf32>
      %or3A_1998 = arith.ori %lt3A_1994, %ge3A_1997 : vector<16xi1>
      %lt3A_1999 = arith.constant 1.17809725 : f32
      %lt3A_2000 = vector.broadcast %lt3A_1999 : f32 to vector<16xf32>
      %lt3A_2001 = arith.cmpf olt, %abs3A_1945, %lt3A_2000 : vector<16xf32>
      %lt3A_2002 = arith.constant 1.96349537 : f32
      %lt3A_2003 = vector.broadcast %lt3A_2002 : f32 to vector<16xf32>
      %lt3A_2004 = arith.cmpf olt, %abs3A_1945, %lt3A_2003 : vector<16xf32>
      %select_n3A_2005 = arith.select %lt3A_2004, %max3A_1989, %max3A_1991 : vector<16xi1>, vector<16xf32>
      %select_n3A_2006 = arith.select %lt3A_2001, %max3A_1990, %select_n3A_2005 : vector<16xi1>, vector<16xf32>
      %select_n3A_2007 = arith.select %or3A_1998, %max3A_1988, %select_n3A_2006 : vector<16xi1>, vector<16xf32>
      %ge3A_2008 = arith.cmpf oge, %get3A_1929, %select_n3A_2007 : vector<16xf32>
      %le3A_2009 = arith.constant 3.14159274 : f32
      %le3A_2010 = vector.broadcast %le3A_2009 : f32 to vector<16xf32>
      %le3A_2011 = arith.cmpf ole, %abs3A_1945, %le3A_2010 : vector<16xf32>
      %and3A_2012 = arith.andi %ge3A_2008, %le3A_2011 : vector<16xi1>
      %broadcast_in_dim3A_2013 = arith.constant 0.000000e+00 : f32
      %broadcast_in_dim3A_2014 = vector.broadcast %broadcast_in_dim3A_2013 : f32 to vector<16xf32>
      %select_n3A_2015 = arith.select %and3A_2012, %get3A_1929, %broadcast_in_dim3A_2014 : vector<16xi1>, vector<16xf32>
      %mul3A_2016 = arith.constant 512 : i32
      %mul3A_2017 = arith.muli %scan3A_36, %mul3A_2016 : i32
      %add3A_2018 = arith.constant 304 : i32
      %add3A_2019 = arith.addi %mul3A_2017, %add3A_2018 : i32
      %swap3A_2020 = arith.index_cast %add3A_2019 : i32 to index
      %swap3A_2021 = tpu.vector_load %arg7[%swap3A_2020] {strides = array<i32>} : memref<16384xf32, #tpu.memory_space<vmem>>, vector<16xf32>,
      %swap3A_2022 = vector.shape_cast %swap3A_2021 : vector<16xf32> to vector<16xf32>
      %swap3A_2023 = vector.shape_cast %select_n3A_2015 : vector<16xf32> to vector<16xf32>
      tpu.vector_store %arg7[%swap3A_2020], %swap3A_2023 {strides = array<i32>} : memref<16384xf32, #tpu.memory_space<vmem>>, vector<16xf32>,
      %add3A_2024 = arith.constant 320 : i32
      %add3A_2025 = arith.addi %mul3A_44, %add3A_2024 : i32
      %get3A_2026 = arith.index_cast %add3A_2025 : i32 to index
      %get3A_2027 = tpu.vector_load %arg5[%get3A_2026] {strides = array<i32>} : memref<18432xf32, #tpu.memory_space<vmem>>, vector<16xf32>,
      %get3A_2028 = vector.shape_cast %get3A_2027 : vector<16xf32> to vector<16xf32>
      %add3A_2029 = arith.constant 320 : i32
      %add3A_2030 = arith.addi %mul3A_40, %add3A_2029 : i32
      %get3A_2031 = arith.index_cast %add3A_2030 : i32 to index
      %get3A_2032 = tpu.vector_load %arg5[%get3A_2031] {strides = array<i32>} : memref<18432xf32, #tpu.memory_space<vmem>>, vector<16xf32>,
      %get3A_2033 = vector.shape_cast %get3A_2032 : vector<16xf32> to vector<16xf32>
      %add3A_2034 = arith.constant 320 : i32
      %add3A_2035 = arith.addi %mul3A_48, %add3A_2034 : i32
      %get3A_2036 = arith.index_cast %add3A_2035 : i32 to index
      %get3A_2037 = tpu.vector_load %arg5[%get3A_2036] {strides = array<i32>} : memref<18432xf32, #tpu.memory_space<vmem>>, vector<16xf32>,
      %get3A_2038 = vector.shape_cast %get3A_2037 : vector<16xf32> to vector<16xf32>
      %add3A_2039 = arith.constant 320 : i32
      %add3A_2040 = arith.addi %mul3A_50, %add3A_2039 : i32
      %get3A_2041 = arith.index_cast %add3A_2040 : i32 to index
      %get3A_2042 = tpu.vector_load %arg6[%get3A_2041] {strides = array<i32>} : memref<16384xf32, #tpu.memory_space<vmem>>, vector<16xf32>,
      %get3A_2043 = vector.shape_cast %get3A_2042 : vector<16xf32> to vector<16xf32>
      %abs3A_2044 = math.absf %get3A_2043 : vector<16xf32>
      %add3A_2045 = arith.constant 320 : i32
      %add3A_2046 = arith.addi %mul3A_40, %add3A_2045 : i32
      %sub3A_2047 = arith.constant 1 : i32
      %sub3A_2048 = arith.subi %add3A_2046, %sub3A_2047 : i32
      %get3A_2049 = arith.index_cast %sub3A_2048 : i32 to index
      %get3A_2050 = tpu.vector_load %arg5[%get3A_2049] {strides = array<i32>} : memref<18432xf32, #tpu.memory_space<vmem>>, vector<16xf32>,
      %get3A_2051 = vector.shape_cast %get3A_2050 : vector<16xf32> to vector<16xf32>
      %add3A_2052 = arith.constant 320 : i32
      %add3A_2053 = arith.addi %mul3A_44, %add3A_2052 : i32
      %sub3A_2054 = arith.constant 1 : i32
      %sub3A_2055 = arith.subi %add3A_2053, %sub3A_2054 : i32
      %get3A_2056 = arith.index_cast %sub3A_2055 : i32 to index
      %get3A_2057 = tpu.vector_load %arg5[%get3A_2056] {strides = array<i32>} : memref<18432xf32, #tpu.memory_space<vmem>>, vector<16xf32>,
      %get3A_2058 = vector.shape_cast %get3A_2057 : vector<16xf32> to vector<16xf32>
      %add3A_2059 = arith.constant 320 : i32
      %add3A_2060 = arith.addi %mul3A_48, %add3A_2059 : i32
      %sub3A_2061 = arith.constant 1 : i32
      %sub3A_2062 = arith.subi %add3A_2060, %sub3A_2061 : i32
      %get3A_2063 = arith.index_cast %sub3A_2062 : i32 to index
      %get3A_2064 = tpu.vector_load %arg5[%get3A_2063] {strides = array<i32>} : memref<18432xf32, #tpu.memory_space<vmem>>, vector<16xf32>,
      %get3A_2065 = vector.shape_cast %get3A_2064 : vector<16xf32> to vector<16xf32>
      %add3A_2066 = arith.constant 320 : i32
      %add3A_2067 = arith.addi %mul3A_40, %add3A_2066 : i32
      %add3A_2068 = arith.constant 1 : i32
      %add3A_2069 = arith.addi %add3A_2067, %add3A_2068 : i32
      %get3A_2070 = arith.index_cast %add3A_2069 : i32 to index
      %get3A_2071 = tpu.vector_load %arg5[%get3A_2070] {strides = array<i32>} : memref<18432xf32, #tpu.memory_space<vmem>>, vector<16xf32>,
      %get3A_2072 = vector.shape_cast %get3A_2071 : vector<16xf32> to vector<16xf32>
      %add3A_2073 = arith.constant 320 : i32
      %add3A_2074 = arith.addi %mul3A_44, %add3A_2073 : i32
      %add3A_2075 = arith.constant 1 : i32
      %add3A_2076 = arith.addi %add3A_2074, %add3A_2075 : i32
      %get3A_2077 = arith.index_cast %add3A_2076 : i32 to index
      %get3A_2078 = tpu.vector_load %arg5[%get3A_2077] {strides = array<i32>} : memref<18432xf32, #tpu.memory_space<vmem>>, vector<16xf32>,
      %get3A_2079 = vector.shape_cast %get3A_2078 : vector<16xf32> to vector<16xf32>
      %add3A_2080 = arith.constant 320 : i32
      %add3A_2081 = arith.addi %mul3A_48, %add3A_2080 : i32
      %add3A_2082 = arith.constant 1 : i32
      %add3A_2083 = arith.addi %add3A_2081, %add3A_2082 : i32
      %get3A_2084 = arith.index_cast %add3A_2083 : i32 to index
      %get3A_2085 = tpu.vector_load %arg5[%get3A_2084] {strides = array<i32>} : memref<18432xf32, #tpu.memory_space<vmem>>, vector<16xf32>,
      %get3A_2086 = vector.shape_cast %get3A_2085 : vector<16xf32> to vector<16xf32>
      %max3A_2087 = arith.maximumf %get3A_2058, %get3A_2079 : vector<16xf32>
      %max3A_2088 = arith.maximumf %get3A_2033, %get3A_2038 : vector<16xf32>
      %max3A_2089 = arith.maximumf %get3A_2072, %get3A_2065 : vector<16xf32>
      %max3A_2090 = arith.maximumf %get3A_2051, %get3A_2086 : vector<16xf32>
      %lt3A_2091 = arith.constant 0.392699093 : f32
      %lt3A_2092 = vector.broadcast %lt3A_2091 : f32 to vector<16xf32>
      %lt3A_2093 = arith.cmpf olt, %abs3A_2044, %lt3A_2092 : vector<16xf32>
      %ge3A_2094 = arith.constant 2.7488935 : f32
      %ge3A_2095 = vector.broadcast %ge3A_2094 : f32 to vector<16xf32>
      %ge3A_2096 = arith.cmpf oge, %abs3A_2044, %ge3A_2095 : vector<16xf32>
      %or3A_2097 = arith.ori %lt3A_2093, %ge3A_2096 : vector<16xi1>
      %lt3A_2098 = arith.constant 1.17809725 : f32
      %lt3A_2099 = vector.broadcast %lt3A_2098 : f32 to vector<16xf32>
      %lt3A_2100 = arith.cmpf olt, %abs3A_2044, %lt3A_2099 : vector<16xf32>
      %lt3A_2101 = arith.constant 1.96349537 : f32
      %lt3A_2102 = vector.broadcast %lt3A_2101 : f32 to vector<16xf32>
      %lt3A_2103 = arith.cmpf olt, %abs3A_2044, %lt3A_2102 : vector<16xf32>
      %select_n3A_2104 = arith.select %lt3A_2103, %max3A_2088, %max3A_2090 : vector<16xi1>, vector<16xf32>
      %select_n3A_2105 = arith.select %lt3A_2100, %max3A_2089, %select_n3A_2104 : vector<16xi1>, vector<16xf32>
      %select_n3A_2106 = arith.select %or3A_2097, %max3A_2087, %select_n3A_2105 : vector<16xi1>, vector<16xf32>
      %ge3A_2107 = arith.cmpf oge, %get3A_2028, %select_n3A_2106 : vector<16xf32>
      %le3A_2108 = arith.constant 3.14159274 : f32
      %le3A_2109 = vector.broadcast %le3A_2108 : f32 to vector<16xf32>
      %le3A_2110 = arith.cmpf ole, %abs3A_2044, %le3A_2109 : vector<16xf32>
      %and3A_2111 = arith.andi %ge3A_2107, %le3A_2110 : vector<16xi1>
      %broadcast_in_dim3A_2112 = arith.constant 0.000000e+00 : f32
      %broadcast_in_dim3A_2113 = vector.broadcast %broadcast_in_dim3A_2112 : f32 to vector<16xf32>
      %select_n3A_2114 = arith.select %and3A_2111, %get3A_2028, %broadcast_in_dim3A_2113 : vector<16xi1>, vector<16xf32>
      %mul3A_2115 = arith.constant 512 : i32
      %mul3A_2116 = arith.muli %scan3A_36, %mul3A_2115 : i32
      %add3A_2117 = arith.constant 320 : i32
      %add3A_2118 = arith.addi %mul3A_2116, %add3A_2117 : i32
      %swap3A_2119 = arith.index_cast %add3A_2118 : i32 to index
      %swap3A_2120 = tpu.vector_load %arg7[%swap3A_2119] {strides = array<i32>} : memref<16384xf32, #tpu.memory_space<vmem>>, vector<16xf32>,
      %swap3A_2121 = vector.shape_cast %swap3A_2120 : vector<16xf32> to vector<16xf32>
      %swap3A_2122 = vector.shape_cast %select_n3A_2114 : vector<16xf32> to vector<16xf32>
      tpu.vector_store %arg7[%swap3A_2119], %swap3A_2122 {strides = array<i32>} : memref<16384xf32, #tpu.memory_space<vmem>>, vector<16xf32>,
      %add3A_2123 = arith.constant 336 : i32
      %add3A_2124 = arith.addi %mul3A_44, %add3A_2123 : i32
      %get3A_2125 = arith.index_cast %add3A_2124 : i32 to index
      %get3A_2126 = tpu.vector_load %arg5[%get3A_2125] {strides = array<i32>} : memref<18432xf32, #tpu.memory_space<vmem>>, vector<16xf32>,
      %get3A_2127 = vector.shape_cast %get3A_2126 : vector<16xf32> to vector<16xf32>
      %add3A_2128 = arith.constant 336 : i32
      %add3A_2129 = arith.addi %mul3A_40, %add3A_2128 : i32
      %get3A_2130 = arith.index_cast %add3A_2129 : i32 to index
      %get3A_2131 = tpu.vector_load %arg5[%get3A_2130] {strides = array<i32>} : memref<18432xf32, #tpu.memory_space<vmem>>, vector<16xf32>,
      %get3A_2132 = vector.shape_cast %get3A_2131 : vector<16xf32> to vector<16xf32>
      %add3A_2133 = arith.constant 336 : i32
      %add3A_2134 = arith.addi %mul3A_48, %add3A_2133 : i32
      %get3A_2135 = arith.index_cast %add3A_2134 : i32 to index
      %get3A_2136 = tpu.vector_load %arg5[%get3A_2135] {strides = array<i32>} : memref<18432xf32, #tpu.memory_space<vmem>>, vector<16xf32>,
      %get3A_2137 = vector.shape_cast %get3A_2136 : vector<16xf32> to vector<16xf32>
      %add3A_2138 = arith.constant 336 : i32
      %add3A_2139 = arith.addi %mul3A_50, %add3A_2138 : i32
      %get3A_2140 = arith.index_cast %add3A_2139 : i32 to index
      %get3A_2141 = tpu.vector_load %arg6[%get3A_2140] {strides = array<i32>} : memref<16384xf32, #tpu.memory_space<vmem>>, vector<16xf32>,
      %get3A_2142 = vector.shape_cast %get3A_2141 : vector<16xf32> to vector<16xf32>
      %abs3A_2143 = math.absf %get3A_2142 : vector<16xf32>
      %add3A_2144 = arith.constant 336 : i32
      %add3A_2145 = arith.addi %mul3A_40, %add3A_2144 : i32
      %sub3A_2146 = arith.constant 1 : i32
      %sub3A_2147 = arith.subi %add3A_2145, %sub3A_2146 : i32
      %get3A_2148 = arith.index_cast %sub3A_2147 : i32 to index
      %get3A_2149 = tpu.vector_load %arg5[%get3A_2148] {strides = array<i32>} : memref<18432xf32, #tpu.memory_space<vmem>>, vector<16xf32>,
      %get3A_2150 = vector.shape_cast %get3A_2149 : vector<16xf32> to vector<16xf32>
      %add3A_2151 = arith.constant 336 : i32
      %add3A_2152 = arith.addi %mul3A_44, %add3A_2151 : i32
      %sub3A_2153 = arith.constant 1 : i32
      %sub3A_2154 = arith.subi %add3A_2152, %sub3A_2153 : i32
      %get3A_2155 = arith.index_cast %sub3A_2154 : i32 to index
      %get3A_2156 = tpu.vector_load %arg5[%get3A_2155] {strides = array<i32>} : memref<18432xf32, #tpu.memory_space<vmem>>, vector<16xf32>,
      %get3A_2157 = vector.shape_cast %get3A_2156 : vector<16xf32> to vector<16xf32>
      %add3A_2158 = arith.constant 336 : i32
      %add3A_2159 = arith.addi %mul3A_48, %add3A_2158 : i32
      %sub3A_2160 = arith.constant 1 : i32
      %sub3A_2161 = arith.subi %add3A_2159, %sub3A_2160 : i32
      %get3A_2162 = arith.index_cast %sub3A_2161 : i32 to index
      %get3A_2163 = tpu.vector_load %arg5[%get3A_2162] {strides = array<i32>} : memref<18432xf32, #tpu.memory_space<vmem>>, vector<16xf32>,
      %get3A_2164 = vector.shape_cast %get3A_2163 : vector<16xf32> to vector<16xf32>
      %add3A_2165 = arith.constant 336 : i32
      %add3A_2166 = arith.addi %mul3A_40, %add3A_2165 : i32
      %add3A_2167 = arith.constant 1 : i32
      %add3A_2168 = arith.addi %add3A_2166, %add3A_2167 : i32
      %get3A_2169 = arith.index_cast %add3A_2168 : i32 to index
      %get3A_2170 = tpu.vector_load %arg5[%get3A_2169] {strides = array<i32>} : memref<18432xf32, #tpu.memory_space<vmem>>, vector<16xf32>,
      %get3A_2171 = vector.shape_cast %get3A_2170 : vector<16xf32> to vector<16xf32>
      %add3A_2172 = arith.constant 336 : i32
      %add3A_2173 = arith.addi %mul3A_44, %add3A_2172 : i32
      %add3A_2174 = arith.constant 1 : i32
      %add3A_2175 = arith.addi %add3A_2173, %add3A_2174 : i32
      %get3A_2176 = arith.index_cast %add3A_2175 : i32 to index
      %get3A_2177 = tpu.vector_load %arg5[%get3A_2176] {strides = array<i32>} : memref<18432xf32, #tpu.memory_space<vmem>>, vector<16xf32>,
      %get3A_2178 = vector.shape_cast %get3A_2177 : vector<16xf32> to vector<16xf32>
      %add3A_2179 = arith.constant 336 : i32
      %add3A_2180 = arith.addi %mul3A_48, %add3A_2179 : i32
      %add3A_2181 = arith.constant 1 : i32
      %add3A_2182 = arith.addi %add3A_2180, %add3A_2181 : i32
      %get3A_2183 = arith.index_cast %add3A_2182 : i32 to index
      %get3A_2184 = tpu.vector_load %arg5[%get3A_2183] {strides = array<i32>} : memref<18432xf32, #tpu.memory_space<vmem>>, vector<16xf32>,
      %get3A_2185 = vector.shape_cast %get3A_2184 : vector<16xf32> to vector<16xf32>
      %max3A_2186 = arith.maximumf %get3A_2157, %get3A_2178 : vector<16xf32>
      %max3A_2187 = arith.maximumf %get3A_2132, %get3A_2137 : vector<16xf32>
      %max3A_2188 = arith.maximumf %get3A_2171, %get3A_2164 : vector<16xf32>
      %max3A_2189 = arith.maximumf %get3A_2150, %get3A_2185 : vector<16xf32>
      %lt3A_2190 = arith.constant 0.392699093 : f32
      %lt3A_2191 = vector.broadcast %lt3A_2190 : f32 to vector<16xf32>
      %lt3A_2192 = arith.cmpf olt, %abs3A_2143, %lt3A_2191 : vector<16xf32>
      %ge3A_2193 = arith.constant 2.7488935 : f32
      %ge3A_2194 = vector.broadcast %ge3A_2193 : f32 to vector<16xf32>
      %ge3A_2195 = arith.cmpf oge, %abs3A_2143, %ge3A_2194 : vector<16xf32>
      %or3A_2196 = arith.ori %lt3A_2192, %ge3A_2195 : vector<16xi1>
      %lt3A_2197 = arith.constant 1.17809725 : f32
      %lt3A_2198 = vector.broadcast %lt3A_2197 : f32 to vector<16xf32>
      %lt3A_2199 = arith.cmpf olt, %abs3A_2143, %lt3A_2198 : vector<16xf32>
      %lt3A_2200 = arith.constant 1.96349537 : f32
      %lt3A_2201 = vector.broadcast %lt3A_2200 : f32 to vector<16xf32>
      %lt3A_2202 = arith.cmpf olt, %abs3A_2143, %lt3A_2201 : vector<16xf32>
      %select_n3A_2203 = arith.select %lt3A_2202, %max3A_2187, %max3A_2189 : vector<16xi1>, vector<16xf32>
      %select_n3A_2204 = arith.select %lt3A_2199, %max3A_2188, %select_n3A_2203 : vector<16xi1>, vector<16xf32>
      %select_n3A_2205 = arith.select %or3A_2196, %max3A_2186, %select_n3A_2204 : vector<16xi1>, vector<16xf32>
      %ge3A_2206 = arith.cmpf oge, %get3A_2127, %select_n3A_2205 : vector<16xf32>
      %le3A_2207 = arith.constant 3.14159274 : f32
      %le3A_2208 = vector.broadcast %le3A_2207 : f32 to vector<16xf32>
      %le3A_2209 = arith.cmpf ole, %abs3A_2143, %le3A_2208 : vector<16xf32>
      %and3A_2210 = arith.andi %ge3A_2206, %le3A_2209 : vector<16xi1>
      %broadcast_in_dim3A_2211 = arith.constant 0.000000e+00 : f32
      %broadcast_in_dim3A_2212 = vector.broadcast %broadcast_in_dim3A_2211 : f32 to vector<16xf32>
      %select_n3A_2213 = arith.select %and3A_2210, %get3A_2127, %broadcast_in_dim3A_2212 : vector<16xi1>, vector<16xf32>
      %mul3A_2214 = arith.constant 512 : i32
      %mul3A_2215 = arith.muli %scan3A_36, %mul3A_2214 : i32
      %add3A_2216 = arith.constant 336 : i32
      %add3A_2217 = arith.addi %mul3A_2215, %add3A_2216 : i32
      %swap3A_2218 = arith.index_cast %add3A_2217 : i32 to index
      %swap3A_2219 = tpu.vector_load %arg7[%swap3A_2218] {strides = array<i32>} : memref<16384xf32, #tpu.memory_space<vmem>>, vector<16xf32>,
      %swap3A_2220 = vector.shape_cast %swap3A_2219 : vector<16xf32> to vector<16xf32>
      %swap3A_2221 = vector.shape_cast %select_n3A_2213 : vector<16xf32> to vector<16xf32>
      tpu.vector_store %arg7[%swap3A_2218], %swap3A_2221 {strides = array<i32>} : memref<16384xf32, #tpu.memory_space<vmem>>, vector<16xf32>,
      %add3A_2222 = arith.constant 352 : i32
      %add3A_2223 = arith.addi %mul3A_44, %add3A_2222 : i32
      %get3A_2224 = arith.index_cast %add3A_2223 : i32 to index
      %get3A_2225 = tpu.vector_load %arg5[%get3A_2224] {strides = array<i32>} : memref<18432xf32, #tpu.memory_space<vmem>>, vector<16xf32>,
      %get3A_2226 = vector.shape_cast %get3A_2225 : vector<16xf32> to vector<16xf32>
      %add3A_2227 = arith.constant 352 : i32
      %add3A_2228 = arith.addi %mul3A_40, %add3A_2227 : i32
      %get3A_2229 = arith.index_cast %add3A_2228 : i32 to index
      %get3A_2230 = tpu.vector_load %arg5[%get3A_2229] {strides = array<i32>} : memref<18432xf32, #tpu.memory_space<vmem>>, vector<16xf32>,
      %get3A_2231 = vector.shape_cast %get3A_2230 : vector<16xf32> to vector<16xf32>
      %add3A_2232 = arith.constant 352 : i32
      %add3A_2233 = arith.addi %mul3A_48, %add3A_2232 : i32
      %get3A_2234 = arith.index_cast %add3A_2233 : i32 to index
      %get3A_2235 = tpu.vector_load %arg5[%get3A_2234] {strides = array<i32>} : memref<18432xf32, #tpu.memory_space<vmem>>, vector<16xf32>,
      %get3A_2236 = vector.shape_cast %get3A_2235 : vector<16xf32> to vector<16xf32>
      %add3A_2237 = arith.constant 352 : i32
      %add3A_2238 = arith.addi %mul3A_50, %add3A_2237 : i32
      %get3A_2239 = arith.index_cast %add3A_2238 : i32 to index
      %get3A_2240 = tpu.vector_load %arg6[%get3A_2239] {strides = array<i32>} : memref<16384xf32, #tpu.memory_space<vmem>>, vector<16xf32>,
      %get3A_2241 = vector.shape_cast %get3A_2240 : vector<16xf32> to vector<16xf32>
      %abs3A_2242 = math.absf %get3A_2241 : vector<16xf32>
      %add3A_2243 = arith.constant 352 : i32
      %add3A_2244 = arith.addi %mul3A_40, %add3A_2243 : i32
      %sub3A_2245 = arith.constant 1 : i32
      %sub3A_2246 = arith.subi %add3A_2244, %sub3A_2245 : i32
      %get3A_2247 = arith.index_cast %sub3A_2246 : i32 to index
      %get3A_2248 = tpu.vector_load %arg5[%get3A_2247] {strides = array<i32>} : memref<18432xf32, #tpu.memory_space<vmem>>, vector<16xf32>,
      %get3A_2249 = vector.shape_cast %get3A_2248 : vector<16xf32> to vector<16xf32>
      %add3A_2250 = arith.constant 352 : i32
      %add3A_2251 = arith.addi %mul3A_44, %add3A_2250 : i32
      %sub3A_2252 = arith.constant 1 : i32
      %sub3A_2253 = arith.subi %add3A_2251, %sub3A_2252 : i32
      %get3A_2254 = arith.index_cast %sub3A_2253 : i32 to index
      %get3A_2255 = tpu.vector_load %arg5[%get3A_2254] {strides = array<i32>} : memref<18432xf32, #tpu.memory_space<vmem>>, vector<16xf32>,
      %get3A_2256 = vector.shape_cast %get3A_2255 : vector<16xf32> to vector<16xf32>
      %add3A_2257 = arith.constant 352 : i32
      %add3A_2258 = arith.addi %mul3A_48, %add3A_2257 : i32
      %sub3A_2259 = arith.constant 1 : i32
      %sub3A_2260 = arith.subi %add3A_2258, %sub3A_2259 : i32
      %get3A_2261 = arith.index_cast %sub3A_2260 : i32 to index
      %get3A_2262 = tpu.vector_load %arg5[%get3A_2261] {strides = array<i32>} : memref<18432xf32, #tpu.memory_space<vmem>>, vector<16xf32>,
      %get3A_2263 = vector.shape_cast %get3A_2262 : vector<16xf32> to vector<16xf32>
      %add3A_2264 = arith.constant 352 : i32
      %add3A_2265 = arith.addi %mul3A_40, %add3A_2264 : i32
      %add3A_2266 = arith.constant 1 : i32
      %add3A_2267 = arith.addi %add3A_2265, %add3A_2266 : i32
      %get3A_2268 = arith.index_cast %add3A_2267 : i32 to index
      %get3A_2269 = tpu.vector_load %arg5[%get3A_2268] {strides = array<i32>} : memref<18432xf32, #tpu.memory_space<vmem>>, vector<16xf32>,
      %get3A_2270 = vector.shape_cast %get3A_2269 : vector<16xf32> to vector<16xf32>
      %add3A_2271 = arith.constant 352 : i32
      %add3A_2272 = arith.addi %mul3A_44, %add3A_2271 : i32
      %add3A_2273 = arith.constant 1 : i32
      %add3A_2274 = arith.addi %add3A_2272, %add3A_2273 : i32
      %get3A_2275 = arith.index_cast %add3A_2274 : i32 to index
      %get3A_2276 = tpu.vector_load %arg5[%get3A_2275] {strides = array<i32>} : memref<18432xf32, #tpu.memory_space<vmem>>, vector<16xf32>,
      %get3A_2277 = vector.shape_cast %get3A_2276 : vector<16xf32> to vector<16xf32>
      %add3A_2278 = arith.constant 352 : i32
      %add3A_2279 = arith.addi %mul3A_48, %add3A_2278 : i32
      %add3A_2280 = arith.constant 1 : i32
      %add3A_2281 = arith.addi %add3A_2279, %add3A_2280 : i32
      %get3A_2282 = arith.index_cast %add3A_2281 : i32 to index
      %get3A_2283 = tpu.vector_load %arg5[%get3A_2282] {strides = array<i32>} : memref<18432xf32, #tpu.memory_space<vmem>>, vector<16xf32>,
      %get3A_2284 = vector.shape_cast %get3A_2283 : vector<16xf32> to vector<16xf32>
      %max3A_2285 = arith.maximumf %get3A_2256, %get3A_2277 : vector<16xf32>
      %max3A_2286 = arith.maximumf %get3A_2231, %get3A_2236 : vector<16xf32>
      %max3A_2287 = arith.maximumf %get3A_2270, %get3A_2263 : vector<16xf32>
      %max3A_2288 = arith.maximumf %get3A_2249, %get3A_2284 : vector<16xf32>
      %lt3A_2289 = arith.constant 0.392699093 : f32
      %lt3A_2290 = vector.broadcast %lt3A_2289 : f32 to vector<16xf32>
      %lt3A_2291 = arith.cmpf olt, %abs3A_2242, %lt3A_2290 : vector<16xf32>
      %ge3A_2292 = arith.constant 2.7488935 : f32
      %ge3A_2293 = vector.broadcast %ge3A_2292 : f32 to vector<16xf32>
      %ge3A_2294 = arith.cmpf oge, %abs3A_2242, %ge3A_2293 : vector<16xf32>
      %or3A_2295 = arith.ori %lt3A_2291, %ge3A_2294 : vector<16xi1>
      %lt3A_2296 = arith.constant 1.17809725 : f32
      %lt3A_2297 = vector.broadcast %lt3A_2296 : f32 to vector<16xf32>
      %lt3A_2298 = arith.cmpf olt, %abs3A_2242, %lt3A_2297 : vector<16xf32>
      %lt3A_2299 = arith.constant 1.96349537 : f32
      %lt3A_2300 = vector.broadcast %lt3A_2299 : f32 to vector<16xf32>
      %lt3A_2301 = arith.cmpf olt, %abs3A_2242, %lt3A_2300 : vector<16xf32>
      %select_n3A_2302 = arith.select %lt3A_2301, %max3A_2286, %max3A_2288 : vector<16xi1>, vector<16xf32>
      %select_n3A_2303 = arith.select %lt3A_2298, %max3A_2287, %select_n3A_2302 : vector<16xi1>, vector<16xf32>
      %select_n3A_2304 = arith.select %or3A_2295, %max3A_2285, %select_n3A_2303 : vector<16xi1>, vector<16xf32>
      %ge3A_2305 = arith.cmpf oge, %get3A_2226, %select_n3A_2304 : vector<16xf32>
      %le3A_2306 = arith.constant 3.14159274 : f32
      %le3A_2307 = vector.broadcast %le3A_2306 : f32 to vector<16xf32>
      %le3A_2308 = arith.cmpf ole, %abs3A_2242, %le3A_2307 : vector<16xf32>
      %and3A_2309 = arith.andi %ge3A_2305, %le3A_2308 : vector<16xi1>
      %broadcast_in_dim3A_2310 = arith.constant 0.000000e+00 : f32
      %broadcast_in_dim3A_2311 = vector.broadcast %broadcast_in_dim3A_2310 : f32 to vector<16xf32>
      %select_n3A_2312 = arith.select %and3A_2309, %get3A_2226, %broadcast_in_dim3A_2311 : vector<16xi1>, vector<16xf32>
      %mul3A_2313 = arith.constant 512 : i32
      %mul3A_2314 = arith.muli %scan3A_36, %mul3A_2313 : i32
      %add3A_2315 = arith.constant 352 : i32
      %add3A_2316 = arith.addi %mul3A_2314, %add3A_2315 : i32
      %swap3A_2317 = arith.index_cast %add3A_2316 : i32 to index
      %swap3A_2318 = tpu.vector_load %arg7[%swap3A_2317] {strides = array<i32>} : memref<16384xf32, #tpu.memory_space<vmem>>, vector<16xf32>,
      %swap3A_2319 = vector.shape_cast %swap3A_2318 : vector<16xf32> to vector<16xf32>
      %swap3A_2320 = vector.shape_cast %select_n3A_2312 : vector<16xf32> to vector<16xf32>
      tpu.vector_store %arg7[%swap3A_2317], %swap3A_2320 {strides = array<i32>} : memref<16384xf32, #tpu.memory_space<vmem>>, vector<16xf32>,
      %add3A_2321 = arith.constant 368 : i32
      %add3A_2322 = arith.addi %mul3A_44, %add3A_2321 : i32
      %get3A_2323 = arith.index_cast %add3A_2322 : i32 to index
      %get3A_2324 = tpu.vector_load %arg5[%get3A_2323] {strides = array<i32>} : memref<18432xf32, #tpu.memory_space<vmem>>, vector<16xf32>,
      %get3A_2325 = vector.shape_cast %get3A_2324 : vector<16xf32> to vector<16xf32>
      %add3A_2326 = arith.constant 368 : i32
      %add3A_2327 = arith.addi %mul3A_40, %add3A_2326 : i32
      %get3A_2328 = arith.index_cast %add3A_2327 : i32 to index
      %get3A_2329 = tpu.vector_load %arg5[%get3A_2328] {strides = array<i32>} : memref<18432xf32, #tpu.memory_space<vmem>>, vector<16xf32>,
      %get3A_2330 = vector.shape_cast %get3A_2329 : vector<16xf32> to vector<16xf32>
      %add3A_2331 = arith.constant 368 : i32
      %add3A_2332 = arith.addi %mul3A_48, %add3A_2331 : i32
      %get3A_2333 = arith.index_cast %add3A_2332 : i32 to index
      %get3A_2334 = tpu.vector_load %arg5[%get3A_2333] {strides = array<i32>} : memref<18432xf32, #tpu.memory_space<vmem>>, vector<16xf32>,
      %get3A_2335 = vector.shape_cast %get3A_2334 : vector<16xf32> to vector<16xf32>
      %add3A_2336 = arith.constant 368 : i32
      %add3A_2337 = arith.addi %mul3A_50, %add3A_2336 : i32
      %get3A_2338 = arith.index_cast %add3A_2337 : i32 to index
      %get3A_2339 = tpu.vector_load %arg6[%get3A_2338] {strides = array<i32>} : memref<16384xf32, #tpu.memory_space<vmem>>, vector<16xf32>,
      %get3A_2340 = vector.shape_cast %get3A_2339 : vector<16xf32> to vector<16xf32>
      %abs3A_2341 = math.absf %get3A_2340 : vector<16xf32>
      %add3A_2342 = arith.constant 368 : i32
      %add3A_2343 = arith.addi %mul3A_40, %add3A_2342 : i32
      %sub3A_2344 = arith.constant 1 : i32
      %sub3A_2345 = arith.subi %add3A_2343, %sub3A_2344 : i32
      %get3A_2346 = arith.index_cast %sub3A_2345 : i32 to index
      %get3A_2347 = tpu.vector_load %arg5[%get3A_2346] {strides = array<i32>} : memref<18432xf32, #tpu.memory_space<vmem>>, vector<16xf32>,
      %get3A_2348 = vector.shape_cast %get3A_2347 : vector<16xf32> to vector<16xf32>
      %add3A_2349 = arith.constant 368 : i32
      %add3A_2350 = arith.addi %mul3A_44, %add3A_2349 : i32
      %sub3A_2351 = arith.constant 1 : i32
      %sub3A_2352 = arith.subi %add3A_2350, %sub3A_2351 : i32
      %get3A_2353 = arith.index_cast %sub3A_2352 : i32 to index
      %get3A_2354 = tpu.vector_load %arg5[%get3A_2353] {strides = array<i32>} : memref<18432xf32, #tpu.memory_space<vmem>>, vector<16xf32>,
      %get3A_2355 = vector.shape_cast %get3A_2354 : vector<16xf32> to vector<16xf32>
      %add3A_2356 = arith.constant 368 : i32
      %add3A_2357 = arith.addi %mul3A_48, %add3A_2356 : i32
      %sub3A_2358 = arith.constant 1 : i32
      %sub3A_2359 = arith.subi %add3A_2357, %sub3A_2358 : i32
      %get3A_2360 = arith.index_cast %sub3A_2359 : i32 to index
      %get3A_2361 = tpu.vector_load %arg5[%get3A_2360] {strides = array<i32>} : memref<18432xf32, #tpu.memory_space<vmem>>, vector<16xf32>,
      %get3A_2362 = vector.shape_cast %get3A_2361 : vector<16xf32> to vector<16xf32>
      %add3A_2363 = arith.constant 368 : i32
      %add3A_2364 = arith.addi %mul3A_40, %add3A_2363 : i32
      %add3A_2365 = arith.constant 1 : i32
      %add3A_2366 = arith.addi %add3A_2364, %add3A_2365 : i32
      %get3A_2367 = arith.index_cast %add3A_2366 : i32 to index
      %get3A_2368 = tpu.vector_load %arg5[%get3A_2367] {strides = array<i32>} : memref<18432xf32, #tpu.memory_space<vmem>>, vector<16xf32>,
      %get3A_2369 = vector.shape_cast %get3A_2368 : vector<16xf32> to vector<16xf32>
      %add3A_2370 = arith.constant 368 : i32
      %add3A_2371 = arith.addi %mul3A_44, %add3A_2370 : i32
      %add3A_2372 = arith.constant 1 : i32
      %add3A_2373 = arith.addi %add3A_2371, %add3A_2372 : i32
      %get3A_2374 = arith.index_cast %add3A_2373 : i32 to index
      %get3A_2375 = tpu.vector_load %arg5[%get3A_2374] {strides = array<i32>} : memref<18432xf32, #tpu.memory_space<vmem>>, vector<16xf32>,
      %get3A_2376 = vector.shape_cast %get3A_2375 : vector<16xf32> to vector<16xf32>
      %add3A_2377 = arith.constant 368 : i32
      %add3A_2378 = arith.addi %mul3A_48, %add3A_2377 : i32
      %add3A_2379 = arith.constant 1 : i32
      %add3A_2380 = arith.addi %add3A_2378, %add3A_2379 : i32
      %get3A_2381 = arith.index_cast %add3A_2380 : i32 to index
      %get3A_2382 = tpu.vector_load %arg5[%get3A_2381] {strides = array<i32>} : memref<18432xf32, #tpu.memory_space<vmem>>, vector<16xf32>,
      %get3A_2383 = vector.shape_cast %get3A_2382 : vector<16xf32> to vector<16xf32>
      %max3A_2384 = arith.maximumf %get3A_2355, %get3A_2376 : vector<16xf32>
      %max3A_2385 = arith.maximumf %get3A_2330, %get3A_2335 : vector<16xf32>
      %max3A_2386 = arith.maximumf %get3A_2369, %get3A_2362 : vector<16xf32>
      %max3A_2387 = arith.maximumf %get3A_2348, %get3A_2383 : vector<16xf32>
      %lt3A_2388 = arith.constant 0.392699093 : f32
      %lt3A_2389 = vector.broadcast %lt3A_2388 : f32 to vector<16xf32>
      %lt3A_2390 = arith.cmpf olt, %abs3A_2341, %lt3A_2389 : vector<16xf32>
      %ge3A_2391 = arith.constant 2.7488935 : f32
      %ge3A_2392 = vector.broadcast %ge3A_2391 : f32 to vector<16xf32>
      %ge3A_2393 = arith.cmpf oge, %abs3A_2341, %ge3A_2392 : vector<16xf32>
      %or3A_2394 = arith.ori %lt3A_2390, %ge3A_2393 : vector<16xi1>
      %lt3A_2395 = arith.constant 1.17809725 : f32
      %lt3A_2396 = vector.broadcast %lt3A_2395 : f32 to vector<16xf32>
      %lt3A_2397 = arith.cmpf olt, %abs3A_2341, %lt3A_2396 : vector<16xf32>
      %lt3A_2398 = arith.constant 1.96349537 : f32
      %lt3A_2399 = vector.broadcast %lt3A_2398 : f32 to vector<16xf32>
      %lt3A_2400 = arith.cmpf olt, %abs3A_2341, %lt3A_2399 : vector<16xf32>
      %select_n3A_2401 = arith.select %lt3A_2400, %max3A_2385, %max3A_2387 : vector<16xi1>, vector<16xf32>
      %select_n3A_2402 = arith.select %lt3A_2397, %max3A_2386, %select_n3A_2401 : vector<16xi1>, vector<16xf32>
      %select_n3A_2403 = arith.select %or3A_2394, %max3A_2384, %select_n3A_2402 : vector<16xi1>, vector<16xf32>
      %ge3A_2404 = arith.cmpf oge, %get3A_2325, %select_n3A_2403 : vector<16xf32>
      %le3A_2405 = arith.constant 3.14159274 : f32
      %le3A_2406 = vector.broadcast %le3A_2405 : f32 to vector<16xf32>
      %le3A_2407 = arith.cmpf ole, %abs3A_2341, %le3A_2406 : vector<16xf32>
      %and3A_2408 = arith.andi %ge3A_2404, %le3A_2407 : vector<16xi1>
      %broadcast_in_dim3A_2409 = arith.constant 0.000000e+00 : f32
      %broadcast_in_dim3A_2410 = vector.broadcast %broadcast_in_dim3A_2409 : f32 to vector<16xf32>
      %select_n3A_2411 = arith.select %and3A_2408, %get3A_2325, %broadcast_in_dim3A_2410 : vector<16xi1>, vector<16xf32>
      %mul3A_2412 = arith.constant 512 : i32
      %mul3A_2413 = arith.muli %scan3A_36, %mul3A_2412 : i32
      %add3A_2414 = arith.constant 368 : i32
      %add3A_2415 = arith.addi %mul3A_2413, %add3A_2414 : i32
      %swap3A_2416 = arith.index_cast %add3A_2415 : i32 to index
      %swap3A_2417 = tpu.vector_load %arg7[%swap3A_2416] {strides = array<i32>} : memref<16384xf32, #tpu.memory_space<vmem>>, vector<16xf32>,
      %swap3A_2418 = vector.shape_cast %swap3A_2417 : vector<16xf32> to vector<16xf32>
      %swap3A_2419 = vector.shape_cast %select_n3A_2411 : vector<16xf32> to vector<16xf32>
      tpu.vector_store %arg7[%swap3A_2416], %swap3A_2419 {strides = array<i32>} : memref<16384xf32, #tpu.memory_space<vmem>>, vector<16xf32>,
      %add3A_2420 = arith.constant 384 : i32
      %add3A_2421 = arith.addi %mul3A_44, %add3A_2420 : i32
      %get3A_2422 = arith.index_cast %add3A_2421 : i32 to index
      %get3A_2423 = tpu.vector_load %arg5[%get3A_2422] {strides = array<i32>} : memref<18432xf32, #tpu.memory_space<vmem>>, vector<16xf32>,
      %get3A_2424 = vector.shape_cast %get3A_2423 : vector<16xf32> to vector<16xf32>
      %add3A_2425 = arith.constant 384 : i32
      %add3A_2426 = arith.addi %mul3A_40, %add3A_2425 : i32
      %get3A_2427 = arith.index_cast %add3A_2426 : i32 to index
      %get3A_2428 = tpu.vector_load %arg5[%get3A_2427] {strides = array<i32>} : memref<18432xf32, #tpu.memory_space<vmem>>, vector<16xf32>,
      %get3A_2429 = vector.shape_cast %get3A_2428 : vector<16xf32> to vector<16xf32>
      %add3A_2430 = arith.constant 384 : i32
      %add3A_2431 = arith.addi %mul3A_48, %add3A_2430 : i32
      %get3A_2432 = arith.index_cast %add3A_2431 : i32 to index
      %get3A_2433 = tpu.vector_load %arg5[%get3A_2432] {strides = array<i32>} : memref<18432xf32, #tpu.memory_space<vmem>>, vector<16xf32>,
      %get3A_2434 = vector.shape_cast %get3A_2433 : vector<16xf32> to vector<16xf32>
      %add3A_2435 = arith.constant 384 : i32
      %add3A_2436 = arith.addi %mul3A_50, %add3A_2435 : i32
      %get3A_2437 = arith.index_cast %add3A_2436 : i32 to index
      %get3A_2438 = tpu.vector_load %arg6[%get3A_2437] {strides = array<i32>} : memref<16384xf32, #tpu.memory_space<vmem>>, vector<16xf32>,
      %get3A_2439 = vector.shape_cast %get3A_2438 : vector<16xf32> to vector<16xf32>
      %abs3A_2440 = math.absf %get3A_2439 : vector<16xf32>
      %add3A_2441 = arith.constant 384 : i32
      %add3A_2442 = arith.addi %mul3A_40, %add3A_2441 : i32
      %sub3A_2443 = arith.constant 1 : i32
      %sub3A_2444 = arith.subi %add3A_2442, %sub3A_2443 : i32
      %get3A_2445 = arith.index_cast %sub3A_2444 : i32 to index
      %get3A_2446 = tpu.vector_load %arg5[%get3A_2445] {strides = array<i32>} : memref<18432xf32, #tpu.memory_space<vmem>>, vector<16xf32>,
      %get3A_2447 = vector.shape_cast %get3A_2446 : vector<16xf32> to vector<16xf32>
      %add3A_2448 = arith.constant 384 : i32
      %add3A_2449 = arith.addi %mul3A_44, %add3A_2448 : i32
      %sub3A_2450 = arith.constant 1 : i32
      %sub3A_2451 = arith.subi %add3A_2449, %sub3A_2450 : i32
      %get3A_2452 = arith.index_cast %sub3A_2451 : i32 to index
      %get3A_2453 = tpu.vector_load %arg5[%get3A_2452] {strides = array<i32>} : memref<18432xf32, #tpu.memory_space<vmem>>, vector<16xf32>,
      %get3A_2454 = vector.shape_cast %get3A_2453 : vector<16xf32> to vector<16xf32>
      %add3A_2455 = arith.constant 384 : i32
      %add3A_2456 = arith.addi %mul3A_48, %add3A_2455 : i32
      %sub3A_2457 = arith.constant 1 : i32
      %sub3A_2458 = arith.subi %add3A_2456, %sub3A_2457 : i32
      %get3A_2459 = arith.index_cast %sub3A_2458 : i32 to index
      %get3A_2460 = tpu.vector_load %arg5[%get3A_2459] {strides = array<i32>} : memref<18432xf32, #tpu.memory_space<vmem>>, vector<16xf32>,
      %get3A_2461 = vector.shape_cast %get3A_2460 : vector<16xf32> to vector<16xf32>
      %add3A_2462 = arith.constant 384 : i32
      %add3A_2463 = arith.addi %mul3A_40, %add3A_2462 : i32
      %add3A_2464 = arith.constant 1 : i32
      %add3A_2465 = arith.addi %add3A_2463, %add3A_2464 : i32
      %get3A_2466 = arith.index_cast %add3A_2465 : i32 to index
      %get3A_2467 = tpu.vector_load %arg5[%get3A_2466] {strides = array<i32>} : memref<18432xf32, #tpu.memory_space<vmem>>, vector<16xf32>,
      %get3A_2468 = vector.shape_cast %get3A_2467 : vector<16xf32> to vector<16xf32>
      %add3A_2469 = arith.constant 384 : i32
      %add3A_2470 = arith.addi %mul3A_44, %add3A_2469 : i32
      %add3A_2471 = arith.constant 1 : i32
      %add3A_2472 = arith.addi %add3A_2470, %add3A_2471 : i32
      %get3A_2473 = arith.index_cast %add3A_2472 : i32 to index
      %get3A_2474 = tpu.vector_load %arg5[%get3A_2473] {strides = array<i32>} : memref<18432xf32, #tpu.memory_space<vmem>>, vector<16xf32>,
      %get3A_2475 = vector.shape_cast %get3A_2474 : vector<16xf32> to vector<16xf32>
      %add3A_2476 = arith.constant 384 : i32
      %add3A_2477 = arith.addi %mul3A_48, %add3A_2476 : i32
      %add3A_2478 = arith.constant 1 : i32
      %add3A_2479 = arith.addi %add3A_2477, %add3A_2478 : i32
      %get3A_2480 = arith.index_cast %add3A_2479 : i32 to index
      %get3A_2481 = tpu.vector_load %arg5[%get3A_2480] {strides = array<i32>} : memref<18432xf32, #tpu.memory_space<vmem>>, vector<16xf32>,
      %get3A_2482 = vector.shape_cast %get3A_2481 : vector<16xf32> to vector<16xf32>
      %max3A_2483 = arith.maximumf %get3A_2454, %get3A_2475 : vector<16xf32>
      %max3A_2484 = arith.maximumf %get3A_2429, %get3A_2434 : vector<16xf32>
      %max3A_2485 = arith.maximumf %get3A_2468, %get3A_2461 : vector<16xf32>
      %max3A_2486 = arith.maximumf %get3A_2447, %get3A_2482 : vector<16xf32>
      %lt3A_2487 = arith.constant 0.392699093 : f32
      %lt3A_2488 = vector.broadcast %lt3A_2487 : f32 to vector<16xf32>
      %lt3A_2489 = arith.cmpf olt, %abs3A_2440, %lt3A_2488 : vector<16xf32>
      %ge3A_2490 = arith.constant 2.7488935 : f32
      %ge3A_2491 = vector.broadcast %ge3A_2490 : f32 to vector<16xf32>
      %ge3A_2492 = arith.cmpf oge, %abs3A_2440, %ge3A_2491 : vector<16xf32>
      %or3A_2493 = arith.ori %lt3A_2489, %ge3A_2492 : vector<16xi1>
      %lt3A_2494 = arith.constant 1.17809725 : f32
      %lt3A_2495 = vector.broadcast %lt3A_2494 : f32 to vector<16xf32>
      %lt3A_2496 = arith.cmpf olt, %abs3A_2440, %lt3A_2495 : vector<16xf32>
      %lt3A_2497 = arith.constant 1.96349537 : f32
      %lt3A_2498 = vector.broadcast %lt3A_2497 : f32 to vector<16xf32>
      %lt3A_2499 = arith.cmpf olt, %abs3A_2440, %lt3A_2498 : vector<16xf32>
      %select_n3A_2500 = arith.select %lt3A_2499, %max3A_2484, %max3A_2486 : vector<16xi1>, vector<16xf32>
      %select_n3A_2501 = arith.select %lt3A_2496, %max3A_2485, %select_n3A_2500 : vector<16xi1>, vector<16xf32>
      %select_n3A_2502 = arith.select %or3A_2493, %max3A_2483, %select_n3A_2501 : vector<16xi1>, vector<16xf32>
      %ge3A_2503 = arith.cmpf oge, %get3A_2424, %select_n3A_2502 : vector<16xf32>
      %le3A_2504 = arith.constant 3.14159274 : f32
      %le3A_2505 = vector.broadcast %le3A_2504 : f32 to vector<16xf32>
      %le3A_2506 = arith.cmpf ole, %abs3A_2440, %le3A_2505 : vector<16xf32>
      %and3A_2507 = arith.andi %ge3A_2503, %le3A_2506 : vector<16xi1>
      %broadcast_in_dim3A_2508 = arith.constant 0.000000e+00 : f32
      %broadcast_in_dim3A_2509 = vector.broadcast %broadcast_in_dim3A_2508 : f32 to vector<16xf32>
      %select_n3A_2510 = arith.select %and3A_2507, %get3A_2424, %broadcast_in_dim3A_2509 : vector<16xi1>, vector<16xf32>
      %mul3A_2511 = arith.constant 512 : i32
      %mul3A_2512 = arith.muli %scan3A_36, %mul3A_2511 : i32
      %add3A_2513 = arith.constant 384 : i32
      %add3A_2514 = arith.addi %mul3A_2512, %add3A_2513 : i32
      %swap3A_2515 = arith.index_cast %add3A_2514 : i32 to index
      %swap3A_2516 = tpu.vector_load %arg7[%swap3A_2515] {strides = array<i32>} : memref<16384xf32, #tpu.memory_space<vmem>>, vector<16xf32>,
      %swap3A_2517 = vector.shape_cast %swap3A_2516 : vector<16xf32> to vector<16xf32>
      %swap3A_2518 = vector.shape_cast %select_n3A_2510 : vector<16xf32> to vector<16xf32>
      tpu.vector_store %arg7[%swap3A_2515], %swap3A_2518 {strides = array<i32>} : memref<16384xf32, #tpu.memory_space<vmem>>, vector<16xf32>,
      %add3A_2519 = arith.constant 400 : i32
      %add3A_2520 = arith.addi %mul3A_44, %add3A_2519 : i32
      %get3A_2521 = arith.index_cast %add3A_2520 : i32 to index
      %get3A_2522 = tpu.vector_load %arg5[%get3A_2521] {strides = array<i32>} : memref<18432xf32, #tpu.memory_space<vmem>>, vector<16xf32>,
      %get3A_2523 = vector.shape_cast %get3A_2522 : vector<16xf32> to vector<16xf32>
      %add3A_2524 = arith.constant 400 : i32
      %add3A_2525 = arith.addi %mul3A_40, %add3A_2524 : i32
      %get3A_2526 = arith.index_cast %add3A_2525 : i32 to index
      %get3A_2527 = tpu.vector_load %arg5[%get3A_2526] {strides = array<i32>} : memref<18432xf32, #tpu.memory_space<vmem>>, vector<16xf32>,
      %get3A_2528 = vector.shape_cast %get3A_2527 : vector<16xf32> to vector<16xf32>
      %add3A_2529 = arith.constant 400 : i32
      %add3A_2530 = arith.addi %mul3A_48, %add3A_2529 : i32
      %get3A_2531 = arith.index_cast %add3A_2530 : i32 to index
      %get3A_2532 = tpu.vector_load %arg5[%get3A_2531] {strides = array<i32>} : memref<18432xf32, #tpu.memory_space<vmem>>, vector<16xf32>,
      %get3A_2533 = vector.shape_cast %get3A_2532 : vector<16xf32> to vector<16xf32>
      %add3A_2534 = arith.constant 400 : i32
      %add3A_2535 = arith.addi %mul3A_50, %add3A_2534 : i32
      %get3A_2536 = arith.index_cast %add3A_2535 : i32 to index
      %get3A_2537 = tpu.vector_load %arg6[%get3A_2536] {strides = array<i32>} : memref<16384xf32, #tpu.memory_space<vmem>>, vector<16xf32>,
      %get3A_2538 = vector.shape_cast %get3A_2537 : vector<16xf32> to vector<16xf32>
      %abs3A_2539 = math.absf %get3A_2538 : vector<16xf32>
      %add3A_2540 = arith.constant 400 : i32
      %add3A_2541 = arith.addi %mul3A_40, %add3A_2540 : i32
      %sub3A_2542 = arith.constant 1 : i32
      %sub3A_2543 = arith.subi %add3A_2541, %sub3A_2542 : i32
      %get3A_2544 = arith.index_cast %sub3A_2543 : i32 to index
      %get3A_2545 = tpu.vector_load %arg5[%get3A_2544] {strides = array<i32>} : memref<18432xf32, #tpu.memory_space<vmem>>, vector<16xf32>,
      %get3A_2546 = vector.shape_cast %get3A_2545 : vector<16xf32> to vector<16xf32>
      %add3A_2547 = arith.constant 400 : i32
      %add3A_2548 = arith.addi %mul3A_44, %add3A_2547 : i32
      %sub3A_2549 = arith.constant 1 : i32
      %sub3A_2550 = arith.subi %add3A_2548, %sub3A_2549 : i32
      %get3A_2551 = arith.index_cast %sub3A_2550 : i32 to index
      %get3A_2552 = tpu.vector_load %arg5[%get3A_2551] {strides = array<i32>} : memref<18432xf32, #tpu.memory_space<vmem>>, vector<16xf32>,
      %get3A_2553 = vector.shape_cast %get3A_2552 : vector<16xf32> to vector<16xf32>
      %add3A_2554 = arith.constant 400 : i32
      %add3A_2555 = arith.addi %mul3A_48, %add3A_2554 : i32
      %sub3A_2556 = arith.constant 1 : i32
      %sub3A_2557 = arith.subi %add3A_2555, %sub3A_2556 : i32
      %get3A_2558 = arith.index_cast %sub3A_2557 : i32 to index
      %get3A_2559 = tpu.vector_load %arg5[%get3A_2558] {strides = array<i32>} : memref<18432xf32, #tpu.memory_space<vmem>>, vector<16xf32>,
      %get3A_2560 = vector.shape_cast %get3A_2559 : vector<16xf32> to vector<16xf32>
      %add3A_2561 = arith.constant 400 : i32
      %add3A_2562 = arith.addi %mul3A_40, %add3A_2561 : i32
      %add3A_2563 = arith.constant 1 : i32
      %add3A_2564 = arith.addi %add3A_2562, %add3A_2563 : i32
      %get3A_2565 = arith.index_cast %add3A_2564 : i32 to index
      %get3A_2566 = tpu.vector_load %arg5[%get3A_2565] {strides = array<i32>} : memref<18432xf32, #tpu.memory_space<vmem>>, vector<16xf32>,
      %get3A_2567 = vector.shape_cast %get3A_2566 : vector<16xf32> to vector<16xf32>
      %add3A_2568 = arith.constant 400 : i32
      %add3A_2569 = arith.addi %mul3A_44, %add3A_2568 : i32
      %add3A_2570 = arith.constant 1 : i32
      %add3A_2571 = arith.addi %add3A_2569, %add3A_2570 : i32
      %get3A_2572 = arith.index_cast %add3A_2571 : i32 to index
      %get3A_2573 = tpu.vector_load %arg5[%get3A_2572] {strides = array<i32>} : memref<18432xf32, #tpu.memory_space<vmem>>, vector<16xf32>,
      %get3A_2574 = vector.shape_cast %get3A_2573 : vector<16xf32> to vector<16xf32>
      %add3A_2575 = arith.constant 400 : i32
      %add3A_2576 = arith.addi %mul3A_48, %add3A_2575 : i32
      %add3A_2577 = arith.constant 1 : i32
      %add3A_2578 = arith.addi %add3A_2576, %add3A_2577 : i32
      %get3A_2579 = arith.index_cast %add3A_2578 : i32 to index
      %get3A_2580 = tpu.vector_load %arg5[%get3A_2579] {strides = array<i32>} : memref<18432xf32, #tpu.memory_space<vmem>>, vector<16xf32>,
      %get3A_2581 = vector.shape_cast %get3A_2580 : vector<16xf32> to vector<16xf32>
      %max3A_2582 = arith.maximumf %get3A_2553, %get3A_2574 : vector<16xf32>
      %max3A_2583 = arith.maximumf %get3A_2528, %get3A_2533 : vector<16xf32>
      %max3A_2584 = arith.maximumf %get3A_2567, %get3A_2560 : vector<16xf32>
      %max3A_2585 = arith.maximumf %get3A_2546, %get3A_2581 : vector<16xf32>
      %lt3A_2586 = arith.constant 0.392699093 : f32
      %lt3A_2587 = vector.broadcast %lt3A_2586 : f32 to vector<16xf32>
      %lt3A_2588 = arith.cmpf olt, %abs3A_2539, %lt3A_2587 : vector<16xf32>
      %ge3A_2589 = arith.constant 2.7488935 : f32
      %ge3A_2590 = vector.broadcast %ge3A_2589 : f32 to vector<16xf32>
      %ge3A_2591 = arith.cmpf oge, %abs3A_2539, %ge3A_2590 : vector<16xf32>
      %or3A_2592 = arith.ori %lt3A_2588, %ge3A_2591 : vector<16xi1>
      %lt3A_2593 = arith.constant 1.17809725 : f32
      %lt3A_2594 = vector.broadcast %lt3A_2593 : f32 to vector<16xf32>
      %lt3A_2595 = arith.cmpf olt, %abs3A_2539, %lt3A_2594 : vector<16xf32>
      %lt3A_2596 = arith.constant 1.96349537 : f32
      %lt3A_2597 = vector.broadcast %lt3A_2596 : f32 to vector<16xf32>
      %lt3A_2598 = arith.cmpf olt, %abs3A_2539, %lt3A_2597 : vector<16xf32>
      %select_n3A_2599 = arith.select %lt3A_2598, %max3A_2583, %max3A_2585 : vector<16xi1>, vector<16xf32>
      %select_n3A_2600 = arith.select %lt3A_2595, %max3A_2584, %select_n3A_2599 : vector<16xi1>, vector<16xf32>
      %select_n3A_2601 = arith.select %or3A_2592, %max3A_2582, %select_n3A_2600 : vector<16xi1>, vector<16xf32>
      %ge3A_2602 = arith.cmpf oge, %get3A_2523, %select_n3A_2601 : vector<16xf32>
      %le3A_2603 = arith.constant 3.14159274 : f32
      %le3A_2604 = vector.broadcast %le3A_2603 : f32 to vector<16xf32>
      %le3A_2605 = arith.cmpf ole, %abs3A_2539, %le3A_2604 : vector<16xf32>
      %and3A_2606 = arith.andi %ge3A_2602, %le3A_2605 : vector<16xi1>
      %broadcast_in_dim3A_2607 = arith.constant 0.000000e+00 : f32
      %broadcast_in_dim3A_2608 = vector.broadcast %broadcast_in_dim3A_2607 : f32 to vector<16xf32>
      %select_n3A_2609 = arith.select %and3A_2606, %get3A_2523, %broadcast_in_dim3A_2608 : vector<16xi1>, vector<16xf32>
      %mul3A_2610 = arith.constant 512 : i32
      %mul3A_2611 = arith.muli %scan3A_36, %mul3A_2610 : i32
      %add3A_2612 = arith.constant 400 : i32
      %add3A_2613 = arith.addi %mul3A_2611, %add3A_2612 : i32
      %swap3A_2614 = arith.index_cast %add3A_2613 : i32 to index
      %swap3A_2615 = tpu.vector_load %arg7[%swap3A_2614] {strides = array<i32>} : memref<16384xf32, #tpu.memory_space<vmem>>, vector<16xf32>,
      %swap3A_2616 = vector.shape_cast %swap3A_2615 : vector<16xf32> to vector<16xf32>
      %swap3A_2617 = vector.shape_cast %select_n3A_2609 : vector<16xf32> to vector<16xf32>
      tpu.vector_store %arg7[%swap3A_2614], %swap3A_2617 {strides = array<i32>} : memref<16384xf32, #tpu.memory_space<vmem>>, vector<16xf32>,
      %add3A_2618 = arith.constant 416 : i32
      %add3A_2619 = arith.addi %mul3A_44, %add3A_2618 : i32
      %get3A_2620 = arith.index_cast %add3A_2619 : i32 to index
      %get3A_2621 = tpu.vector_load %arg5[%get3A_2620] {strides = array<i32>} : memref<18432xf32, #tpu.memory_space<vmem>>, vector<16xf32>,
      %get3A_2622 = vector.shape_cast %get3A_2621 : vector<16xf32> to vector<16xf32>
      %add3A_2623 = arith.constant 416 : i32
      %add3A_2624 = arith.addi %mul3A_40, %add3A_2623 : i32
      %get3A_2625 = arith.index_cast %add3A_2624 : i32 to index
      %get3A_2626 = tpu.vector_load %arg5[%get3A_2625] {strides = array<i32>} : memref<18432xf32, #tpu.memory_space<vmem>>, vector<16xf32>,
      %get3A_2627 = vector.shape_cast %get3A_2626 : vector<16xf32> to vector<16xf32>
      %add3A_2628 = arith.constant 416 : i32
      %add3A_2629 = arith.addi %mul3A_48, %add3A_2628 : i32
      %get3A_2630 = arith.index_cast %add3A_2629 : i32 to index
      %get3A_2631 = tpu.vector_load %arg5[%get3A_2630] {strides = array<i32>} : memref<18432xf32, #tpu.memory_space<vmem>>, vector<16xf32>,
      %get3A_2632 = vector.shape_cast %get3A_2631 : vector<16xf32> to vector<16xf32>
      %add3A_2633 = arith.constant 416 : i32
      %add3A_2634 = arith.addi %mul3A_50, %add3A_2633 : i32
      %get3A_2635 = arith.index_cast %add3A_2634 : i32 to index
      %get3A_2636 = tpu.vector_load %arg6[%get3A_2635] {strides = array<i32>} : memref<16384xf32, #tpu.memory_space<vmem>>, vector<16xf32>,
      %get3A_2637 = vector.shape_cast %get3A_2636 : vector<16xf32> to vector<16xf32>
      %abs3A_2638 = math.absf %get3A_2637 : vector<16xf32>
      %add3A_2639 = arith.constant 416 : i32
      %add3A_2640 = arith.addi %mul3A_40, %add3A_2639 : i32
      %sub3A_2641 = arith.constant 1 : i32
      %sub3A_2642 = arith.subi %add3A_2640, %sub3A_2641 : i32
      %get3A_2643 = arith.index_cast %sub3A_2642 : i32 to index
      %get3A_2644 = tpu.vector_load %arg5[%get3A_2643] {strides = array<i32>} : memref<18432xf32, #tpu.memory_space<vmem>>, vector<16xf32>,
      %get3A_2645 = vector.shape_cast %get3A_2644 : vector<16xf32> to vector<16xf32>
      %add3A_2646 = arith.constant 416 : i32
      %add3A_2647 = arith.addi %mul3A_44, %add3A_2646 : i32
      %sub3A_2648 = arith.constant 1 : i32
      %sub3A_2649 = arith.subi %add3A_2647, %sub3A_2648 : i32
      %get3A_2650 = arith.index_cast %sub3A_2649 : i32 to index
      %get3A_2651 = tpu.vector_load %arg5[%get3A_2650] {strides = array<i32>} : memref<18432xf32, #tpu.memory_space<vmem>>, vector<16xf32>,
      %get3A_2652 = vector.shape_cast %get3A_2651 : vector<16xf32> to vector<16xf32>
      %add3A_2653 = arith.constant 416 : i32
      %add3A_2654 = arith.addi %mul3A_48, %add3A_2653 : i32
      %sub3A_2655 = arith.constant 1 : i32
      %sub3A_2656 = arith.subi %add3A_2654, %sub3A_2655 : i32
      %get3A_2657 = arith.index_cast %sub3A_2656 : i32 to index
      %get3A_2658 = tpu.vector_load %arg5[%get3A_2657] {strides = array<i32>} : memref<18432xf32, #tpu.memory_space<vmem>>, vector<16xf32>,
      %get3A_2659 = vector.shape_cast %get3A_2658 : vector<16xf32> to vector<16xf32>
      %add3A_2660 = arith.constant 416 : i32
      %add3A_2661 = arith.addi %mul3A_40, %add3A_2660 : i32
      %add3A_2662 = arith.constant 1 : i32
      %add3A_2663 = arith.addi %add3A_2661, %add3A_2662 : i32
      %get3A_2664 = arith.index_cast %add3A_2663 : i32 to index
      %get3A_2665 = tpu.vector_load %arg5[%get3A_2664] {strides = array<i32>} : memref<18432xf32, #tpu.memory_space<vmem>>, vector<16xf32>,
      %get3A_2666 = vector.shape_cast %get3A_2665 : vector<16xf32> to vector<16xf32>
      %add3A_2667 = arith.constant 416 : i32
      %add3A_2668 = arith.addi %mul3A_44, %add3A_2667 : i32
      %add3A_2669 = arith.constant 1 : i32
      %add3A_2670 = arith.addi %add3A_2668, %add3A_2669 : i32
      %get3A_2671 = arith.index_cast %add3A_2670 : i32 to index
      %get3A_2672 = tpu.vector_load %arg5[%get3A_2671] {strides = array<i32>} : memref<18432xf32, #tpu.memory_space<vmem>>, vector<16xf32>,
      %get3A_2673 = vector.shape_cast %get3A_2672 : vector<16xf32> to vector<16xf32>
      %add3A_2674 = arith.constant 416 : i32
      %add3A_2675 = arith.addi %mul3A_48, %add3A_2674 : i32
      %add3A_2676 = arith.constant 1 : i32
      %add3A_2677 = arith.addi %add3A_2675, %add3A_2676 : i32
      %get3A_2678 = arith.index_cast %add3A_2677 : i32 to index
      %get3A_2679 = tpu.vector_load %arg5[%get3A_2678] {strides = array<i32>} : memref<18432xf32, #tpu.memory_space<vmem>>, vector<16xf32>,
      %get3A_2680 = vector.shape_cast %get3A_2679 : vector<16xf32> to vector<16xf32>
      %max3A_2681 = arith.maximumf %get3A_2652, %get3A_2673 : vector<16xf32>
      %max3A_2682 = arith.maximumf %get3A_2627, %get3A_2632 : vector<16xf32>
      %max3A_2683 = arith.maximumf %get3A_2666, %get3A_2659 : vector<16xf32>
      %max3A_2684 = arith.maximumf %get3A_2645, %get3A_2680 : vector<16xf32>
      %lt3A_2685 = arith.constant 0.392699093 : f32
      %lt3A_2686 = vector.broadcast %lt3A_2685 : f32 to vector<16xf32>
      %lt3A_2687 = arith.cmpf olt, %abs3A_2638, %lt3A_2686 : vector<16xf32>
      %ge3A_2688 = arith.constant 2.7488935 : f32
      %ge3A_2689 = vector.broadcast %ge3A_2688 : f32 to vector<16xf32>
      %ge3A_2690 = arith.cmpf oge, %abs3A_2638, %ge3A_2689 : vector<16xf32>
      %or3A_2691 = arith.ori %lt3A_2687, %ge3A_2690 : vector<16xi1>
      %lt3A_2692 = arith.constant 1.17809725 : f32
      %lt3A_2693 = vector.broadcast %lt3A_2692 : f32 to vector<16xf32>
      %lt3A_2694 = arith.cmpf olt, %abs3A_2638, %lt3A_2693 : vector<16xf32>
      %lt3A_2695 = arith.constant 1.96349537 : f32
      %lt3A_2696 = vector.broadcast %lt3A_2695 : f32 to vector<16xf32>
      %lt3A_2697 = arith.cmpf olt, %abs3A_2638, %lt3A_2696 : vector<16xf32>
      %select_n3A_2698 = arith.select %lt3A_2697, %max3A_2682, %max3A_2684 : vector<16xi1>, vector<16xf32>
      %select_n3A_2699 = arith.select %lt3A_2694, %max3A_2683, %select_n3A_2698 : vector<16xi1>, vector<16xf32>
      %select_n3A_2700 = arith.select %or3A_2691, %max3A_2681, %select_n3A_2699 : vector<16xi1>, vector<16xf32>
      %ge3A_2701 = arith.cmpf oge, %get3A_2622, %select_n3A_2700 : vector<16xf32>
      %le3A_2702 = arith.constant 3.14159274 : f32
      %le3A_2703 = vector.broadcast %le3A_2702 : f32 to vector<16xf32>
      %le3A_2704 = arith.cmpf ole, %abs3A_2638, %le3A_2703 : vector<16xf32>
      %and3A_2705 = arith.andi %ge3A_2701, %le3A_2704 : vector<16xi1>
      %broadcast_in_dim3A_2706 = arith.constant 0.000000e+00 : f32
      %broadcast_in_dim3A_2707 = vector.broadcast %broadcast_in_dim3A_2706 : f32 to vector<16xf32>
      %select_n3A_2708 = arith.select %and3A_2705, %get3A_2622, %broadcast_in_dim3A_2707 : vector<16xi1>, vector<16xf32>
      %mul3A_2709 = arith.constant 512 : i32
      %mul3A_2710 = arith.muli %scan3A_36, %mul3A_2709 : i32
      %add3A_2711 = arith.constant 416 : i32
      %add3A_2712 = arith.addi %mul3A_2710, %add3A_2711 : i32
      %swap3A_2713 = arith.index_cast %add3A_2712 : i32 to index
      %swap3A_2714 = tpu.vector_load %arg7[%swap3A_2713] {strides = array<i32>} : memref<16384xf32, #tpu.memory_space<vmem>>, vector<16xf32>,
      %swap3A_2715 = vector.shape_cast %swap3A_2714 : vector<16xf32> to vector<16xf32>
      %swap3A_2716 = vector.shape_cast %select_n3A_2708 : vector<16xf32> to vector<16xf32>
      tpu.vector_store %arg7[%swap3A_2713], %swap3A_2716 {strides = array<i32>} : memref<16384xf32, #tpu.memory_space<vmem>>, vector<16xf32>,
      %add3A_2717 = arith.constant 432 : i32
      %add3A_2718 = arith.addi %mul3A_44, %add3A_2717 : i32
      %get3A_2719 = arith.index_cast %add3A_2718 : i32 to index
      %get3A_2720 = tpu.vector_load %arg5[%get3A_2719] {strides = array<i32>} : memref<18432xf32, #tpu.memory_space<vmem>>, vector<16xf32>,
      %get3A_2721 = vector.shape_cast %get3A_2720 : vector<16xf32> to vector<16xf32>
      %add3A_2722 = arith.constant 432 : i32
      %add3A_2723 = arith.addi %mul3A_40, %add3A_2722 : i32
      %get3A_2724 = arith.index_cast %add3A_2723 : i32 to index
      %get3A_2725 = tpu.vector_load %arg5[%get3A_2724] {strides = array<i32>} : memref<18432xf32, #tpu.memory_space<vmem>>, vector<16xf32>,
      %get3A_2726 = vector.shape_cast %get3A_2725 : vector<16xf32> to vector<16xf32>
      %add3A_2727 = arith.constant 432 : i32
      %add3A_2728 = arith.addi %mul3A_48, %add3A_2727 : i32
      %get3A_2729 = arith.index_cast %add3A_2728 : i32 to index
      %get3A_2730 = tpu.vector_load %arg5[%get3A_2729] {strides = array<i32>} : memref<18432xf32, #tpu.memory_space<vmem>>, vector<16xf32>,
      %get3A_2731 = vector.shape_cast %get3A_2730 : vector<16xf32> to vector<16xf32>
      %add3A_2732 = arith.constant 432 : i32
      %add3A_2733 = arith.addi %mul3A_50, %add3A_2732 : i32
      %get3A_2734 = arith.index_cast %add3A_2733 : i32 to index
      %get3A_2735 = tpu.vector_load %arg6[%get3A_2734] {strides = array<i32>} : memref<16384xf32, #tpu.memory_space<vmem>>, vector<16xf32>,
      %get3A_2736 = vector.shape_cast %get3A_2735 : vector<16xf32> to vector<16xf32>
      %abs3A_2737 = math.absf %get3A_2736 : vector<16xf32>
      %add3A_2738 = arith.constant 432 : i32
      %add3A_2739 = arith.addi %mul3A_40, %add3A_2738 : i32
      %sub3A_2740 = arith.constant 1 : i32
      %sub3A_2741 = arith.subi %add3A_2739, %sub3A_2740 : i32
      %get3A_2742 = arith.index_cast %sub3A_2741 : i32 to index
      %get3A_2743 = tpu.vector_load %arg5[%get3A_2742] {strides = array<i32>} : memref<18432xf32, #tpu.memory_space<vmem>>, vector<16xf32>,
      %get3A_2744 = vector.shape_cast %get3A_2743 : vector<16xf32> to vector<16xf32>
      %add3A_2745 = arith.constant 432 : i32
      %add3A_2746 = arith.addi %mul3A_44, %add3A_2745 : i32
      %sub3A_2747 = arith.constant 1 : i32
      %sub3A_2748 = arith.subi %add3A_2746, %sub3A_2747 : i32
      %get3A_2749 = arith.index_cast %sub3A_2748 : i32 to index
      %get3A_2750 = tpu.vector_load %arg5[%get3A_2749] {strides = array<i32>} : memref<18432xf32, #tpu.memory_space<vmem>>, vector<16xf32>,
      %get3A_2751 = vector.shape_cast %get3A_2750 : vector<16xf32> to vector<16xf32>
      %add3A_2752 = arith.constant 432 : i32
      %add3A_2753 = arith.addi %mul3A_48, %add3A_2752 : i32
      %sub3A_2754 = arith.constant 1 : i32
      %sub3A_2755 = arith.subi %add3A_2753, %sub3A_2754 : i32
      %get3A_2756 = arith.index_cast %sub3A_2755 : i32 to index
      %get3A_2757 = tpu.vector_load %arg5[%get3A_2756] {strides = array<i32>} : memref<18432xf32, #tpu.memory_space<vmem>>, vector<16xf32>,
      %get3A_2758 = vector.shape_cast %get3A_2757 : vector<16xf32> to vector<16xf32>
      %add3A_2759 = arith.constant 432 : i32
      %add3A_2760 = arith.addi %mul3A_40, %add3A_2759 : i32
      %add3A_2761 = arith.constant 1 : i32
      %add3A_2762 = arith.addi %add3A_2760, %add3A_2761 : i32
      %get3A_2763 = arith.index_cast %add3A_2762 : i32 to index
      %get3A_2764 = tpu.vector_load %arg5[%get3A_2763] {strides = array<i32>} : memref<18432xf32, #tpu.memory_space<vmem>>, vector<16xf32>,
      %get3A_2765 = vector.shape_cast %get3A_2764 : vector<16xf32> to vector<16xf32>
      %add3A_2766 = arith.constant 432 : i32
      %add3A_2767 = arith.addi %mul3A_44, %add3A_2766 : i32
      %add3A_2768 = arith.constant 1 : i32
      %add3A_2769 = arith.addi %add3A_2767, %add3A_2768 : i32
      %get3A_2770 = arith.index_cast %add3A_2769 : i32 to index
      %get3A_2771 = tpu.vector_load %arg5[%get3A_2770] {strides = array<i32>} : memref<18432xf32, #tpu.memory_space<vmem>>, vector<16xf32>,
      %get3A_2772 = vector.shape_cast %get3A_2771 : vector<16xf32> to vector<16xf32>
      %add3A_2773 = arith.constant 432 : i32
      %add3A_2774 = arith.addi %mul3A_48, %add3A_2773 : i32
      %add3A_2775 = arith.constant 1 : i32
      %add3A_2776 = arith.addi %add3A_2774, %add3A_2775 : i32
      %get3A_2777 = arith.index_cast %add3A_2776 : i32 to index
      %get3A_2778 = tpu.vector_load %arg5[%get3A_2777] {strides = array<i32>} : memref<18432xf32, #tpu.memory_space<vmem>>, vector<16xf32>,
      %get3A_2779 = vector.shape_cast %get3A_2778 : vector<16xf32> to vector<16xf32>
      %max3A_2780 = arith.maximumf %get3A_2751, %get3A_2772 : vector<16xf32>
      %max3A_2781 = arith.maximumf %get3A_2726, %get3A_2731 : vector<16xf32>
      %max3A_2782 = arith.maximumf %get3A_2765, %get3A_2758 : vector<16xf32>
      %max3A_2783 = arith.maximumf %get3A_2744, %get3A_2779 : vector<16xf32>
      %lt3A_2784 = arith.constant 0.392699093 : f32
      %lt3A_2785 = vector.broadcast %lt3A_2784 : f32 to vector<16xf32>
      %lt3A_2786 = arith.cmpf olt, %abs3A_2737, %lt3A_2785 : vector<16xf32>
      %ge3A_2787 = arith.constant 2.7488935 : f32
      %ge3A_2788 = vector.broadcast %ge3A_2787 : f32 to vector<16xf32>
      %ge3A_2789 = arith.cmpf oge, %abs3A_2737, %ge3A_2788 : vector<16xf32>
      %or3A_2790 = arith.ori %lt3A_2786, %ge3A_2789 : vector<16xi1>
      %lt3A_2791 = arith.constant 1.17809725 : f32
      %lt3A_2792 = vector.broadcast %lt3A_2791 : f32 to vector<16xf32>
      %lt3A_2793 = arith.cmpf olt, %abs3A_2737, %lt3A_2792 : vector<16xf32>
      %lt3A_2794 = arith.constant 1.96349537 : f32
      %lt3A_2795 = vector.broadcast %lt3A_2794 : f32 to vector<16xf32>
      %lt3A_2796 = arith.cmpf olt, %abs3A_2737, %lt3A_2795 : vector<16xf32>
      %select_n3A_2797 = arith.select %lt3A_2796, %max3A_2781, %max3A_2783 : vector<16xi1>, vector<16xf32>
      %select_n3A_2798 = arith.select %lt3A_2793, %max3A_2782, %select_n3A_2797 : vector<16xi1>, vector<16xf32>
      %select_n3A_2799 = arith.select %or3A_2790, %max3A_2780, %select_n3A_2798 : vector<16xi1>, vector<16xf32>
      %ge3A_2800 = arith.cmpf oge, %get3A_2721, %select_n3A_2799 : vector<16xf32>
      %le3A_2801 = arith.constant 3.14159274 : f32
      %le3A_2802 = vector.broadcast %le3A_2801 : f32 to vector<16xf32>
      %le3A_2803 = arith.cmpf ole, %abs3A_2737, %le3A_2802 : vector<16xf32>
      %and3A_2804 = arith.andi %ge3A_2800, %le3A_2803 : vector<16xi1>
      %broadcast_in_dim3A_2805 = arith.constant 0.000000e+00 : f32
      %broadcast_in_dim3A_2806 = vector.broadcast %broadcast_in_dim3A_2805 : f32 to vector<16xf32>
      %select_n3A_2807 = arith.select %and3A_2804, %get3A_2721, %broadcast_in_dim3A_2806 : vector<16xi1>, vector<16xf32>
      %mul3A_2808 = arith.constant 512 : i32
      %mul3A_2809 = arith.muli %scan3A_36, %mul3A_2808 : i32
      %add3A_2810 = arith.constant 432 : i32
      %add3A_2811 = arith.addi %mul3A_2809, %add3A_2810 : i32
      %swap3A_2812 = arith.index_cast %add3A_2811 : i32 to index
      %swap3A_2813 = tpu.vector_load %arg7[%swap3A_2812] {strides = array<i32>} : memref<16384xf32, #tpu.memory_space<vmem>>, vector<16xf32>,
      %swap3A_2814 = vector.shape_cast %swap3A_2813 : vector<16xf32> to vector<16xf32>
      %swap3A_2815 = vector.shape_cast %select_n3A_2807 : vector<16xf32> to vector<16xf32>
      tpu.vector_store %arg7[%swap3A_2812], %swap3A_2815 {strides = array<i32>} : memref<16384xf32, #tpu.memory_space<vmem>>, vector<16xf32>,
      %add3A_2816 = arith.constant 448 : i32
      %add3A_2817 = arith.addi %mul3A_44, %add3A_2816 : i32
      %get3A_2818 = arith.index_cast %add3A_2817 : i32 to index
      %get3A_2819 = tpu.vector_load %arg5[%get3A_2818] {strides = array<i32>} : memref<18432xf32, #tpu.memory_space<vmem>>, vector<16xf32>,
      %get3A_2820 = vector.shape_cast %get3A_2819 : vector<16xf32> to vector<16xf32>
      %add3A_2821 = arith.constant 448 : i32
      %add3A_2822 = arith.addi %mul3A_40, %add3A_2821 : i32
      %get3A_2823 = arith.index_cast %add3A_2822 : i32 to index
      %get3A_2824 = tpu.vector_load %arg5[%get3A_2823] {strides = array<i32>} : memref<18432xf32, #tpu.memory_space<vmem>>, vector<16xf32>,
      %get3A_2825 = vector.shape_cast %get3A_2824 : vector<16xf32> to vector<16xf32>
      %add3A_2826 = arith.constant 448 : i32
      %add3A_2827 = arith.addi %mul3A_48, %add3A_2826 : i32
      %get3A_2828 = arith.index_cast %add3A_2827 : i32 to index
      %get3A_2829 = tpu.vector_load %arg5[%get3A_2828] {strides = array<i32>} : memref<18432xf32, #tpu.memory_space<vmem>>, vector<16xf32>,
      %get3A_2830 = vector.shape_cast %get3A_2829 : vector<16xf32> to vector<16xf32>
      %add3A_2831 = arith.constant 448 : i32
      %add3A_2832 = arith.addi %mul3A_50, %add3A_2831 : i32
      %get3A_2833 = arith.index_cast %add3A_2832 : i32 to index
      %get3A_2834 = tpu.vector_load %arg6[%get3A_2833] {strides = array<i32>} : memref<16384xf32, #tpu.memory_space<vmem>>, vector<16xf32>,
      %get3A_2835 = vector.shape_cast %get3A_2834 : vector<16xf32> to vector<16xf32>
      %abs3A_2836 = math.absf %get3A_2835 : vector<16xf32>
      %add3A_2837 = arith.constant 448 : i32
      %add3A_2838 = arith.addi %mul3A_40, %add3A_2837 : i32
      %sub3A_2839 = arith.constant 1 : i32
      %sub3A_2840 = arith.subi %add3A_2838, %sub3A_2839 : i32
      %get3A_2841 = arith.index_cast %sub3A_2840 : i32 to index
      %get3A_2842 = tpu.vector_load %arg5[%get3A_2841] {strides = array<i32>} : memref<18432xf32, #tpu.memory_space<vmem>>, vector<16xf32>,
      %get3A_2843 = vector.shape_cast %get3A_2842 : vector<16xf32> to vector<16xf32>
      %add3A_2844 = arith.constant 448 : i32
      %add3A_2845 = arith.addi %mul3A_44, %add3A_2844 : i32
      %sub3A_2846 = arith.constant 1 : i32
      %sub3A_2847 = arith.subi %add3A_2845, %sub3A_2846 : i32
      %get3A_2848 = arith.index_cast %sub3A_2847 : i32 to index
      %get3A_2849 = tpu.vector_load %arg5[%get3A_2848] {strides = array<i32>} : memref<18432xf32, #tpu.memory_space<vmem>>, vector<16xf32>,
      %get3A_2850 = vector.shape_cast %get3A_2849 : vector<16xf32> to vector<16xf32>
      %add3A_2851 = arith.constant 448 : i32
      %add3A_2852 = arith.addi %mul3A_48, %add3A_2851 : i32
      %sub3A_2853 = arith.constant 1 : i32
      %sub3A_2854 = arith.subi %add3A_2852, %sub3A_2853 : i32
      %get3A_2855 = arith.index_cast %sub3A_2854 : i32 to index
      %get3A_2856 = tpu.vector_load %arg5[%get3A_2855] {strides = array<i32>} : memref<18432xf32, #tpu.memory_space<vmem>>, vector<16xf32>,
      %get3A_2857 = vector.shape_cast %get3A_2856 : vector<16xf32> to vector<16xf32>
      %add3A_2858 = arith.constant 448 : i32
      %add3A_2859 = arith.addi %mul3A_40, %add3A_2858 : i32
      %add3A_2860 = arith.constant 1 : i32
      %add3A_2861 = arith.addi %add3A_2859, %add3A_2860 : i32
      %get3A_2862 = arith.index_cast %add3A_2861 : i32 to index
      %get3A_2863 = tpu.vector_load %arg5[%get3A_2862] {strides = array<i32>} : memref<18432xf32, #tpu.memory_space<vmem>>, vector<16xf32>,
      %get3A_2864 = vector.shape_cast %get3A_2863 : vector<16xf32> to vector<16xf32>
      %add3A_2865 = arith.constant 448 : i32
      %add3A_2866 = arith.addi %mul3A_44, %add3A_2865 : i32
      %add3A_2867 = arith.constant 1 : i32
      %add3A_2868 = arith.addi %add3A_2866, %add3A_2867 : i32
      %get3A_2869 = arith.index_cast %add3A_2868 : i32 to index
      %get3A_2870 = tpu.vector_load %arg5[%get3A_2869] {strides = array<i32>} : memref<18432xf32, #tpu.memory_space<vmem>>, vector<16xf32>,
      %get3A_2871 = vector.shape_cast %get3A_2870 : vector<16xf32> to vector<16xf32>
      %add3A_2872 = arith.constant 448 : i32
      %add3A_2873 = arith.addi %mul3A_48, %add3A_2872 : i32
      %add3A_2874 = arith.constant 1 : i32
      %add3A_2875 = arith.addi %add3A_2873, %add3A_2874 : i32
      %get3A_2876 = arith.index_cast %add3A_2875 : i32 to index
      %get3A_2877 = tpu.vector_load %arg5[%get3A_2876] {strides = array<i32>} : memref<18432xf32, #tpu.memory_space<vmem>>, vector<16xf32>,
      %get3A_2878 = vector.shape_cast %get3A_2877 : vector<16xf32> to vector<16xf32>
      %max3A_2879 = arith.maximumf %get3A_2850, %get3A_2871 : vector<16xf32>
      %max3A_2880 = arith.maximumf %get3A_2825, %get3A_2830 : vector<16xf32>
      %max3A_2881 = arith.maximumf %get3A_2864, %get3A_2857 : vector<16xf32>
      %max3A_2882 = arith.maximumf %get3A_2843, %get3A_2878 : vector<16xf32>
      %lt3A_2883 = arith.constant 0.392699093 : f32
      %lt3A_2884 = vector.broadcast %lt3A_2883 : f32 to vector<16xf32>
      %lt3A_2885 = arith.cmpf olt, %abs3A_2836, %lt3A_2884 : vector<16xf32>
      %ge3A_2886 = arith.constant 2.7488935 : f32
      %ge3A_2887 = vector.broadcast %ge3A_2886 : f32 to vector<16xf32>
      %ge3A_2888 = arith.cmpf oge, %abs3A_2836, %ge3A_2887 : vector<16xf32>
      %or3A_2889 = arith.ori %lt3A_2885, %ge3A_2888 : vector<16xi1>
      %lt3A_2890 = arith.constant 1.17809725 : f32
      %lt3A_2891 = vector.broadcast %lt3A_2890 : f32 to vector<16xf32>
      %lt3A_2892 = arith.cmpf olt, %abs3A_2836, %lt3A_2891 : vector<16xf32>
      %lt3A_2893 = arith.constant 1.96349537 : f32
      %lt3A_2894 = vector.broadcast %lt3A_2893 : f32 to vector<16xf32>
      %lt3A_2895 = arith.cmpf olt, %abs3A_2836, %lt3A_2894 : vector<16xf32>
      %select_n3A_2896 = arith.select %lt3A_2895, %max3A_2880, %max3A_2882 : vector<16xi1>, vector<16xf32>
      %select_n3A_2897 = arith.select %lt3A_2892, %max3A_2881, %select_n3A_2896 : vector<16xi1>, vector<16xf32>
      %select_n3A_2898 = arith.select %or3A_2889, %max3A_2879, %select_n3A_2897 : vector<16xi1>, vector<16xf32>
      %ge3A_2899 = arith.cmpf oge, %get3A_2820, %select_n3A_2898 : vector<16xf32>
      %le3A_2900 = arith.constant 3.14159274 : f32
      %le3A_2901 = vector.broadcast %le3A_2900 : f32 to vector<16xf32>
      %le3A_2902 = arith.cmpf ole, %abs3A_2836, %le3A_2901 : vector<16xf32>
      %and3A_2903 = arith.andi %ge3A_2899, %le3A_2902 : vector<16xi1>
      %broadcast_in_dim3A_2904 = arith.constant 0.000000e+00 : f32
      %broadcast_in_dim3A_2905 = vector.broadcast %broadcast_in_dim3A_2904 : f32 to vector<16xf32>
      %select_n3A_2906 = arith.select %and3A_2903, %get3A_2820, %broadcast_in_dim3A_2905 : vector<16xi1>, vector<16xf32>
      %mul3A_2907 = arith.constant 512 : i32
      %mul3A_2908 = arith.muli %scan3A_36, %mul3A_2907 : i32
      %add3A_2909 = arith.constant 448 : i32
      %add3A_2910 = arith.addi %mul3A_2908, %add3A_2909 : i32
      %swap3A_2911 = arith.index_cast %add3A_2910 : i32 to index
      %swap3A_2912 = tpu.vector_load %arg7[%swap3A_2911] {strides = array<i32>} : memref<16384xf32, #tpu.memory_space<vmem>>, vector<16xf32>,
      %swap3A_2913 = vector.shape_cast %swap3A_2912 : vector<16xf32> to vector<16xf32>
      %swap3A_2914 = vector.shape_cast %select_n3A_2906 : vector<16xf32> to vector<16xf32>
      tpu.vector_store %arg7[%swap3A_2911], %swap3A_2914 {strides = array<i32>} : memref<16384xf32, #tpu.memory_space<vmem>>, vector<16xf32>,
      %add3A_2915 = arith.constant 464 : i32
      %add3A_2916 = arith.addi %mul3A_44, %add3A_2915 : i32
      %get3A_2917 = arith.index_cast %add3A_2916 : i32 to index
      %get3A_2918 = tpu.vector_load %arg5[%get3A_2917] {strides = array<i32>} : memref<18432xf32, #tpu.memory_space<vmem>>, vector<16xf32>,
      %get3A_2919 = vector.shape_cast %get3A_2918 : vector<16xf32> to vector<16xf32>
      %add3A_2920 = arith.constant 464 : i32
      %add3A_2921 = arith.addi %mul3A_40, %add3A_2920 : i32
      %get3A_2922 = arith.index_cast %add3A_2921 : i32 to index
      %get3A_2923 = tpu.vector_load %arg5[%get3A_2922] {strides = array<i32>} : memref<18432xf32, #tpu.memory_space<vmem>>, vector<16xf32>,
      %get3A_2924 = vector.shape_cast %get3A_2923 : vector<16xf32> to vector<16xf32>
      %add3A_2925 = arith.constant 464 : i32
      %add3A_2926 = arith.addi %mul3A_48, %add3A_2925 : i32
      %get3A_2927 = arith.index_cast %add3A_2926 : i32 to index
      %get3A_2928 = tpu.vector_load %arg5[%get3A_2927] {strides = array<i32>} : memref<18432xf32, #tpu.memory_space<vmem>>, vector<16xf32>,
      %get3A_2929 = vector.shape_cast %get3A_2928 : vector<16xf32> to vector<16xf32>
      %add3A_2930 = arith.constant 464 : i32
      %add3A_2931 = arith.addi %mul3A_50, %add3A_2930 : i32
      %get3A_2932 = arith.index_cast %add3A_2931 : i32 to index
      %get3A_2933 = tpu.vector_load %arg6[%get3A_2932] {strides = array<i32>} : memref<16384xf32, #tpu.memory_space<vmem>>, vector<16xf32>,
      %get3A_2934 = vector.shape_cast %get3A_2933 : vector<16xf32> to vector<16xf32>
      %abs3A_2935 = math.absf %get3A_2934 : vector<16xf32>
      %add3A_2936 = arith.constant 464 : i32
      %add3A_2937 = arith.addi %mul3A_40, %add3A_2936 : i32
      %sub3A_2938 = arith.constant 1 : i32
      %sub3A_2939 = arith.subi %add3A_2937, %sub3A_2938 : i32
      %get3A_2940 = arith.index_cast %sub3A_2939 : i32 to index
      %get3A_2941 = tpu.vector_load %arg5[%get3A_2940] {strides = array<i32>} : memref<18432xf32, #tpu.memory_space<vmem>>, vector<16xf32>,
      %get3A_2942 = vector.shape_cast %get3A_2941 : vector<16xf32> to vector<16xf32>
      %add3A_2943 = arith.constant 464 : i32
      %add3A_2944 = arith.addi %mul3A_44, %add3A_2943 : i32
      %sub3A_2945 = arith.constant 1 : i32
      %sub3A_2946 = arith.subi %add3A_2944, %sub3A_2945 : i32
      %get3A_2947 = arith.index_cast %sub3A_2946 : i32 to index
      %get3A_2948 = tpu.vector_load %arg5[%get3A_2947] {strides = array<i32>} : memref<18432xf32, #tpu.memory_space<vmem>>, vector<16xf32>,
      %get3A_2949 = vector.shape_cast %get3A_2948 : vector<16xf32> to vector<16xf32>
      %add3A_2950 = arith.constant 464 : i32
      %add3A_2951 = arith.addi %mul3A_48, %add3A_2950 : i32
      %sub3A_2952 = arith.constant 1 : i32
      %sub3A_2953 = arith.subi %add3A_2951, %sub3A_2952 : i32
      %get3A_2954 = arith.index_cast %sub3A_2953 : i32 to index
      %get3A_2955 = tpu.vector_load %arg5[%get3A_2954] {strides = array<i32>} : memref<18432xf32, #tpu.memory_space<vmem>>, vector<16xf32>,
      %get3A_2956 = vector.shape_cast %get3A_2955 : vector<16xf32> to vector<16xf32>
      %add3A_2957 = arith.constant 464 : i32
      %add3A_2958 = arith.addi %mul3A_40, %add3A_2957 : i32
      %add3A_2959 = arith.constant 1 : i32
      %add3A_2960 = arith.addi %add3A_2958, %add3A_2959 : i32
      %get3A_2961 = arith.index_cast %add3A_2960 : i32 to index
      %get3A_2962 = tpu.vector_load %arg5[%get3A_2961] {strides = array<i32>} : memref<18432xf32, #tpu.memory_space<vmem>>, vector<16xf32>,
      %get3A_2963 = vector.shape_cast %get3A_2962 : vector<16xf32> to vector<16xf32>
      %add3A_2964 = arith.constant 464 : i32
      %add3A_2965 = arith.addi %mul3A_44, %add3A_2964 : i32
      %add3A_2966 = arith.constant 1 : i32
      %add3A_2967 = arith.addi %add3A_2965, %add3A_2966 : i32
      %get3A_2968 = arith.index_cast %add3A_2967 : i32 to index
      %get3A_2969 = tpu.vector_load %arg5[%get3A_2968] {strides = array<i32>} : memref<18432xf32, #tpu.memory_space<vmem>>, vector<16xf32>,
      %get3A_2970 = vector.shape_cast %get3A_2969 : vector<16xf32> to vector<16xf32>
      %add3A_2971 = arith.constant 464 : i32
      %add3A_2972 = arith.addi %mul3A_48, %add3A_2971 : i32
      %add3A_2973 = arith.constant 1 : i32
      %add3A_2974 = arith.addi %add3A_2972, %add3A_2973 : i32
      %get3A_2975 = arith.index_cast %add3A_2974 : i32 to index
      %get3A_2976 = tpu.vector_load %arg5[%get3A_2975] {strides = array<i32>} : memref<18432xf32, #tpu.memory_space<vmem>>, vector<16xf32>,
      %get3A_2977 = vector.shape_cast %get3A_2976 : vector<16xf32> to vector<16xf32>
      %max3A_2978 = arith.maximumf %get3A_2949, %get3A_2970 : vector<16xf32>
      %max3A_2979 = arith.maximumf %get3A_2924, %get3A_2929 : vector<16xf32>
      %max3A_2980 = arith.maximumf %get3A_2963, %get3A_2956 : vector<16xf32>
      %max3A_2981 = arith.maximumf %get3A_2942, %get3A_2977 : vector<16xf32>
      %lt3A_2982 = arith.constant 0.392699093 : f32
      %lt3A_2983 = vector.broadcast %lt3A_2982 : f32 to vector<16xf32>
      %lt3A_2984 = arith.cmpf olt, %abs3A_2935, %lt3A_2983 : vector<16xf32>
      %ge3A_2985 = arith.constant 2.7488935 : f32
      %ge3A_2986 = vector.broadcast %ge3A_2985 : f32 to vector<16xf32>
      %ge3A_2987 = arith.cmpf oge, %abs3A_2935, %ge3A_2986 : vector<16xf32>
      %or3A_2988 = arith.ori %lt3A_2984, %ge3A_2987 : vector<16xi1>
      %lt3A_2989 = arith.constant 1.17809725 : f32
      %lt3A_2990 = vector.broadcast %lt3A_2989 : f32 to vector<16xf32>
      %lt3A_2991 = arith.cmpf olt, %abs3A_2935, %lt3A_2990 : vector<16xf32>
      %lt3A_2992 = arith.constant 1.96349537 : f32
      %lt3A_2993 = vector.broadcast %lt3A_2992 : f32 to vector<16xf32>
      %lt3A_2994 = arith.cmpf olt, %abs3A_2935, %lt3A_2993 : vector<16xf32>
      %select_n3A_2995 = arith.select %lt3A_2994, %max3A_2979, %max3A_2981 : vector<16xi1>, vector<16xf32>
      %select_n3A_2996 = arith.select %lt3A_2991, %max3A_2980, %select_n3A_2995 : vector<16xi1>, vector<16xf32>
      %select_n3A_2997 = arith.select %or3A_2988, %max3A_2978, %select_n3A_2996 : vector<16xi1>, vector<16xf32>
      %ge3A_2998 = arith.cmpf oge, %get3A_2919, %select_n3A_2997 : vector<16xf32>
      %le3A_2999 = arith.constant 3.14159274 : f32
      %le3A_3000 = vector.broadcast %le3A_2999 : f32 to vector<16xf32>
      %le3A_3001 = arith.cmpf ole, %abs3A_2935, %le3A_3000 : vector<16xf32>
      %and3A_3002 = arith.andi %ge3A_2998, %le3A_3001 : vector<16xi1>
      %broadcast_in_dim3A_3003 = arith.constant 0.000000e+00 : f32
      %broadcast_in_dim3A_3004 = vector.broadcast %broadcast_in_dim3A_3003 : f32 to vector<16xf32>
      %select_n3A_3005 = arith.select %and3A_3002, %get3A_2919, %broadcast_in_dim3A_3004 : vector<16xi1>, vector<16xf32>
      %mul3A_3006 = arith.constant 512 : i32
      %mul3A_3007 = arith.muli %scan3A_36, %mul3A_3006 : i32
      %add3A_3008 = arith.constant 464 : i32
      %add3A_3009 = arith.addi %mul3A_3007, %add3A_3008 : i32
      %swap3A_3010 = arith.index_cast %add3A_3009 : i32 to index
      %swap3A_3011 = tpu.vector_load %arg7[%swap3A_3010] {strides = array<i32>} : memref<16384xf32, #tpu.memory_space<vmem>>, vector<16xf32>,
      %swap3A_3012 = vector.shape_cast %swap3A_3011 : vector<16xf32> to vector<16xf32>
      %swap3A_3013 = vector.shape_cast %select_n3A_3005 : vector<16xf32> to vector<16xf32>
      tpu.vector_store %arg7[%swap3A_3010], %swap3A_3013 {strides = array<i32>} : memref<16384xf32, #tpu.memory_space<vmem>>, vector<16xf32>,
      %add3A_3014 = arith.constant 480 : i32
      %add3A_3015 = arith.addi %mul3A_44, %add3A_3014 : i32
      %get3A_3016 = arith.index_cast %add3A_3015 : i32 to index
      %get3A_3017 = tpu.vector_load %arg5[%get3A_3016] {strides = array<i32>} : memref<18432xf32, #tpu.memory_space<vmem>>, vector<16xf32>,
      %get3A_3018 = vector.shape_cast %get3A_3017 : vector<16xf32> to vector<16xf32>
      %add3A_3019 = arith.constant 480 : i32
      %add3A_3020 = arith.addi %mul3A_40, %add3A_3019 : i32
      %get3A_3021 = arith.index_cast %add3A_3020 : i32 to index
      %get3A_3022 = tpu.vector_load %arg5[%get3A_3021] {strides = array<i32>} : memref<18432xf32, #tpu.memory_space<vmem>>, vector<16xf32>,
      %get3A_3023 = vector.shape_cast %get3A_3022 : vector<16xf32> to vector<16xf32>
      %add3A_3024 = arith.constant 480 : i32
      %add3A_3025 = arith.addi %mul3A_48, %add3A_3024 : i32
      %get3A_3026 = arith.index_cast %add3A_3025 : i32 to index
      %get3A_3027 = tpu.vector_load %arg5[%get3A_3026] {strides = array<i32>} : memref<18432xf32, #tpu.memory_space<vmem>>, vector<16xf32>,
      %get3A_3028 = vector.shape_cast %get3A_3027 : vector<16xf32> to vector<16xf32>
      %add3A_3029 = arith.constant 480 : i32
      %add3A_3030 = arith.addi %mul3A_50, %add3A_3029 : i32
      %get3A_3031 = arith.index_cast %add3A_3030 : i32 to index
      %get3A_3032 = tpu.vector_load %arg6[%get3A_3031] {strides = array<i32>} : memref<16384xf32, #tpu.memory_space<vmem>>, vector<16xf32>,
      %get3A_3033 = vector.shape_cast %get3A_3032 : vector<16xf32> to vector<16xf32>
      %abs3A_3034 = math.absf %get3A_3033 : vector<16xf32>
      %add3A_3035 = arith.constant 480 : i32
      %add3A_3036 = arith.addi %mul3A_40, %add3A_3035 : i32
      %sub3A_3037 = arith.constant 1 : i32
      %sub3A_3038 = arith.subi %add3A_3036, %sub3A_3037 : i32
      %get3A_3039 = arith.index_cast %sub3A_3038 : i32 to index
      %get3A_3040 = tpu.vector_load %arg5[%get3A_3039] {strides = array<i32>} : memref<18432xf32, #tpu.memory_space<vmem>>, vector<16xf32>,
      %get3A_3041 = vector.shape_cast %get3A_3040 : vector<16xf32> to vector<16xf32>
      %add3A_3042 = arith.constant 480 : i32
      %add3A_3043 = arith.addi %mul3A_44, %add3A_3042 : i32
      %sub3A_3044 = arith.constant 1 : i32
      %sub3A_3045 = arith.subi %add3A_3043, %sub3A_3044 : i32
      %get3A_3046 = arith.index_cast %sub3A_3045 : i32 to index
      %get3A_3047 = tpu.vector_load %arg5[%get3A_3046] {strides = array<i32>} : memref<18432xf32, #tpu.memory_space<vmem>>, vector<16xf32>,
      %get3A_3048 = vector.shape_cast %get3A_3047 : vector<16xf32> to vector<16xf32>
      %add3A_3049 = arith.constant 480 : i32
      %add3A_3050 = arith.addi %mul3A_48, %add3A_3049 : i32
      %sub3A_3051 = arith.constant 1 : i32
      %sub3A_3052 = arith.subi %add3A_3050, %sub3A_3051 : i32
      %get3A_3053 = arith.index_cast %sub3A_3052 : i32 to index
      %get3A_3054 = tpu.vector_load %arg5[%get3A_3053] {strides = array<i32>} : memref<18432xf32, #tpu.memory_space<vmem>>, vector<16xf32>,
      %get3A_3055 = vector.shape_cast %get3A_3054 : vector<16xf32> to vector<16xf32>
      %add3A_3056 = arith.constant 480 : i32
      %add3A_3057 = arith.addi %mul3A_40, %add3A_3056 : i32
      %add3A_3058 = arith.constant 1 : i32
      %add3A_3059 = arith.addi %add3A_3057, %add3A_3058 : i32
      %get3A_3060 = arith.index_cast %add3A_3059 : i32 to index
      %get3A_3061 = tpu.vector_load %arg5[%get3A_3060] {strides = array<i32>} : memref<18432xf32, #tpu.memory_space<vmem>>, vector<16xf32>,
      %get3A_3062 = vector.shape_cast %get3A_3061 : vector<16xf32> to vector<16xf32>
      %add3A_3063 = arith.constant 480 : i32
      %add3A_3064 = arith.addi %mul3A_44, %add3A_3063 : i32
      %add3A_3065 = arith.constant 1 : i32
      %add3A_3066 = arith.addi %add3A_3064, %add3A_3065 : i32
      %get3A_3067 = arith.index_cast %add3A_3066 : i32 to index
      %get3A_3068 = tpu.vector_load %arg5[%get3A_3067] {strides = array<i32>} : memref<18432xf32, #tpu.memory_space<vmem>>, vector<16xf32>,
      %get3A_3069 = vector.shape_cast %get3A_3068 : vector<16xf32> to vector<16xf32>
      %add3A_3070 = arith.constant 480 : i32
      %add3A_3071 = arith.addi %mul3A_48, %add3A_3070 : i32
      %add3A_3072 = arith.constant 1 : i32
      %add3A_3073 = arith.addi %add3A_3071, %add3A_3072 : i32
      %get3A_3074 = arith.index_cast %add3A_3073 : i32 to index
      %get3A_3075 = tpu.vector_load %arg5[%get3A_3074] {strides = array<i32>} : memref<18432xf32, #tpu.memory_space<vmem>>, vector<16xf32>,
      %get3A_3076 = vector.shape_cast %get3A_3075 : vector<16xf32> to vector<16xf32>
      %max3A_3077 = arith.maximumf %get3A_3048, %get3A_3069 : vector<16xf32>
      %max3A_3078 = arith.maximumf %get3A_3023, %get3A_3028 : vector<16xf32>
      %max3A_3079 = arith.maximumf %get3A_3062, %get3A_3055 : vector<16xf32>
      %max3A_3080 = arith.maximumf %get3A_3041, %get3A_3076 : vector<16xf32>
      %lt3A_3081 = arith.constant 0.392699093 : f32
      %lt3A_3082 = vector.broadcast %lt3A_3081 : f32 to vector<16xf32>
      %lt3A_3083 = arith.cmpf olt, %abs3A_3034, %lt3A_3082 : vector<16xf32>
      %ge3A_3084 = arith.constant 2.7488935 : f32
      %ge3A_3085 = vector.broadcast %ge3A_3084 : f32 to vector<16xf32>
      %ge3A_3086 = arith.cmpf oge, %abs3A_3034, %ge3A_3085 : vector<16xf32>
      %or3A_3087 = arith.ori %lt3A_3083, %ge3A_3086 : vector<16xi1>
      %lt3A_3088 = arith.constant 1.17809725 : f32
      %lt3A_3089 = vector.broadcast %lt3A_3088 : f32 to vector<16xf32>
      %lt3A_3090 = arith.cmpf olt, %abs3A_3034, %lt3A_3089 : vector<16xf32>
      %lt3A_3091 = arith.constant 1.96349537 : f32
      %lt3A_3092 = vector.broadcast %lt3A_3091 : f32 to vector<16xf32>
      %lt3A_3093 = arith.cmpf olt, %abs3A_3034, %lt3A_3092 : vector<16xf32>
      %select_n3A_3094 = arith.select %lt3A_3093, %max3A_3078, %max3A_3080 : vector<16xi1>, vector<16xf32>
      %select_n3A_3095 = arith.select %lt3A_3090, %max3A_3079, %select_n3A_3094 : vector<16xi1>, vector<16xf32>
      %select_n3A_3096 = arith.select %or3A_3087, %max3A_3077, %select_n3A_3095 : vector<16xi1>, vector<16xf32>
      %ge3A_3097 = arith.cmpf oge, %get3A_3018, %select_n3A_3096 : vector<16xf32>
      %le3A_3098 = arith.constant 3.14159274 : f32
      %le3A_3099 = vector.broadcast %le3A_3098 : f32 to vector<16xf32>
      %le3A_3100 = arith.cmpf ole, %abs3A_3034, %le3A_3099 : vector<16xf32>
      %and3A_3101 = arith.andi %ge3A_3097, %le3A_3100 : vector<16xi1>
      %broadcast_in_dim3A_3102 = arith.constant 0.000000e+00 : f32
      %broadcast_in_dim3A_3103 = vector.broadcast %broadcast_in_dim3A_3102 : f32 to vector<16xf32>
      %select_n3A_3104 = arith.select %and3A_3101, %get3A_3018, %broadcast_in_dim3A_3103 : vector<16xi1>, vector<16xf32>
      %mul3A_3105 = arith.constant 512 : i32
      %mul3A_3106 = arith.muli %scan3A_36, %mul3A_3105 : i32
      %add3A_3107 = arith.constant 480 : i32
      %add3A_3108 = arith.addi %mul3A_3106, %add3A_3107 : i32
      %swap3A_3109 = arith.index_cast %add3A_3108 : i32 to index
      %swap3A_3110 = tpu.vector_load %arg7[%swap3A_3109] {strides = array<i32>} : memref<16384xf32, #tpu.memory_space<vmem>>, vector<16xf32>,
      %swap3A_3111 = vector.shape_cast %swap3A_3110 : vector<16xf32> to vector<16xf32>
      %swap3A_3112 = vector.shape_cast %select_n3A_3104 : vector<16xf32> to vector<16xf32>
      tpu.vector_store %arg7[%swap3A_3109], %swap3A_3112 {strides = array<i32>} : memref<16384xf32, #tpu.memory_space<vmem>>, vector<16xf32>,
      %add3A_3113 = arith.constant 496 : i32
      %add3A_3114 = arith.addi %mul3A_44, %add3A_3113 : i32
      %get3A_3115 = arith.index_cast %add3A_3114 : i32 to index
      %get3A_3116 = tpu.vector_load %arg5[%get3A_3115] {strides = array<i32>} : memref<18432xf32, #tpu.memory_space<vmem>>, vector<16xf32>,
      %get3A_3117 = vector.shape_cast %get3A_3116 : vector<16xf32> to vector<16xf32>
      %add3A_3118 = arith.constant 496 : i32
      %add3A_3119 = arith.addi %mul3A_40, %add3A_3118 : i32
      %get3A_3120 = arith.index_cast %add3A_3119 : i32 to index
      %get3A_3121 = tpu.vector_load %arg5[%get3A_3120] {strides = array<i32>} : memref<18432xf32, #tpu.memory_space<vmem>>, vector<16xf32>,
      %get3A_3122 = vector.shape_cast %get3A_3121 : vector<16xf32> to vector<16xf32>
      %add3A_3123 = arith.constant 496 : i32
      %add3A_3124 = arith.addi %mul3A_48, %add3A_3123 : i32
      %get3A_3125 = arith.index_cast %add3A_3124 : i32 to index
      %get3A_3126 = tpu.vector_load %arg5[%get3A_3125] {strides = array<i32>} : memref<18432xf32, #tpu.memory_space<vmem>>, vector<16xf32>,
      %get3A_3127 = vector.shape_cast %get3A_3126 : vector<16xf32> to vector<16xf32>
      %add3A_3128 = arith.constant 496 : i32
      %add3A_3129 = arith.addi %mul3A_50, %add3A_3128 : i32
      %get3A_3130 = arith.index_cast %add3A_3129 : i32 to index
      %get3A_3131 = tpu.vector_load %arg6[%get3A_3130] {strides = array<i32>} : memref<16384xf32, #tpu.memory_space<vmem>>, vector<16xf32>,
      %get3A_3132 = vector.shape_cast %get3A_3131 : vector<16xf32> to vector<16xf32>
      %abs3A_3133 = math.absf %get3A_3132 : vector<16xf32>
      %add3A_3134 = arith.constant 496 : i32
      %add3A_3135 = arith.addi %mul3A_40, %add3A_3134 : i32
      %sub3A_3136 = arith.constant 1 : i32
      %sub3A_3137 = arith.subi %add3A_3135, %sub3A_3136 : i32
      %get3A_3138 = arith.index_cast %sub3A_3137 : i32 to index
      %get3A_3139 = tpu.vector_load %arg5[%get3A_3138] {strides = array<i32>} : memref<18432xf32, #tpu.memory_space<vmem>>, vector<16xf32>,
      %get3A_3140 = vector.shape_cast %get3A_3139 : vector<16xf32> to vector<16xf32>
      %add3A_3141 = arith.constant 496 : i32
      %add3A_3142 = arith.addi %mul3A_44, %add3A_3141 : i32
      %sub3A_3143 = arith.constant 1 : i32
      %sub3A_3144 = arith.subi %add3A_3142, %sub3A_3143 : i32
      %get3A_3145 = arith.index_cast %sub3A_3144 : i32 to index
      %get3A_3146 = tpu.vector_load %arg5[%get3A_3145] {strides = array<i32>} : memref<18432xf32, #tpu.memory_space<vmem>>, vector<16xf32>,
      %get3A_3147 = vector.shape_cast %get3A_3146 : vector<16xf32> to vector<16xf32>
      %add3A_3148 = arith.constant 496 : i32
      %add3A_3149 = arith.addi %mul3A_48, %add3A_3148 : i32
      %sub3A_3150 = arith.constant 1 : i32
      %sub3A_3151 = arith.subi %add3A_3149, %sub3A_3150 : i32
      %get3A_3152 = arith.index_cast %sub3A_3151 : i32 to index
      %get3A_3153 = tpu.vector_load %arg5[%get3A_3152] {strides = array<i32>} : memref<18432xf32, #tpu.memory_space<vmem>>, vector<16xf32>,
      %get3A_3154 = vector.shape_cast %get3A_3153 : vector<16xf32> to vector<16xf32>
      %add3A_3155 = arith.constant 496 : i32
      %add3A_3156 = arith.addi %mul3A_40, %add3A_3155 : i32
      %add3A_3157 = arith.constant 1 : i32
      %add3A_3158 = arith.addi %add3A_3156, %add3A_3157 : i32
      %get3A_3159 = arith.index_cast %add3A_3158 : i32 to index
      %get3A_3160 = tpu.vector_load %arg5[%get3A_3159] {strides = array<i32>} : memref<18432xf32, #tpu.memory_space<vmem>>, vector<16xf32>,
      %get3A_3161 = vector.shape_cast %get3A_3160 : vector<16xf32> to vector<16xf32>
      %add3A_3162 = arith.constant 496 : i32
      %add3A_3163 = arith.addi %mul3A_44, %add3A_3162 : i32
      %add3A_3164 = arith.constant 1 : i32
      %add3A_3165 = arith.addi %add3A_3163, %add3A_3164 : i32
      %get3A_3166 = arith.index_cast %add3A_3165 : i32 to index
      %get3A_3167 = tpu.vector_load %arg5[%get3A_3166] {strides = array<i32>} : memref<18432xf32, #tpu.memory_space<vmem>>, vector<16xf32>,
      %get3A_3168 = vector.shape_cast %get3A_3167 : vector<16xf32> to vector<16xf32>
      %add3A_3169 = arith.constant 496 : i32
      %add3A_3170 = arith.addi %mul3A_48, %add3A_3169 : i32
      %add3A_3171 = arith.constant 1 : i32
      %add3A_3172 = arith.addi %add3A_3170, %add3A_3171 : i32
      %get3A_3173 = arith.index_cast %add3A_3172 : i32 to index
      %get3A_3174 = tpu.vector_load %arg5[%get3A_3173] {strides = array<i32>} : memref<18432xf32, #tpu.memory_space<vmem>>, vector<16xf32>,
      %get3A_3175 = vector.shape_cast %get3A_3174 : vector<16xf32> to vector<16xf32>
      %select_n3A_3176 = arith.select %eq3A_7, %get3A_3122, %get3A_3161 : vector<16xi1>, vector<16xf32>
      %select_n3A_3177 = arith.select %eq3A_7, %get3A_3117, %get3A_3168 : vector<16xi1>, vector<16xf32>
      %select_n3A_3178 = arith.select %eq3A_7, %get3A_3127, %get3A_3175 : vector<16xi1>, vector<16xf32>
      %max3A_3179 = arith.maximumf %get3A_3147, %select_n3A_3177 : vector<16xf32>
      %max3A_3180 = arith.maximumf %get3A_3122, %get3A_3127 : vector<16xf32>
      %max3A_3181 = arith.maximumf %select_n3A_3176, %get3A_3154 : vector<16xf32>
      %max3A_3182 = arith.maximumf %get3A_3140, %select_n3A_3178 : vector<16xf32>
      %lt3A_3183 = arith.constant 0.392699093 : f32
      %lt3A_3184 = vector.broadcast %lt3A_3183 : f32 to vector<16xf32>
      %lt3A_3185 = arith.cmpf olt, %abs3A_3133, %lt3A_3184 : vector<16xf32>
      %ge3A_3186 = arith.constant 2.7488935 : f32
      %ge3A_3187 = vector.broadcast %ge3A_3186 : f32 to vector<16xf32>
      %ge3A_3188 = arith.cmpf oge, %abs3A_3133, %ge3A_3187 : vector<16xf32>
      %or3A_3189 = arith.ori %lt3A_3185, %ge3A_3188 : vector<16xi1>
      %lt3A_3190 = arith.constant 1.17809725 : f32
      %lt3A_3191 = vector.broadcast %lt3A_3190 : f32 to vector<16xf32>
      %lt3A_3192 = arith.cmpf olt, %abs3A_3133, %lt3A_3191 : vector<16xf32>
      %lt3A_3193 = arith.constant 1.96349537 : f32
      %lt3A_3194 = vector.broadcast %lt3A_3193 : f32 to vector<16xf32>
      %lt3A_3195 = arith.cmpf olt, %abs3A_3133, %lt3A_3194 : vector<16xf32>
      %select_n3A_3196 = arith.select %lt3A_3195, %max3A_3180, %max3A_3182 : vector<16xi1>, vector<16xf32>
      %select_n3A_3197 = arith.select %lt3A_3192, %max3A_3181, %select_n3A_3196 : vector<16xi1>, vector<16xf32>
      %select_n3A_3198 = arith.select %or3A_3189, %max3A_3179, %select_n3A_3197 : vector<16xi1>, vector<16xf32>
      %ge3A_3199 = arith.cmpf oge, %get3A_3117, %select_n3A_3198 : vector<16xf32>
      %le3A_3200 = arith.constant 3.14159274 : f32
      %le3A_3201 = vector.broadcast %le3A_3200 : f32 to vector<16xf32>
      %le3A_3202 = arith.cmpf ole, %abs3A_3133, %le3A_3201 : vector<16xf32>
      %and3A_3203 = arith.andi %ge3A_3199, %le3A_3202 : vector<16xi1>
      %broadcast_in_dim3A_3204 = arith.constant 0.000000e+00 : f32
      %broadcast_in_dim3A_3205 = vector.broadcast %broadcast_in_dim3A_3204 : f32 to vector<16xf32>
      %select_n3A_3206 = arith.select %and3A_3203, %get3A_3117, %broadcast_in_dim3A_3205 : vector<16xi1>, vector<16xf32>
      %mul3A_3207 = arith.constant 512 : i32
      %mul3A_3208 = arith.muli %scan3A_36, %mul3A_3207 : i32
      %add3A_3209 = arith.constant 496 : i32
      %add3A_3210 = arith.addi %mul3A_3208, %add3A_3209 : i32
      %swap3A_3211 = arith.index_cast %add3A_3210 : i32 to index
      %swap3A_3212 = tpu.vector_load %arg7[%swap3A_3211] {strides = array<i32>} : memref<16384xf32, #tpu.memory_space<vmem>>, vector<16xf32>,
      %swap3A_3213 = vector.shape_cast %swap3A_3212 : vector<16xf32> to vector<16xf32>
      %swap3A_3214 = vector.shape_cast %select_n3A_3206 : vector<16xf32> to vector<16xf32>
      tpu.vector_store %arg7[%swap3A_3211], %swap3A_3214 {strides = array<i32>} : memref<16384xf32, #tpu.memory_space<vmem>>, vector<16xf32>,
    }
    %scan3A_33 = arith.constant 32 : i32
    %mul3A_34 = arith.constant 512 : i32
    %mul3A_35 = arith.muli %add3A_9, %mul3A_34 : i32
    "tpu.region"() ({
      %run_scoped3A = tpu.sem_alloc : memref<!tpu.dma_semaphore, #tpu.memory_space<semaphore_mem>>
      %dma_start3A = tpu.memref_slice %arg4[%mul3A_35] : memref<524288xf32, #tpu.memory_space<hbm>> -> memref<16384xf32, #tpu.memory_space<hbm>>
      %dma_start3A_36 = tpu.memref_slice %arg4[%mul3A_35] : memref<524288xf32, #tpu.memory_space<hbm>> -> memref<16384xf32, #tpu.memory_space<hbm>>
      tpu.enqueue_dma source(%arg7 : memref<16384xf32, #tpu.memory_space<vmem>>) target(%dma_start3A_36 : memref<16384xf32, #tpu.memory_space<hbm>>) target_semaphore(%run_scoped3A : memref<!tpu.dma_semaphore, #tpu.memory_space<semaphore_mem>>)
      %dma_wait3A = tpu.memref_slice %arg4[%mul3A_35] : memref<524288xf32, #tpu.memory_space<hbm>> -> memref<16384xf32, #tpu.memory_space<hbm>>
      %dma_wait3A_37 = tpu.memref_slice %arg4[%mul3A_35] : memref<524288xf32, #tpu.memory_space<hbm>> -> memref<16384xf32, #tpu.memory_space<hbm>>
      tpu.wait_dma2 semaphore(%run_scoped3A : memref<!tpu.dma_semaphore, #tpu.memory_space<semaphore_mem>>) src(%arg7 : memref<16384xf32, #tpu.memory_space<vmem>>) dst(%dma_wait3A_37 : memref<16384xf32, #tpu.memory_space<hbm>>)
      tpu.yield
    }) : () -> ()
    return
  }
}

module attributes {stable_mosaic.version = 14 : i64} {
  func.func @_tc_body(%arg0: i32, %arg1: memref<1x512x512xf32, #tpu.memory_space<vmem>>, %arg2: memref<1x512x512xf32, #tpu.memory_space<vmem>>, %arg3: memref<1x512x512xf32, #tpu.memory_space<vmem>>) attributes {dimension_semantics = [#tpu.dimension_semantics<arbitrary>], iteration_bounds = array<i64: 14>, scalar_prefetch = 0 : i64, scratch_operands = 0 : i64, tpu.core_type = #tpu.core_type<tc>, window_params = [{transform_indices = @transform_0, window_bounds = array<i64: 1, 512, 512>}, {transform_indices = @transform_1, window_bounds = array<i64: 1, 512, 512>}, {transform_indices = @transform_2, window_bounds = array<i64: 1, 512, 512>}]} {
    %get3A = arith.constant 0 : index
    %get3A_0 = arith.constant 0 : index
    %get3A_1 = arith.constant 0 : index
    %get3A_2 = vector.load %arg1[%get3A, %get3A_0, %get3A_1] : memref<1x512x512xf32, #tpu.memory_space<vmem>>, vector<1x512x512xf32>
    %get3A_3 = vector.shape_cast %get3A_2 : vector<1x512x512xf32> to vector<512x512xf32>
    %get3A_4 = arith.constant 0 : index
    %get3A_5 = arith.constant 0 : index
    %get3A_6 = arith.constant 0 : index
    %get3A_7 = vector.load %arg2[%get3A_4, %get3A_5, %get3A_6] : memref<1x512x512xf32, #tpu.memory_space<vmem>>, vector<1x512x512xf32>
    %get3A_8 = vector.shape_cast %get3A_7 : vector<1x512x512xf32> to vector<512x512xf32>
    %abs3A = math.absf %get3A_8 : vector<512x512xf32>
    %slice3A = vector.extract_strided_slice %get3A_3 {offsets = [0, 0], sizes = [512, 1], strides = [1, 1]} : vector<512x512xf32> to vector<512x1xf32>
    %slice3A_9 = vector.extract_strided_slice %get3A_3 {offsets = [0, 0], sizes = [512, 511], strides = [1, 1]} : vector<512x512xf32> to vector<512x511xf32>
    %concatenate3A = tpu.concatenate %slice3A, %slice3A_9 in 1 : vector<512x1xf32>, vector<512x511xf32> -> vector<512x512xf32>
    %slice3A_10 = vector.extract_strided_slice %get3A_3 {offsets = [0, 1], sizes = [512, 511], strides = [1, 1]} : vector<512x512xf32> to vector<512x511xf32>
    %slice3A_11 = vector.extract_strided_slice %get3A_3 {offsets = [0, 511], sizes = [512, 1], strides = [1, 1]} : vector<512x512xf32> to vector<512x1xf32>
    %concatenate3A_12 = tpu.concatenate %slice3A_10, %slice3A_11 in 1 : vector<512x511xf32>, vector<512x1xf32> -> vector<512x512xf32>
    %max3A = arith.maximumf %concatenate3A, %concatenate3A_12 : vector<512x512xf32>
    %slice3A_13 = vector.extract_strided_slice %concatenate3A_12 {offsets = [0, 0], sizes = [1, 512], strides = [1, 1]} : vector<512x512xf32> to vector<1x512xf32>
    %slice3A_14 = vector.extract_strided_slice %concatenate3A_12 {offsets = [0, 0], sizes = [511, 512], strides = [1, 1]} : vector<512x512xf32> to vector<511x512xf32>
    %concatenate3A_15 = tpu.concatenate %slice3A_13, %slice3A_14 in 0 : vector<1x512xf32>, vector<511x512xf32> -> vector<512x512xf32>
    %slice3A_16 = vector.extract_strided_slice %concatenate3A {offsets = [1, 0], sizes = [511, 512], strides = [1, 1]} : vector<512x512xf32> to vector<511x512xf32>
    %slice3A_17 = vector.extract_strided_slice %concatenate3A {offsets = [511, 0], sizes = [1, 512], strides = [1, 1]} : vector<512x512xf32> to vector<1x512xf32>
    %concatenate3A_18 = tpu.concatenate %slice3A_16, %slice3A_17 in 0 : vector<511x512xf32>, vector<1x512xf32> -> vector<512x512xf32>
    %max3A_19 = arith.maximumf %concatenate3A_15, %concatenate3A_18 : vector<512x512xf32>
    %slice3A_20 = vector.extract_strided_slice %get3A_3 {offsets = [0, 0], sizes = [1, 512], strides = [1, 1]} : vector<512x512xf32> to vector<1x512xf32>
    %slice3A_21 = vector.extract_strided_slice %get3A_3 {offsets = [0, 0], sizes = [511, 512], strides = [1, 1]} : vector<512x512xf32> to vector<511x512xf32>
    %concatenate3A_22 = tpu.concatenate %slice3A_20, %slice3A_21 in 0 : vector<1x512xf32>, vector<511x512xf32> -> vector<512x512xf32>
    %slice3A_23 = vector.extract_strided_slice %get3A_3 {offsets = [1, 0], sizes = [511, 512], strides = [1, 1]} : vector<512x512xf32> to vector<511x512xf32>
    %slice3A_24 = vector.extract_strided_slice %get3A_3 {offsets = [511, 0], sizes = [1, 512], strides = [1, 1]} : vector<512x512xf32> to vector<1x512xf32>
    %concatenate3A_25 = tpu.concatenate %slice3A_23, %slice3A_24 in 0 : vector<511x512xf32>, vector<1x512xf32> -> vector<512x512xf32>
    %max3A_26 = arith.maximumf %concatenate3A_22, %concatenate3A_25 : vector<512x512xf32>
    %slice3A_27 = vector.extract_strided_slice %concatenate3A {offsets = [0, 0], sizes = [1, 512], strides = [1, 1]} : vector<512x512xf32> to vector<1x512xf32>
    %slice3A_28 = vector.extract_strided_slice %concatenate3A {offsets = [0, 0], sizes = [511, 512], strides = [1, 1]} : vector<512x512xf32> to vector<511x512xf32>
    %concatenate3A_29 = tpu.concatenate %slice3A_27, %slice3A_28 in 0 : vector<1x512xf32>, vector<511x512xf32> -> vector<512x512xf32>
    %slice3A_30 = vector.extract_strided_slice %concatenate3A_12 {offsets = [1, 0], sizes = [511, 512], strides = [1, 1]} : vector<512x512xf32> to vector<511x512xf32>
    %slice3A_31 = vector.extract_strided_slice %concatenate3A_12 {offsets = [511, 0], sizes = [1, 512], strides = [1, 1]} : vector<512x512xf32> to vector<1x512xf32>
    %concatenate3A_32 = tpu.concatenate %slice3A_30, %slice3A_31 in 0 : vector<511x512xf32>, vector<1x512xf32> -> vector<512x512xf32>
    %max3A_33 = arith.maximumf %concatenate3A_29, %concatenate3A_32 : vector<512x512xf32>
    %lt3A = arith.constant 0.392699093 : f32
    %lt3A_34 = vector.broadcast %lt3A : f32 to vector<512x512xf32>
    %lt3A_35 = arith.cmpf olt, %abs3A, %lt3A_34 : vector<512x512xf32>
    %ge3A = arith.constant 2.7488935 : f32
    %ge3A_36 = vector.broadcast %ge3A : f32 to vector<512x512xf32>
    %ge3A_37 = arith.cmpf oge, %abs3A, %ge3A_36 : vector<512x512xf32>
    %or3A = arith.ori %lt3A_35, %ge3A_37 : vector<512x512xi1>
    %lt3A_38 = arith.constant 1.17809725 : f32
    %lt3A_39 = vector.broadcast %lt3A_38 : f32 to vector<512x512xf32>
    %lt3A_40 = arith.cmpf olt, %abs3A, %lt3A_39 : vector<512x512xf32>
    %lt3A_41 = arith.constant 1.96349537 : f32
    %lt3A_42 = vector.broadcast %lt3A_41 : f32 to vector<512x512xf32>
    %lt3A_43 = arith.cmpf olt, %abs3A, %lt3A_42 : vector<512x512xf32>
    %select_n3A = arith.select %lt3A_43, %max3A_26, %max3A_33 : vector<512x512xi1>, vector<512x512xf32>
    %select_n3A_44 = arith.select %lt3A_40, %max3A_19, %select_n3A : vector<512x512xi1>, vector<512x512xf32>
    %select_n3A_45 = arith.select %or3A, %max3A, %select_n3A_44 : vector<512x512xi1>, vector<512x512xf32>
    %ge3A_46 = arith.cmpf oge, %get3A_3, %select_n3A_45 : vector<512x512xf32>
    %le3A = arith.constant 3.14159274 : f32
    %le3A_47 = vector.broadcast %le3A : f32 to vector<512x512xf32>
    %le3A_48 = arith.cmpf ole, %abs3A, %le3A_47 : vector<512x512xf32>
    %and3A = arith.andi %ge3A_46, %le3A_48 : vector<512x512xi1>
    %broadcast_in_dim3A = arith.constant 0.000000e+00 : f32
    %broadcast_in_dim3A_49 = vector.broadcast %broadcast_in_dim3A : f32 to vector<512x512xf32>
    %select_n3A_50 = arith.select %and3A, %get3A_3, %broadcast_in_dim3A_49 : vector<512x512xi1>, vector<512x512xf32>
    %swap3A = arith.constant 0 : index
    %swap3A_51 = arith.constant 0 : index
    %swap3A_52 = arith.constant 0 : index
    %swap3A_53 = vector.load %arg3[%swap3A, %swap3A_51, %swap3A_52] : memref<1x512x512xf32, #tpu.memory_space<vmem>>, vector<1x512x512xf32>
    %swap3A_54 = vector.shape_cast %swap3A_53 : vector<1x512x512xf32> to vector<512x512xf32>
    %swap3A_55 = vector.shape_cast %select_n3A_50 : vector<512x512xf32> to vector<1x512x512xf32>
    tpu.vector_store %arg3[%swap3A, %swap3A_51, %swap3A_52], %swap3A_55 {strides = array<i32>} : memref<1x512x512xf32, #tpu.memory_space<vmem>>, vector<1x512x512xf32>,
    return
  }
  func.func @transform_0(%arg0: i32) -> (i32, i32, i32) {
    %c0_i32 = arith.constant 0 : i32
    %c0_i32_0 = arith.constant 0 : i32
    %c0_i32_1 = arith.constant 0 : i32
    return %arg0, %c0_i32, %c0_i32_0 : i32, i32, i32
  }
  func.func @transform_1(%arg0: i32) -> (i32, i32, i32) {
    %c0_i32 = arith.constant 0 : i32
    %c0_i32_0 = arith.constant 0 : i32
    %c0_i32_1 = arith.constant 0 : i32
    return %arg0, %c0_i32, %c0_i32_0 : i32, i32, i32
  }
  func.func @transform_2(%arg0: i32) -> (i32, i32, i32) {
    %c0_i32 = arith.constant 0 : i32
    %c0_i32_0 = arith.constant 0 : i32
    %c0_i32_1 = arith.constant 0 : i32
    return %arg0, %c0_i32, %c0_i32_0 : i32, i32, i32
  }
}

</mosaic_0001>

<sc_bundles>
// kernel: kernel.4.cloned.1.call-start
scs
__scs_entry_jumppad:
0x0: {  	(pc) =	sbr.rel $0x88, $3  }
0x1: {  	(tag) =	ssettag $0x0;
	lr =	simm.s32 $0x1  }
0x2: {  	[smem:$0x3F9F] =	sst lr;
	_ =	strace $0xD0000000  }
0x3: {  	_ = 	snop  }
0x4: {  	_ = 	snop  }
0x5: {  	_ = 	snop  }
0x6: {  	_ = 	snop  }
0x7: {  	_ = 	snop  }
__scs_overlays_trampoline_lowered:
0x8: {  	[smem:$0x3FAE] =	sst s0  }
0x9: {  	[smem:$0x3FAF] =	sst s1  }
0xa: {  	[smem:$0x3FB0] =	sst s2  }
0xb: {  	[smem:$0x3FB1] =	sst s3  }
0xc: {  	[smem:$0x3FB2] =	sst s4  }
0xd: {  	[smem:$0x3FB3] =	sst s5  }
0xe: {  	[smem:$0x3FB4] =	sst s6  }
0xf: {  	[smem:$0x3FB5] =	sst s7  }
0x10: {  	[smem:$0x3FB6] =	sst s8  }
0x11: {  	[smem:$0x3FB7] =	sst s9;
	s0 =	simm.s32 @!p0 $0x0  }
0x12: {  	s1 =	sld [smem:$0x3F9D];
	s0 =	simm.s32 @p0 $0x1  }
0x13: {  	[smem:$0x3FB8] =	sst s0;
	s0 =	simm.s32 @!p1 $0x0  }
0x14: {  	s2 =	sld [smem:$0x3F9C];
	s0 =	simm.s32 @p1 $0x1  }
0x15: {  	[smem:$0x3FB9] =	sst s0;
	s0 =	simm.s32 @!p2 $0x0  }
0x16: {  	s3 =	sld [smem:$0x3FDB];
	s0 =	simm.s32 @p2 $0x1  }
0x17: {  	s4 =	simm.s32 $0x1BF5;
	[smem:$0x3FBB] =	sst s0  }
0x18: {  	s0 =	sld [smem:$0x3F9E];
	_ =	swait.ge [sflag:s4], $0x0  }
0x19: {  	s7 =	sld [smem:$0x3F9F]  }
0x1a: {  	s8 =	sadd.s32 $0xFFFFE003, lr  }
0x1b: {  	s9 =	sadd.s32 $0xFFFFFEF7, lr;
	s5 =	simm.s32 $0xFFFFFFFF;
	p2 =	slt.u32 s8, $0xFFFFF086  }
0x1c: {  	p1 =	slt.u32 s9, $0xF7A;
	s5 =	simm.s32 @!p2 $0x0  }
0x1d: {  	s5 =	simm.s32 @p1 $0x1;
	p0 =	seq.s32 s7, s2  }
0x1e: {  	s7 =	smul.u32 @!p0 $0xF7A, s2;
	p2 =	seq.s32 @!p0 s5, $0x0  }
0x1f: {  	s9 =	smul.u32 $0xF7A, s1;
	s8 =	simm.s32 @!p0 $0x1BF5;
	p2 =	por !p2, p0  }
0x20: {  	[sflag:s8] =	ssyncset.s32 @!p0 $0xFFFFF086;
	s6 =	sadd.s32 @!p0 s3, s7;
	s7 =	simm.s32 @!p0 $0x108  }
0x21: {  	s3 =	sadd.s32 s3, s9;
	s6 =	sadd.s32 @!p0 $0x88, s6;
	s7 =	simm.s32 @p2 $0x1082  }
0x22: {  	[simem:s7], [sflag:s8] =	dma.local @!p0 [hbm:s6], $0xF7A  }
0x23: {  	s9 =	sor.u32 $0xD0000000, s2;
	s6 =	simm.s32 $0x108;
	_ =	swait.ge @!p0 [sflag:s8], $0x0  }
0x24: {  	s3 =	sadd.s32 $0x88, s3;
	s6 =	simm.s32 @!p1 $0x1082;
	[sflag:s4] =	ssyncset.s32 $0xFFFFF086  }
0x25: {  	[simem:s6], [sflag:s4] =	dma.local [hbm:s3], $0xF7A  }
0x26: {  	[smem:$0x3F9F] =	sst s1;
	(tag) =	ssettag s2;
	_ =	strace s9  }
0x27: {  	s1 =	sld [smem:$0x3FAF]  }
0x28: {  	s2 =	sld [smem:$0x3FB0]  }
0x29: {  	s4 =	sld [smem:$0x3FB2]  }
0x2a: {  	p0 =	seq.s32 s5, $0x0;
	s5 =	sld [smem:$0x3FB3]  }
0x2b: {  	s6 =	sld [smem:$0x3FB4]  }
0x2c: {  	s7 =	sld [smem:$0x3FB5]  }
0x2d: {  	s3 =	simm.s32 $0x108;
	s8 =	sld [smem:$0x3FB6]  }
0x2e: {  	s3 =	simm.s32 @!p0 $0x1082;
	s9 =	sld [smem:$0x3FB7]  }
0x2f: {  	lr =	sadd.s32 s0, s3;
	s0 =	sld [smem:$0x3FAE]  }
0x30: {  	s3 =	sld [smem:$0x3FB1]  }
0x31: {  	[smem:$0x3FBA] =	sst s10  }
0x32: {  	s10 =	sld [smem:$0x3FB8];
	_ =	sdelay $0x3  }
0x33: {  	p0 =	seq.s32 s10, $0x1;
	s10 =	sld [smem:$0x3FBA];
	_ =	sdelay $0x3  }
0x34: {  	[smem:$0x3FBA] =	sst s10  }
0x35: {  	s10 =	sld [smem:$0x3FB9];
	_ =	sdelay $0x3  }
0x36: {  	p1 =	seq.s32 s10, $0x1;
	s10 =	sld [smem:$0x3FBA];
	_ =	sdelay $0x3  }
0x37: {  	[smem:$0x3FBA] =	sst s10  }
0x38: {  	s10 =	sld [smem:$0x3FBB]  }
0x39: {  	_ = 	snop;
	(pc) =	sbr.ind lr, $3  }
0x3a: {  	_ = 	snop  }
0x3b: {  	_ = 	snop  }
0x3c: {  	p2 =	seq.s32 s10, $0x1;
	s10 =	sld [smem:$0x3FBA]  }
0x3d: {  	_ =	shalt  }
0x3e: {  	_ =	shalt  }
0x3f: {  	_ =	shalt  }
0x40: {  	_ =	shalt  }
0x41: {  	_ =	shalt  }
0x42: {  	_ =	shalt  }
0x43: {  	_ =	shalt  }
0x44: {  	_ =	shalt  }
0x45: {  	_ =	shalt  }
0x46: {  	_ =	shalt  }
0x47: {  	_ =	shalt  }
0x48: {  	_ =	shalt  }
0x49: {  	_ =	shalt  }
0x4a: {  	_ =	shalt  }
0x4b: {  	_ =	shalt  }
0x4c: {  	_ =	shalt  }
0x4d: {  	_ =	shalt  }
0x4e: {  	_ =	shalt  }
0x4f: {  	_ =	shalt  }
0x50: {  	_ =	shalt  }
0x51: {  	_ =	shalt  }
0x52: {  	_ =	shalt  }
0x53: {  	_ =	shalt  }
0x54: {  	_ =	shalt  }
0x55: {  	_ =	shalt  }
0x56: {  	_ =	shalt  }
0x57: {  	_ =	shalt  }
0x58: {  	_ =	shalt  }
0x59: {  	_ =	shalt  }
0x5a: {  	_ =	shalt  }
0x5b: {  	_ =	shalt  }
0x5c: {  	_ =	shalt  }
0x5d: {  	_ =	shalt  }
0x5e: {  	_ =	shalt  }
0x5f: {  	_ =	shalt  }
0x60: {  	_ =	shalt  }
0x61: {  	_ =	shalt  }
0x62: {  	_ =	shalt  }
0x63: {  	_ =	shalt  }
0x64: {  	_ =	shalt  }
0x65: {  	_ =	shalt  }
0x66: {  	_ =	shalt  }
0x67: {  	_ =	shalt  }
0x68: {  	_ =	shalt  }
0x69: {  	_ =	shalt  }
0x6a: {  	_ =	shalt  }
0x6b: {  	_ =	shalt  }
0x6c: {  	_ =	shalt  }
0x6d: {  	_ =	shalt  }
0x6e: {  	_ =	shalt  }
0x6f: {  	_ =	shalt  }
0x70: {  	_ =	shalt  }
0x71: {  	_ =	shalt  }
0x72: {  	_ =	shalt  }
0x73: {  	_ =	shalt  }
0x74: {  	_ =	shalt  }
0x75: {  	_ =	shalt  }
0x76: {  	_ =	shalt  }
0x77: {  	_ =	shalt  }
0x78: {  	_ =	shalt  }
0x79: {  	_ =	shalt  }
0x7a: {  	_ =	shalt  }
0x7b: {  	_ =	shalt  }
0x7c: {  	_ =	shalt  }
0x7d: {  	_ =	shalt  }
0x7e: {  	_ =	shalt  }
0x7f: {  	_ =	shalt  }
0x80: {  	_ =	shalt  }
0x81: {  	_ =	shalt  }
0x82: {  	_ =	shalt  }
0x83: {  	_ =	shalt  }
0x84: {  	_ =	shalt  }
0x85: {  	_ =	shalt  }
0x86: {  	_ =	shalt  }
0x87: {  	_ =	shalt  }
.Lfunc_end0:
.L_simem_size_0:
called_computation_lowered:
.L_overlay_start_0:
0x88: {  	s2 =	sld [smem:$0x3FD9]  }
0x89: {  	s3 =	sld [smem:$0x3FFE];
	_ =	sdelay $0x1  }
0x8a: {  	s1 =	srdreg.scid  }
0x8b: {  	s0 =	sand.u32 $0x1, s1  }
0x8c: {  	s16 =	sshll.u32 s0, $0xA;
	s2 =	sadd.s32 s3, s2  }
0x8d: {  	s2 =	sadd.s32 s2, s16  }
0x8e: {  	[smem:$0x3FC6] =	sst s2  }
0x8f: {  	_ = 	snop  }
0x90: {  	(tm) =	ssettm $0x1  }
0x91: {  	s17 =	sld [smem:$0x3FFB];
	_ =	sdelay $0x3  }
0x92: {  	_ =	strace s17  }
0x93: {  	s2 =	sld [smem:$0x3FFC];
	_ =	sdelay $0x3  }
0x94: {  	_ =	strace s2  }
0x95: {  	s2 =	sld [smem:$0x3FFD];
	_ =	sdelay $0x3  }
0x96: {  	_ =	strace s2  }
0x97: {  	_ =	strace $0x8FFFFFFF  }
0x98: {  	s18 =	sld [smem:$0x3FDB];
	_ =	sdelay $0x1  }
0x99: {  	s19 =	simm.s32 $_scs_section_size  }
0x9a: {  	s4 =	simm.s32 $_size__tile_overlayer_lowered;
	s5 =	simm.s32 $_tile_overlayer_lowered  }
0x9b: {  	s22 =	simm.s32 $0x1BFF;
	s21 =	sshll.u32 s5, $0x1;
	s2 =	sadd.s32 s19, s18  }
0x9c: {  	s6 =	simm.s32 $0x0;
	s20 =	sshll.u32 s4, $0x1;
	s4 =	sadd.s32 s21, s2  }
0x9d: {  	[timem:s6], [sflag:s22] =	dma.local [hbm:s4], s20  }
0x9e: {  	_ =	swait.ge [sflag:s22], s20  }
0x9f: {  	s3 =	ssub.s32 $0x0, s20;
	[sflag:s22] =	ssyncset.done $0x0  }
0xa0: {  	[sflag:s22] =	ssyncadd.s32 s3;
	_ =	sdelay $0x1  }
0xa1: {  	s23 =	simm.s32 $0x1B8B  }
0xa2: {  	_ =	swait.ge [sflag:s23], $0x1  }
0xa3: {  	[sflag:s23] =	ssyncset.done $0x0  }
0xa4: {  	s25 =	simm.s32 $0x1B8E;
	s24 =	sld [smem:$0x3FFE];
	[sflag:s23] =	ssyncadd.s32 $0xFFFFFFFF  }
0xa5: {  	s26 =	simm.s32 $execute0_lowered;
	[smem:$0x3FD2] =	sst s25  }
0xa6: {  	s4 =	sshll.u32 s26, $0x1;
	_ =	strace $0x80000046;
	[dreg:$0x1] =	wrdreg $0xFFFFFFFF  }
0xa7: {  	s28 =	simm.s32 $_size_execute0_lowered;
	s2 =	sadd.s32 s2, s4;
	[dreg:$0x0] =	wrdreg $0x0  }
0xa8: {  	s4 =	sshll.u32 s28, $0x1;
	[dreg:$0x2] =	wrdreg s2  }
0xa9: {  	[dreg:$0x3] =	wrdreg s4  }
0xaa: {  	[dreg:$0x4] =	wrdreg $0xC0  }
0xab: {  	_ =	task [dreg:s6], $0x5FFFF  }
0xac: {  	[dreg:$0x1] =	wrdreg $0xFFFFFFFF  }
0xad: {  	[dreg:$0x0] =	wrdreg $0x60  }
0xae: {  	[dreg:$0x2] =	wrdreg s24  }
0xaf: {  	[dreg:$0x3] =	wrdreg $0x9  }
0xb0: {  	_ =	task.clear_ibuf [dreg:s6], $0x4FFFF;
	_ =	strace $0x90000046  }
0xb1: {  	s29 =	simm.s32 $0x9;
	_ =	strace $0x80000048  }
0xb2: {  	_ =	swait.ge [sflag:s29], $0x1  }
0xb3: {  	[sflag:s29] =	ssyncadd.s32 $0xFFFFFFFF  }
0xb4: {  	_ =	strace $0x90000048  }
0xb5: {  	_ =	sfence  }
0xb6: {  	s30 =	sld [smem:$0x0];
	_ =	sdelay $0x2  }
0xb7: {  	s31 =	sshll.u32 s1, $0xD;
	s1 =	sshrl.u32 s1, $0x2  }
0xb8: {  	s3 =	sand.u32 $0x4000, s31;
	s1 =	sadd.s32 s1, s30  }
0xb9: {  	s0 =	sor.u32 s3, s0;
	s1 =	sshll.u32 s1, $0x11  }
0xba: {  	s0 =	sor.u32 s1, s0  }
0xbb: {  	s0 =	sadd.s32 $0x8F2B, s0  }
0xbc: {  	[sflag:s0] =	ssyncadd.remote.s32 $0x1  }
0xbd: {  	_ =	sfence.sel $0xFFFF  }
0xbe: {  	[dreg:$0x0] =	wrdreg $0xFFFFFFFF;
	(pc) =	sbr.abs _section_cstart, $3  }
0xbf: {  	[dreg:$0x1] =	wrdreg $0xFFFFFFFF  }
0xc0: {  	_ =	task.clear_ibuf [dreg:s6], $0x2FFFF;
	_ =	strace $0x9FFFFFFF  }
0xc1: {  	(tm) =	ssettm $0x7FFFFFFF  }
tec
execute0_lowered:
.L_overlay_start_1:
0x0: {  	(tag) =	ssettag $0x1  }
0x1: {  	s3 =	rddreg [dreg:$0x0]  }
0x2: {  	s0 =	rddreg [dreg:$0x1]  }
0x3: {  	s4 =	srdreg.scid;
	s1 =	stileid.u32;
	s2 =	simm.s32 $0x0  }
0x4: {  	s11 =	simm.s32 $0x200;
	s12 =	simm.s32 $0x4400;
	s13 =	simm.s32 $0x4800  }
0x5: {  	s14 =	simm.s32 $0x8800;
	s4 =	sand.u32 $0x1, s4;
	s5 =	sshll.u32 s1, $0x1  }
0x6: {  	s15 =	simm.s32 $0x0;
	[smem:$0x7FF] =	sst s2;
	s5 =	sor.u32 s4, s5  }
0x7: {  	s7 =	sadd.s32 $0x2400, s3;
	_ =	strace $0x80000047;
	s6 =	sshll.u32 s5, $0x5  }
0x8: {  	s4 =	ssub.s32 $0x2, s4;
	s5 =	sshll.u32 s5, $0xB;
	s8 =	sand.u32 $0x1E0, s6  }
0x9: {  	s9 =	sadd.s32 s5, s3;
	s3 =	simm.s32 $0x1;
	p0 =	sne.s32 s8, $0x1E0  }
0xa: {  	s3 =	simm.s32 @!p0 $0x0;
	p0 =	sne.s32 s8, $0x0;
	s8 =	simm.s32 $0x1  }
0xb: {  	s10 =	sshrl.u32 s4, $0x1;
	s8 =	simm.s32 @!p0 $0x0;
	s3 =	sor.u32 s6, s3  }
0xc: {  	s10 =	ssub.s32 s4, s10;
	s6 =	ssub.s32 s6, s8;
	s3 =	sshll.u32 s3, $0x6  }
0xd: {  	s4 =	sadd.s32 s7, s5;
	s29 =	sshll.u32 s6, $0x6;
	s30 =	sadd.s32 $0x7C0, s3  }
0xe: {  	s8 =	sadd.s32 $0x22400, s9;
	s31 =	sand.u32 $0x1FFFFFC0, s29;
	s6 =	sand.u32 $0x1FFFFFC0, s30  }
0xf: {  	s3 =	simm.s32 $0x1;
	s5 =	sadd.s32 s7, s31;
	s6 =	sadd.s32 s7, s6  }
0x10: {  	vm0 =	vmmov $0x1;
	vm1 =	vmmov $0x7fff;
	s7 =	sadd.s32 $0x12400, s9;
	s9 =	smax.u32 s10, $0x1;
	s10 =	simm.s32 $0x400  }
.LBB2_1:
0x11: {  	[tilespmem:s10], [sflag:$0x1] =	stream.linear.gather [hbm4b:s4+s2], $0x4000, $0x38;
	[tilespmem:$0xC800] =	vst v63  }
0x12: {  	_ =	swait.ge [sflag:s3], $0x4000  }
0x13: {  	[sflag:s3] =	ssyncset.done $0x0  }
0x14: {  	[sflag:s3] =	ssyncadd.s32 $0xFFFFC000  }
0x15: {  	[tilespmem:s11], [sflag:$0x1] =	stream.linear.gather [hbm4b:s5+s2], $0x200, $0x38;
	[tilespmem:$0xC800] =	vst v63  }
0x16: {  	_ =	swait.ge [sflag:s3], $0x200  }
0x17: {  	[sflag:s3] =	ssyncset.done $0x0  }
0x18: {  	[sflag:s3] =	ssyncadd.s32 $0xFFFFFE00  }
0x19: {  	[tilespmem:s12], [sflag:$0x1] =	stream.linear.gather [hbm4b:s6+s2], $0x200, $0x38;
	[tilespmem:$0xC800] =	vst v63  }
0x1a: {  	_ =	swait.ge [sflag:s3], $0x200  }
0x1b: {  	[sflag:s3] =	ssyncset.done $0x0  }
0x1c: {  	[sflag:s3] =	ssyncadd.s32 $0xFFFFFE00  }
0x1d: {  	[tilespmem:s13], [sflag:$0x1] =	stream.linear.gather [hbm4b:s7+s2], $0x4000, $0x38;
	[tilespmem:$0xC800] =	vst v63  }
0x1e: {  	_ =	swait.ge [sflag:s3], $0x4000  }
0x1f: {  	[sflag:s3] =	ssyncset.done $0x0  }
0x20: {  	s17 =	simm.s32 $0x0;
	[sflag:s3] =	ssyncadd.s32 $0xFFFFC000  }
.LBB2_2:
0x21: {  	s31 =	sshll.u32 s17, $0x9  }
0x22: {  	v0 =	vld [tilespmem:s31+$0x400]  }
0x23: {  	v2 =	vld [tilespmem:s31+$0x600]  }
0x24: {  	s16 =	sadd.s32 $0x1, s17;
	v3 =	vld [tilespmem:s31+$0x4800]  }
0x25: {  	s18 =	sshll.u32 s16, $0x9;
	v5 =	vld [tilespmem:s31+$0x3FF]  }
0x26: {  	v6 =	vld [tilespmem:s31+$0x5FF];
	s18 =	sand.u32 $0x3FFFFE00, s18  }
0x27: {  	v1 =	vld [tilespmem:s18+$0x0]  }
0x28: {  	v4 =	vld [tilespmem:s18+$0xFFFFFFFF]  }
0x29: {  	v8 =	vld [tilespmem:s31+$0x601]  }
0x2a: {  	v7 =	vld [tilespmem:s18+$0x1]  }
0x2b: {  	v9 =	vld [tilespmem:s31+$0x401]  }
0x2c: {  	v3 =	vand.u32 $0x7FFFFFFF, v3;
	v6 =	vsel vm0, v2, v6;
	v5 =	vsel vm0, v0, v5  }
0x2d: {  	vm2 =	vlt.f32 v3, $3.926990930e-01;
	vm3 =	vlt.f32 v3, $1.963495370e+00;
	v4 =	vsel vm0, v1, v4  }
0x2e: {  	vm4 =	vge.f32 v3, $2.748893500e+00;
	v1 =	vmax.f32 v1, v2;
	v4 =	vmax.f32 v4, v8  }
0x2f: {  	v53 =	vmax.f32 v7, v6;
	v1 =	vsel vm3, v1, v4;
	vm3 =	vlt.f32 v3, $1.178097250e+00  }
0x30: {  	v54 =	vmax.f32 v5, v9;
	vm2 =	vmor vm2, vm4;
	v1 =	vsel vm3, v53, v1  }
0x31: {  	v55 =	vld [tilespmem:s31+$0x610];
	v1 =	vsel vm2, v54, v1  }
0x32: {  	v56 =	vld [tilespmem:s31+$0x4810];
	vm3 =	vle.f32 v3, $3.141592740e+00;
	vm2 =	vge.f32 v0, v1  }
0x33: {  	v58 =	vld [tilespmem:s31+$0x60F];
	vm2 =	vmand vm3, vm2  }
0x34: {  	v60 =	vld [tilespmem:s31+$0x611];
	v0 =	vnsel vm2, $0x0, v0  }
0x35: {  	v61 =	vld [tilespmem:s31+$0x40F];
	[tilespmem:s31+$0x8800] =	vst v0  }
0x36: {  	v0 =	vld [tilespmem:s18+$0x10]  }
0x37: {  	v57 =	vld [tilespmem:s18+$0xF]  }
0x38: {  	v59 =	vld [tilespmem:s18+$0x11]  }
0x39: {  	v62 =	vld [tilespmem:s31+$0x411]  }
0x3a: {  	v2 =	vand.u32 $0x7FFFFFFF, v56  }
0x3b: {  	v63 =	vld [tilespmem:s31+$0x410];
	vm9 =	vge.f32 v2, $2.748893500e+00;
	vm3 =	vlt.f32 v2, $1.963495370e+00  }
0x3c: {  	vm2 =	vlt.f32 v2, $3.926990930e-01;
	v0 =	vmax.f32 v0, v55;
	v3 =	vmax.f32 v57, v60  }
0x3d: {  	v12 =	vmax.f32 v59, v58;
	v0 =	vsel vm3, v0, v3;
	vm3 =	vlt.f32 v2, $1.178097250e+00  }
0x3e: {  	v13 =	vmax.f32 v61, v62;
	vm2 =	vmor vm2, vm9;
	v0 =	vsel vm3, v12, v0  }
0x3f: {  	v15 =	vld [tilespmem:s31+$0x620];
	v0 =	vsel vm2, v13, v0  }
0x40: {  	v16 =	vld [tilespmem:s31+$0x4820];
	vm3 =	vle.f32 v2, $3.141592740e+00;
	vm2 =	vge.f32 v63, v0  }
0x41: {  	v18 =	vld [tilespmem:s31+$0x61F];
	vm2 =	vmand vm3, vm2  }
0x42: {  	v20 =	vld [tilespmem:s31+$0x621];
	v14 =	vnsel vm2, $0x0, v63  }
0x43: {  	v21 =	vld [tilespmem:s31+$0x41F];
	[tilespmem:s31+$0x8810] =	vst v14  }
0x44: {  	v0 =	vld [tilespmem:s18+$0x20]  }
0x45: {  	v17 =	vld [tilespmem:s18+$0x1F]  }
0x46: {  	v19 =	vld [tilespmem:s18+$0x21]  }
0x47: {  	v22 =	vld [tilespmem:s31+$0x421]  }
0x48: {  	v2 =	vand.u32 $0x7FFFFFFF, v16  }
0x49: {  	v23 =	vld [tilespmem:s31+$0x420];
	vm10 =	vge.f32 v2, $2.748893500e+00;
	vm3 =	vlt.f32 v2, $1.963495370e+00  }
0x4a: {  	vm2 =	vlt.f32 v2, $3.926990930e-01;
	v0 =	vmax.f32 v0, v15;
	v3 =	vmax.f32 v17, v20  }
0x4b: {  	v24 =	vmax.f32 v19, v18;
	v0 =	vsel vm3, v0, v3;
	vm3 =	vlt.f32 v2, $1.178097250e+00  }
0x4c: {  	v25 =	vmax.f32 v21, v22;
	vm2 =	vmor vm2, vm10;
	v0 =	vsel vm3, v24, v0  }
0x4d: {  	v27 =	vld [tilespmem:s31+$0x630];
	v0 =	vsel vm2, v25, v0  }
0x4e: {  	v28 =	vld [tilespmem:s31+$0x4830];
	vm3 =	vle.f32 v2, $3.141592740e+00;
	vm2 =	vge.f32 v23, v0  }
0x4f: {  	v30 =	vld [tilespmem:s31+$0x62F];
	vm2 =	vmand vm3, vm2  }
0x50: {  	v32 =	vld [tilespmem:s31+$0x631];
	v26 =	vnsel vm2, $0x0, v23  }
0x51: {  	v33 =	vld [tilespmem:s31+$0x42F];
	[tilespmem:s31+$0x8820] =	vst v26  }
0x52: {  	v0 =	vld [tilespmem:s18+$0x30]  }
0x53: {  	v29 =	vld [tilespmem:s18+$0x2F]  }
0x54: {  	v31 =	vld [tilespmem:s18+$0x31]  }
0x55: {  	v34 =	vld [tilespmem:s31+$0x431]  }
0x56: {  	v2 =	vand.u32 $0x7FFFFFFF, v28  }
0x57: {  	v35 =	vld [tilespmem:s31+$0x430];
	vm11 =	vge.f32 v2, $2.748893500e+00;
	vm3 =	vlt.f32 v2, $1.963495370e+00  }
0x58: {  	vm2 =	vlt.f32 v2, $3.926990930e-01;
	v0 =	vmax.f32 v0, v27;
	v3 =	vmax.f32 v29, v32  }
0x59: {  	v36 =	vmax.f32 v31, v30;
	v0 =	vsel vm3, v0, v3;
	vm3 =	vlt.f32 v2, $1.178097250e+00  }
0x5a: {  	v37 =	vmax.f32 v33, v34;
	vm2 =	vmor vm2, vm11;
	v0 =	vsel vm3, v36, v0  }
0x5b: {  	v39 =	vld [tilespmem:s31+$0x640];
	v0 =	vsel vm2, v37, v0  }
0x5c: {  	v40 =	vld [tilespmem:s31+$0x4840];
	vm3 =	vle.f32 v2, $3.141592740e+00;
	vm2 =	vge.f32 v35, v0  }
0x5d: {  	v42 =	vld [tilespmem:s31+$0x63F];
	vm2 =	vmand vm3, vm2  }
0x5e: {  	v44 =	vld [tilespmem:s31+$0x641];
	v38 =	vnsel vm2, $0x0, v35  }
0x5f: {  	v45 =	vld [tilespmem:s31+$0x43F];
	[tilespmem:s31+$0x8830] =	vst v38  }
0x60: {  	v0 =	vld [tilespmem:s18+$0x40]  }
0x61: {  	v41 =	vld [tilespmem:s18+$0x3F]  }
0x62: {  	v43 =	vld [tilespmem:s18+$0x41]  }
0x63: {  	v46 =	vld [tilespmem:s31+$0x441]  }
0x64: {  	v2 =	vand.u32 $0x7FFFFFFF, v40  }
0x65: {  	v47 =	vld [tilespmem:s31+$0x440];
	vm12 =	vge.f32 v2, $2.748893500e+00;
	vm3 =	vlt.f32 v2, $1.963495370e+00  }
0x66: {  	vm2 =	vlt.f32 v2, $3.926990930e-01;
	v0 =	vmax.f32 v0, v39;
	v3 =	vmax.f32 v41, v44  }
0x67: {  	v48 =	vmax.f32 v43, v42;
	v0 =	vsel vm3, v0, v3;
	vm3 =	vlt.f32 v2, $1.178097250e+00  }
0x68: {  	v49 =	vmax.f32 v45, v46;
	vm2 =	vmor vm2, vm12;
	v0 =	vsel vm3, v48, v0  }
0x69: {  	v51 =	vld [tilespmem:s31+$0x650];
	v0 =	vsel vm2, v49, v0  }
0x6a: {  	v52 =	vld [tilespmem:s31+$0x4850];
	vm3 =	vle.f32 v2, $3.141592740e+00;
	vm2 =	vge.f32 v47, v0  }
0x6b: {  	v56 =	vld [tilespmem:s31+$0x651];
	vm2 =	vmand vm3, vm2  }
0x6c: {  	v54 =	vld [tilespmem:s31+$0x64F];
	v50 =	vnsel vm2, $0x0, v47  }
0x6d: {  	v57 =	vld [tilespmem:s31+$0x44F];
	[tilespmem:s31+$0x8840] =	vst v50  }
0x6e: {  	v0 =	vld [tilespmem:s18+$0x50]  }
0x6f: {  	v53 =	vld [tilespmem:s18+$0x4F]  }
0x70: {  	v55 =	vld [tilespmem:s18+$0x51]  }
0x71: {  	v58 =	vld [tilespmem:s31+$0x451]  }
0x72: {  	v2 =	vand.u32 $0x7FFFFFFF, v52  }
0x73: {  	v59 =	vld [tilespmem:s31+$0x450];
	vm13 =	vge.f32 v2, $2.748893500e+00;
	vm3 =	vlt.f32 v2, $1.963495370e+00  }
0x74: {  	vm2 =	vlt.f32 v2, $3.926990930e-01;
	v0 =	vmax.f32 v0, v51;
	v3 =	vmax.f32 v53, v56  }
0x75: {  	v60 =	vmax.f32 v55, v54;
	v0 =	vsel vm3, v0, v3;
	vm3 =	vlt.f32 v2, $1.178097250e+00  }
0x76: {  	v61 =	vmax.f32 v57, v58;
	vm2 =	vmor vm2, vm13;
	v0 =	vsel vm3, v60, v0  }
0x77: {  	v12 =	vld [tilespmem:s31+$0x4860];
	v0 =	vsel vm2, v61, v0  }
0x78: {  	v16 =	vld [tilespmem:s31+$0x661];
	vm3 =	vle.f32 v2, $3.141592740e+00;
	vm2 =	vge.f32 v59, v0  }
0x79: {  	v63 =	vld [tilespmem:s31+$0x660];
	vm2 =	vmand vm3, vm2  }
0x7a: {  	v14 =	vld [tilespmem:s31+$0x65F];
	v62 =	vnsel vm2, $0x0, v59  }
0x7b: {  	v17 =	vld [tilespmem:s31+$0x45F];
	[tilespmem:s31+$0x8850] =	vst v62  }
0x7c: {  	v0 =	vld [tilespmem:s18+$0x60]  }
0x7d: {  	v13 =	vld [tilespmem:s18+$0x5F]  }
0x7e: {  	v15 =	vld [tilespmem:s18+$0x61]  }
0x7f: {  	v18 =	vld [tilespmem:s31+$0x461]  }
0x80: {  	v2 =	vand.u32 $0x7FFFFFFF, v12  }
0x81: {  	v19 =	vld [tilespmem:s31+$0x460];
	vm14 =	vge.f32 v2, $2.748893500e+00;
	vm3 =	vlt.f32 v2, $1.963495370e+00  }
0x82: {  	vm2 =	vlt.f32 v2, $3.926990930e-01;
	v0 =	vmax.f32 v0, v63;
	v3 =	vmax.f32 v13, v16  }
0x83: {  	v20 =	vmax.f32 v15, v14;
	v0 =	vsel vm3, v0, v3;
	vm3 =	vlt.f32 v2, $1.178097250e+00  }
0x84: {  	v21 =	vmax.f32 v17, v18;
	vm2 =	vmor vm2, vm14;
	v0 =	vsel vm3, v20, v0  }
0x85: {  	v24 =	vld [tilespmem:s31+$0x4870];
	v0 =	vsel vm2, v21, v0  }
0x86: {  	v28 =	vld [tilespmem:s31+$0x671];
	vm3 =	vle.f32 v2, $3.141592740e+00;
	vm2 =	vge.f32 v19, v0  }
0x87: {  	v23 =	vld [tilespmem:s31+$0x670];
	vm2 =	vmand vm3, vm2  }
0x88: {  	v26 =	vld [tilespmem:s31+$0x66F];
	v22 =	vnsel vm2, $0x0, v19  }
0x89: {  	v29 =	vld [tilespmem:s31+$0x46F];
	[tilespmem:s31+$0x8860] =	vst v22  }
0x8a: {  	v0 =	vld [tilespmem:s18+$0x70]  }
0x8b: {  	v25 =	vld [tilespmem:s18+$0x6F]  }
0x8c: {  	v27 =	vld [tilespmem:s18+$0x71]  }
0x8d: {  	v30 =	vld [tilespmem:s31+$0x471]  }
0x8e: {  	v2 =	vand.u32 $0x7FFFFFFF, v24  }
0x8f: {  	v31 =	vld [tilespmem:s31+$0x470];
	vm15 =	vge.f32 v2, $2.748893500e+00;
	vm3 =	vlt.f32 v2, $1.963495370e+00  }
0x90: {  	vm2 =	vlt.f32 v2, $3.926990930e-01;
	v0 =	vmax.f32 v0, v23;
	v3 =	vmax.f32 v25, v28  }
0x91: {  	v32 =	vmax.f32 v27, v26;
	v0 =	vsel vm3, v0, v3;
	vm3 =	vlt.f32 v2, $1.178097250e+00  }
0x92: {  	v33 =	vmax.f32 v29, v30;
	vm2 =	vmor vm2, vm15;
	v0 =	vsel vm3, v32, v0  }
0x93: {  	v36 =	vld [tilespmem:s31+$0x4880];
	v0 =	vsel vm2, v33, v0  }
0x94: {  	v40 =	vld [tilespmem:s31+$0x681];
	vm3 =	vle.f32 v2, $3.141592740e+00;
	vm2 =	vge.f32 v31, v0  }
0x95: {  	v35 =	vld [tilespmem:s31+$0x680];
	vm2 =	vmand vm3, vm2  }
0x96: {  	v38 =	vld [tilespmem:s31+$0x67F];
	v34 =	vnsel vm2, $0x0, v31  }
0x97: {  	v41 =	vld [tilespmem:s31+$0x47F];
	[tilespmem:s31+$0x8870] =	vst v34  }
0x98: {  	v0 =	vld [tilespmem:s18+$0x80]  }
0x99: {  	v37 =	vld [tilespmem:s18+$0x7F]  }
0x9a: {  	v39 =	vld [tilespmem:s18+$0x81]  }
0x9b: {  	v42 =	vld [tilespmem:s31+$0x481]  }
0x9c: {  	v2 =	vand.u32 $0x7FFFFFFF, v36  }
0x9d: {  	v43 =	vld [tilespmem:s31+$0x480];
	vm8 =	vge.f32 v2, $2.748893500e+00;
	vm3 =	vlt.f32 v2, $1.963495370e+00  }
0x9e: {  	vm2 =	vlt.f32 v2, $3.926990930e-01;
	v0 =	vmax.f32 v0, v35;
	v3 =	vmax.f32 v37, v40  }
0x9f: {  	v44 =	vmax.f32 v39, v38;
	v0 =	vsel vm3, v0, v3;
	vm3 =	vlt.f32 v2, $1.178097250e+00  }
0xa0: {  	v45 =	vmax.f32 v41, v42;
	vm2 =	vmor vm2, vm8;
	v0 =	vsel vm3, v44, v0  }
0xa1: {  	v48 =	vld [tilespmem:s31+$0x4890];
	v0 =	vsel vm2, v45, v0  }
0xa2: {  	v52 =	vld [tilespmem:s31+$0x691];
	vm3 =	vle.f32 v2, $3.141592740e+00;
	vm2 =	vge.f32 v43, v0  }
0xa3: {  	v47 =	vld [tilespmem:s31+$0x690];
	vm2 =	vmand vm3, vm2  }
0xa4: {  	v50 =	vld [tilespmem:s31+$0x68F];
	v46 =	vnsel vm2, $0x0, v43  }
0xa5: {  	v53 =	vld [tilespmem:s31+$0x48F];
	[tilespmem:s31+$0x8880] =	vst v46  }
0xa6: {  	v0 =	vld [tilespmem:s18+$0x90]  }
0xa7: {  	v49 =	vld [tilespmem:s18+$0x8F]  }
0xa8: {  	v51 =	vld [tilespmem:s18+$0x91]  }
0xa9: {  	v54 =	vld [tilespmem:s31+$0x491]  }
0xaa: {  	v2 =	vand.u32 $0x7FFFFFFF, v48  }
0xab: {  	v55 =	vld [tilespmem:s31+$0x490];
	vm9 =	vge.f32 v2, $2.748893500e+00;
	vm3 =	vlt.f32 v2, $1.963495370e+00  }
0xac: {  	vm2 =	vlt.f32 v2, $3.926990930e-01;
	v0 =	vmax.f32 v0, v47;
	v3 =	vmax.f32 v49, v52  }
0xad: {  	v56 =	vmax.f32 v51, v50;
	v0 =	vsel vm3, v0, v3;
	vm3 =	vlt.f32 v2, $1.178097250e+00  }
0xae: {  	v57 =	vmax.f32 v53, v54;
	vm2 =	vmor vm2, vm9;
	v0 =	vsel vm3, v56, v0  }
0xaf: {  	v60 =	vld [tilespmem:s31+$0x48A0];
	v0 =	vsel vm2, v57, v0  }
0xb0: {  	v12 =	vld [tilespmem:s31+$0x6A1];
	vm3 =	vle.f32 v2, $3.141592740e+00;
	vm2 =	vge.f32 v55, v0  }
0xb1: {  	v59 =	vld [tilespmem:s31+$0x6A0];
	vm2 =	vmand vm3, vm2  }
0xb2: {  	v62 =	vld [tilespmem:s31+$0x69F];
	v58 =	vnsel vm2, $0x0, v55  }
0xb3: {  	v13 =	vld [tilespmem:s31+$0x49F];
	[tilespmem:s31+$0x8890] =	vst v58  }
0xb4: {  	v0 =	vld [tilespmem:s18+$0xA0]  }
0xb5: {  	v61 =	vld [tilespmem:s18+$0x9F]  }
0xb6: {  	v63 =	vld [tilespmem:s18+$0xA1]  }
0xb7: {  	v14 =	vld [tilespmem:s31+$0x4A1]  }
0xb8: {  	v2 =	vand.u32 $0x7FFFFFFF, v60  }
0xb9: {  	v15 =	vld [tilespmem:s31+$0x4A0];
	vm10 =	vge.f32 v2, $2.748893500e+00;
	vm3 =	vlt.f32 v2, $1.963495370e+00  }
0xba: {  	vm2 =	vlt.f32 v2, $3.926990930e-01;
	v0 =	vmax.f32 v0, v59;
	v3 =	vmax.f32 v61, v12  }
0xbb: {  	v16 =	vmax.f32 v63, v62;
	v0 =	vsel vm3, v0, v3;
	vm3 =	vlt.f32 v2, $1.178097250e+00  }
0xbc: {  	v17 =	vmax.f32 v13, v14;
	vm2 =	vmor vm2, vm10;
	v0 =	vsel vm3, v16, v0  }
0xbd: {  	v20 =	vld [tilespmem:s31+$0x48B0];
	v0 =	vsel vm2, v17, v0  }
0xbe: {  	v24 =	vld [tilespmem:s31+$0x6B1];
	vm3 =	vle.f32 v2, $3.141592740e+00;
	vm2 =	vge.f32 v15, v0  }
0xbf: {  	v19 =	vld [tilespmem:s31+$0x6B0];
	vm2 =	vmand vm3, vm2  }
0xc0: {  	v22 =	vld [tilespmem:s31+$0x6AF];
	v18 =	vnsel vm2, $0x0, v15  }
0xc1: {  	v25 =	vld [tilespmem:s31+$0x4AF];
	[tilespmem:s31+$0x88A0] =	vst v18  }
0xc2: {  	v0 =	vld [tilespmem:s18+$0xB0]  }
0xc3: {  	v21 =	vld [tilespmem:s18+$0xAF]  }
0xc4: {  	v23 =	vld [tilespmem:s18+$0xB1]  }
0xc5: {  	v26 =	vld [tilespmem:s31+$0x4B1]  }
0xc6: {  	v2 =	vand.u32 $0x7FFFFFFF, v20  }
0xc7: {  	v27 =	vld [tilespmem:s31+$0x4B0];
	vm11 =	vge.f32 v2, $2.748893500e+00;
	vm3 =	vlt.f32 v2, $1.963495370e+00  }
0xc8: {  	vm2 =	vlt.f32 v2, $3.926990930e-01;
	v0 =	vmax.f32 v0, v19;
	v3 =	vmax.f32 v21, v24  }
0xc9: {  	v28 =	vmax.f32 v23, v22;
	v0 =	vsel vm3, v0, v3;
	vm3 =	vlt.f32 v2, $1.178097250e+00  }
0xca: {  	v29 =	vmax.f32 v25, v26;
	vm2 =	vmor vm2, vm11;
	v0 =	vsel vm3, v28, v0  }
0xcb: {  	v32 =	vld [tilespmem:s31+$0x48C0];
	v0 =	vsel vm2, v29, v0  }
0xcc: {  	v36 =	vld [tilespmem:s31+$0x6C1];
	vm3 =	vle.f32 v2, $3.141592740e+00;
	vm2 =	vge.f32 v27, v0  }
0xcd: {  	v31 =	vld [tilespmem:s31+$0x6C0];
	vm2 =	vmand vm3, vm2  }
0xce: {  	v34 =	vld [tilespmem:s31+$0x6BF];
	v30 =	vnsel vm2, $0x0, v27  }
0xcf: {  	v37 =	vld [tilespmem:s31+$0x4BF];
	[tilespmem:s31+$0x88B0] =	vst v30  }
0xd0: {  	v0 =	vld [tilespmem:s18+$0xC0]  }
0xd1: {  	v33 =	vld [tilespmem:s18+$0xBF]  }
0xd2: {  	v35 =	vld [tilespmem:s18+$0xC1]  }
0xd3: {  	v38 =	vld [tilespmem:s31+$0x4C1]  }
0xd4: {  	v2 =	vand.u32 $0x7FFFFFFF, v32  }
0xd5: {  	v39 =	vld [tilespmem:s31+$0x4C0];
	vm12 =	vge.f32 v2, $2.748893500e+00;
	vm3 =	vlt.f32 v2, $1.963495370e+00  }
0xd6: {  	vm2 =	vlt.f32 v2, $3.926990930e-01;
	v0 =	vmax.f32 v0, v31;
	v3 =	vmax.f32 v33, v36  }
0xd7: {  	v40 =	vmax.f32 v35, v34;
	v0 =	vsel vm3, v0, v3;
	vm3 =	vlt.f32 v2, $1.178097250e+00  }
0xd8: {  	v41 =	vmax.f32 v37, v38;
	vm2 =	vmor vm2, vm12;
	v0 =	vsel vm3, v40, v0  }
0xd9: {  	v44 =	vld [tilespmem:s31+$0x48D0];
	v0 =	vsel vm2, v41, v0  }
0xda: {  	v48 =	vld [tilespmem:s31+$0x6D1];
	vm3 =	vle.f32 v2, $3.141592740e+00;
	vm2 =	vge.f32 v39, v0  }
0xdb: {  	v43 =	vld [tilespmem:s31+$0x6D0];
	vm2 =	vmand vm3, vm2  }
0xdc: {  	v46 =	vld [tilespmem:s31+$0x6CF];
	v42 =	vnsel vm2, $0x0, v39  }
0xdd: {  	v49 =	vld [tilespmem:s31+$0x4CF];
	[tilespmem:s31+$0x88C0] =	vst v42  }
0xde: {  	v0 =	vld [tilespmem:s18+$0xD0]  }
0xdf: {  	v45 =	vld [tilespmem:s18+$0xCF]  }
0xe0: {  	v47 =	vld [tilespmem:s18+$0xD1]  }
0xe1: {  	v50 =	vld [tilespmem:s31+$0x4D1]  }
0xe2: {  	v2 =	vand.u32 $0x7FFFFFFF, v44  }
0xe3: {  	v51 =	vld [tilespmem:s31+$0x4D0];
	vm13 =	vge.f32 v2, $2.748893500e+00;
	vm3 =	vlt.f32 v2, $1.963495370e+00  }
0xe4: {  	vm2 =	vlt.f32 v2, $3.926990930e-01;
	v0 =	vmax.f32 v0, v43;
	v3 =	vmax.f32 v45, v48  }
0xe5: {  	v52 =	vmax.f32 v47, v46;
	v0 =	vsel vm3, v0, v3;
	vm3 =	vlt.f32 v2, $1.178097250e+00  }
0xe6: {  	v53 =	vmax.f32 v49, v50;
	vm2 =	vmor vm2, vm13;
	v0 =	vsel vm3, v52, v0  }
0xe7: {  	v56 =	vld [tilespmem:s31+$0x48E0];
	v0 =	vsel vm2, v53, v0  }
0xe8: {  	v60 =	vld [tilespmem:s31+$0x6E1];
	vm3 =	vle.f32 v2, $3.141592740e+00;
	vm2 =	vge.f32 v51, v0  }
0xe9: {  	v55 =	vld [tilespmem:s31+$0x6E0];
	vm2 =	vmand vm3, vm2  }
0xea: {  	v58 =	vld [tilespmem:s31+$0x6DF];
	v54 =	vnsel vm2, $0x0, v51  }
0xeb: {  	v61 =	vld [tilespmem:s31+$0x4DF];
	[tilespmem:s31+$0x88D0] =	vst v54  }
0xec: {  	v0 =	vld [tilespmem:s18+$0xE0]  }
0xed: {  	v57 =	vld [tilespmem:s18+$0xDF]  }
0xee: {  	v59 =	vld [tilespmem:s18+$0xE1]  }
0xef: {  	v62 =	vld [tilespmem:s31+$0x4E1]  }
0xf0: {  	v2 =	vand.u32 $0x7FFFFFFF, v56  }
0xf1: {  	v63 =	vld [tilespmem:s31+$0x4E0];
	vm14 =	vge.f32 v2, $2.748893500e+00;
	vm3 =	vlt.f32 v2, $1.963495370e+00  }
0xf2: {  	vm2 =	vlt.f32 v2, $3.926990930e-01;
	v0 =	vmax.f32 v0, v55;
	v3 =	vmax.f32 v57, v60  }
0xf3: {  	v12 =	vmax.f32 v59, v58;
	v0 =	vsel vm3, v0, v3;
	vm3 =	vlt.f32 v2, $1.178097250e+00  }
0xf4: {  	v13 =	vmax.f32 v61, v62;
	vm2 =	vmor vm2, vm14;
	v0 =	vsel vm3, v12, v0  }
0xf5: {  	v16 =	vld [tilespmem:s31+$0x48F0];
	v0 =	vsel vm2, v13, v0  }
0xf6: {  	v20 =	vld [tilespmem:s31+$0x6F1];
	vm3 =	vle.f32 v2, $3.141592740e+00;
	vm2 =	vge.f32 v63, v0  }
0xf7: {  	v15 =	vld [tilespmem:s31+$0x6F0];
	vm2 =	vmand vm3, vm2  }
0xf8: {  	v18 =	vld [tilespmem:s31+$0x6EF];
	v14 =	vnsel vm2, $0x0, v63  }
0xf9: {  	v21 =	vld [tilespmem:s31+$0x4EF];
	[tilespmem:s31+$0x88E0] =	vst v14  }
0xfa: {  	v0 =	vld [tilespmem:s18+$0xF0]  }
0xfb: {  	v17 =	vld [tilespmem:s18+$0xEF]  }
0xfc: {  	v19 =	vld [tilespmem:s18+$0xF1]  }
0xfd: {  	v22 =	vld [tilespmem:s31+$0x4F1]  }
0xfe: {  	v2 =	vand.u32 $0x7FFFFFFF, v16  }
0xff: {  	v23 =	vld [tilespmem:s31+$0x4F0];
	vm15 =	vge.f32 v2, $2.748893500e+00;
	vm3 =	vlt.f32 v2, $1.963495370e+00  }
0x100: {  	vm2 =	vlt.f32 v2, $3.926990930e-01;
	v0 =	vmax.f32 v0, v15;
	v3 =	vmax.f32 v17, v20  }
0x101: {  	v24 =	vmax.f32 v19, v18;
	v0 =	vsel vm3, v0, v3;
	vm3 =	vlt.f32 v2, $1.178097250e+00  }
0x102: {  	v25 =	vmax.f32 v21, v22;
	vm2 =	vmor vm2, vm15;
	v0 =	vsel vm3, v24, v0  }
0x103: {  	v28 =	vld [tilespmem:s31+$0x4900];
	v0 =	vsel vm2, v25, v0  }
0x104: {  	v32 =	vld [tilespmem:s31+$0x701];
	vm3 =	vle.f32 v2, $3.141592740e+00;
	vm2 =	vge.f32 v23, v0  }
0x105: {  	v27 =	vld [tilespmem:s31+$0x700];
	vm2 =	vmand vm3, vm2  }
0x106: {  	v30 =	vld [tilespmem:s31+$0x6FF];
	v26 =	vnsel vm2, $0x0, v23  }
0x107: {  	v33 =	vld [tilespmem:s31+$0x4FF];
	[tilespmem:s31+$0x88F0] =	vst v26  }
0x108: {  	v0 =	vld [tilespmem:s18+$0x100]  }
0x109: {  	v29 =	vld [tilespmem:s18+$0xFF]  }
0x10a: {  	v31 =	vld [tilespmem:s18+$0x101]  }
0x10b: {  	v34 =	vld [tilespmem:s31+$0x501]  }
0x10c: {  	v2 =	vand.u32 $0x7FFFFFFF, v28  }
0x10d: {  	v35 =	vld [tilespmem:s31+$0x500];
	vm8 =	vge.f32 v2, $2.748893500e+00;
	vm3 =	vlt.f32 v2, $1.963495370e+00  }
0x10e: {  	vm2 =	vlt.f32 v2, $3.926990930e-01;
	v0 =	vmax.f32 v0, v27;
	v3 =	vmax.f32 v29, v32  }
0x10f: {  	v36 =	vmax.f32 v31, v30;
	v0 =	vsel vm3, v0, v3;
	vm3 =	vlt.f32 v2, $1.178097250e+00  }
0x110: {  	v37 =	vmax.f32 v33, v34;
	vm2 =	vmor vm2, vm8;
	v0 =	vsel vm3, v36, v0  }
0x111: {  	v40 =	vld [tilespmem:s31+$0x4910];
	v0 =	vsel vm2, v37, v0  }
0x112: {  	v44 =	vld [tilespmem:s31+$0x711];
	vm3 =	vle.f32 v2, $3.141592740e+00;
	vm2 =	vge.f32 v35, v0  }
0x113: {  	v39 =	vld [tilespmem:s31+$0x710];
	vm2 =	vmand vm3, vm2  }
0x114: {  	v42 =	vld [tilespmem:s31+$0x70F];
	v38 =	vnsel vm2, $0x0, v35  }
0x115: {  	v45 =	vld [tilespmem:s31+$0x50F];
	[tilespmem:s31+$0x8900] =	vst v38  }
0x116: {  	v0 =	vld [tilespmem:s18+$0x110]  }
0x117: {  	v41 =	vld [tilespmem:s18+$0x10F]  }
0x118: {  	v43 =	vld [tilespmem:s18+$0x111]  }
0x119: {  	v46 =	vld [tilespmem:s31+$0x511]  }
0x11a: {  	v2 =	vand.u32 $0x7FFFFFFF, v40  }
0x11b: {  	v47 =	vld [tilespmem:s31+$0x510];
	vm9 =	vge.f32 v2, $2.748893500e+00;
	vm3 =	vlt.f32 v2, $1.963495370e+00  }
0x11c: {  	vm2 =	vlt.f32 v2, $3.926990930e-01;
	v0 =	vmax.f32 v0, v39;
	v3 =	vmax.f32 v41, v44  }
0x11d: {  	v48 =	vmax.f32 v43, v42;
	v0 =	vsel vm3, v0, v3;
	vm3 =	vlt.f32 v2, $1.178097250e+00  }
0x11e: {  	v49 =	vmax.f32 v45, v46;
	vm2 =	vmor vm2, vm9;
	v0 =	vsel vm3, v48, v0  }
0x11f: {  	v52 =	vld [tilespmem:s31+$0x4920];
	v0 =	vsel vm2, v49, v0  }
0x120: {  	v56 =	vld [tilespmem:s31+$0x721];
	vm3 =	vle.f32 v2, $3.141592740e+00;
	vm2 =	vge.f32 v47, v0  }
0x121: {  	v51 =	vld [tilespmem:s31+$0x720];
	vm2 =	vmand vm3, vm2  }
0x122: {  	v54 =	vld [tilespmem:s31+$0x71F];
	v50 =	vnsel vm2, $0x0, v47  }
0x123: {  	v57 =	vld [tilespmem:s31+$0x51F];
	[tilespmem:s31+$0x8910] =	vst v50  }
0x124: {  	v0 =	vld [tilespmem:s18+$0x120]  }
0x125: {  	v53 =	vld [tilespmem:s18+$0x11F]  }
0x126: {  	v55 =	vld [tilespmem:s18+$0x121]  }
0x127: {  	v58 =	vld [tilespmem:s31+$0x521]  }
0x128: {  	v2 =	vand.u32 $0x7FFFFFFF, v52  }
0x129: {  	v59 =	vld [tilespmem:s31+$0x520];
	vm10 =	vge.f32 v2, $2.748893500e+00;
	vm3 =	vlt.f32 v2, $1.963495370e+00  }
0x12a: {  	vm2 =	vlt.f32 v2, $3.926990930e-01;
	v0 =	vmax.f32 v0, v51;
	v3 =	vmax.f32 v53, v56  }
0x12b: {  	v60 =	vmax.f32 v55, v54;
	v0 =	vsel vm3, v0, v3;
	vm3 =	vlt.f32 v2, $1.178097250e+00  }
0x12c: {  	v61 =	vmax.f32 v57, v58;
	vm2 =	vmor vm2, vm10;
	v0 =	vsel vm3, v60, v0  }
0x12d: {  	v12 =	vld [tilespmem:s31+$0x4930];
	v0 =	vsel vm2, v61, v0  }
0x12e: {  	v16 =	vld [tilespmem:s31+$0x731];
	vm3 =	vle.f32 v2, $3.141592740e+00;
	vm2 =	vge.f32 v59, v0  }
0x12f: {  	v63 =	vld [tilespmem:s31+$0x730];
	vm2 =	vmand vm3, vm2  }
0x130: {  	v14 =	vld [tilespmem:s31+$0x72F];
	v62 =	vnsel vm2, $0x0, v59  }
0x131: {  	v17 =	vld [tilespmem:s31+$0x52F];
	[tilespmem:s31+$0x8920] =	vst v62  }
0x132: {  	v0 =	vld [tilespmem:s18+$0x130]  }
0x133: {  	v13 =	vld [tilespmem:s18+$0x12F]  }
0x134: {  	v15 =	vld [tilespmem:s18+$0x131]  }
0x135: {  	v18 =	vld [tilespmem:s31+$0x531]  }
0x136: {  	v2 =	vand.u32 $0x7FFFFFFF, v12  }
0x137: {  	v19 =	vld [tilespmem:s31+$0x530];
	vm11 =	vge.f32 v2, $2.748893500e+00;
	vm3 =	vlt.f32 v2, $1.963495370e+00  }
0x138: {  	vm2 =	vlt.f32 v2, $3.926990930e-01;
	v0 =	vmax.f32 v0, v63;
	v3 =	vmax.f32 v13, v16  }
0x139: {  	v20 =	vmax.f32 v15, v14;
	v0 =	vsel vm3, v0, v3;
	vm3 =	vlt.f32 v2, $1.178097250e+00  }
0x13a: {  	v21 =	vmax.f32 v17, v18;
	vm2 =	vmor vm2, vm11;
	v0 =	vsel vm3, v20, v0  }
0x13b: {  	v24 =	vld [tilespmem:s31+$0x4940];
	v0 =	vsel vm2, v21, v0  }
0x13c: {  	v28 =	vld [tilespmem:s31+$0x741];
	vm3 =	vle.f32 v2, $3.141592740e+00;
	vm2 =	vge.f32 v19, v0  }
0x13d: {  	v23 =	vld [tilespmem:s31+$0x740];
	vm2 =	vmand vm3, vm2  }
0x13e: {  	v26 =	vld [tilespmem:s31+$0x73F];
	v22 =	vnsel vm2, $0x0, v19  }
0x13f: {  	v29 =	vld [tilespmem:s31+$0x53F];
	[tilespmem:s31+$0x8930] =	vst v22  }
0x140: {  	v0 =	vld [tilespmem:s18+$0x140]  }
0x141: {  	v25 =	vld [tilespmem:s18+$0x13F]  }
0x142: {  	v27 =	vld [tilespmem:s18+$0x141]  }
0x143: {  	v30 =	vld [tilespmem:s31+$0x541]  }
0x144: {  	v2 =	vand.u32 $0x7FFFFFFF, v24  }
0x145: {  	v31 =	vld [tilespmem:s31+$0x540];
	vm12 =	vge.f32 v2, $2.748893500e+00;
	vm3 =	vlt.f32 v2, $1.963495370e+00  }
0x146: {  	vm2 =	vlt.f32 v2, $3.926990930e-01;
	v0 =	vmax.f32 v0, v23;
	v3 =	vmax.f32 v25, v28  }
0x147: {  	v32 =	vmax.f32 v27, v26;
	v0 =	vsel vm3, v0, v3;
	vm3 =	vlt.f32 v2, $1.178097250e+00  }
0x148: {  	v33 =	vmax.f32 v29, v30;
	vm2 =	vmor vm2, vm12;
	v0 =	vsel vm3, v32, v0  }
0x149: {  	v36 =	vld [tilespmem:s31+$0x4950];
	v0 =	vsel vm2, v33, v0  }
0x14a: {  	v40 =	vld [tilespmem:s31+$0x751];
	vm3 =	vle.f32 v2, $3.141592740e+00;
	vm2 =	vge.f32 v31, v0  }
0x14b: {  	v35 =	vld [tilespmem:s31+$0x750];
	vm2 =	vmand vm3, vm2  }
0x14c: {  	v38 =	vld [tilespmem:s31+$0x74F];
	v34 =	vnsel vm2, $0x0, v31  }
0x14d: {  	v41 =	vld [tilespmem:s31+$0x54F];
	[tilespmem:s31+$0x8940] =	vst v34  }
0x14e: {  	v0 =	vld [tilespmem:s18+$0x150]  }
0x14f: {  	v37 =	vld [tilespmem:s18+$0x14F]  }
0x150: {  	v39 =	vld [tilespmem:s18+$0x151]  }
0x151: {  	v42 =	vld [tilespmem:s31+$0x551]  }
0x152: {  	v2 =	vand.u32 $0x7FFFFFFF, v36  }
0x153: {  	v43 =	vld [tilespmem:s31+$0x550];
	vm13 =	vge.f32 v2, $2.748893500e+00;
	vm3 =	vlt.f32 v2, $1.963495370e+00  }
0x154: {  	vm2 =	vlt.f32 v2, $3.926990930e-01;
	v0 =	vmax.f32 v0, v35;
	v3 =	vmax.f32 v37, v40  }
0x155: {  	v44 =	vmax.f32 v39, v38;
	v0 =	vsel vm3, v0, v3;
	vm3 =	vlt.f32 v2, $1.178097250e+00  }
0x156: {  	v45 =	vmax.f32 v41, v42;
	vm2 =	vmor vm2, vm13;
	v0 =	vsel vm3, v44, v0  }
0x157: {  	v48 =	vld [tilespmem:s31+$0x4960];
	v0 =	vsel vm2, v45, v0  }
0x158: {  	v52 =	vld [tilespmem:s31+$0x761];
	vm3 =	vle.f32 v2, $3.141592740e+00;
	vm2 =	vge.f32 v43, v0  }
0x159: {  	v47 =	vld [tilespmem:s31+$0x760];
	vm2 =	vmand vm3, vm2  }
0x15a: {  	v50 =	vld [tilespmem:s31+$0x75F];
	v46 =	vnsel vm2, $0x0, v43  }
0x15b: {  	v53 =	vld [tilespmem:s31+$0x55F];
	[tilespmem:s31+$0x8950] =	vst v46  }
0x15c: {  	v0 =	vld [tilespmem:s18+$0x160]  }
0x15d: {  	v49 =	vld [tilespmem:s18+$0x15F]  }
0x15e: {  	v51 =	vld [tilespmem:s18+$0x161]  }
0x15f: {  	v54 =	vld [tilespmem:s31+$0x561]  }
0x160: {  	v2 =	vand.u32 $0x7FFFFFFF, v48  }
0x161: {  	v55 =	vld [tilespmem:s31+$0x560];
	vm14 =	vge.f32 v2, $2.748893500e+00;
	vm3 =	vlt.f32 v2, $1.963495370e+00  }
0x162: {  	vm2 =	vlt.f32 v2, $3.926990930e-01;
	v0 =	vmax.f32 v0, v47;
	v3 =	vmax.f32 v49, v52  }
0x163: {  	v56 =	vmax.f32 v51, v50;
	v0 =	vsel vm3, v0, v3;
	vm3 =	vlt.f32 v2, $1.178097250e+00  }
0x164: {  	v57 =	vmax.f32 v53, v54;
	vm2 =	vmor vm2, vm14;
	v0 =	vsel vm3, v56, v0  }
0x165: {  	v60 =	vld [tilespmem:s31+$0x4970];
	v0 =	vsel vm2, v57, v0  }
0x166: {  	v12 =	vld [tilespmem:s31+$0x771];
	vm3 =	vle.f32 v2, $3.141592740e+00;
	vm2 =	vge.f32 v55, v0  }
0x167: {  	v59 =	vld [tilespmem:s31+$0x770];
	vm2 =	vmand vm3, vm2  }
0x168: {  	v62 =	vld [tilespmem:s31+$0x76F];
	v58 =	vnsel vm2, $0x0, v55  }
0x169: {  	v13 =	vld [tilespmem:s31+$0x56F];
	[tilespmem:s31+$0x8960] =	vst v58  }
0x16a: {  	v0 =	vld [tilespmem:s18+$0x170]  }
0x16b: {  	v61 =	vld [tilespmem:s18+$0x16F]  }
0x16c: {  	v63 =	vld [tilespmem:s18+$0x171]  }
0x16d: {  	v14 =	vld [tilespmem:s31+$0x571]  }
0x16e: {  	v2 =	vand.u32 $0x7FFFFFFF, v60  }
0x16f: {  	v15 =	vld [tilespmem:s31+$0x570];
	vm15 =	vge.f32 v2, $2.748893500e+00;
	vm3 =	vlt.f32 v2, $1.963495370e+00  }
0x170: {  	vm2 =	vlt.f32 v2, $3.926990930e-01;
	v0 =	vmax.f32 v0, v59;
	v3 =	vmax.f32 v61, v12  }
0x171: {  	v16 =	vmax.f32 v63, v62;
	v0 =	vsel vm3, v0, v3;
	vm3 =	vlt.f32 v2, $1.178097250e+00  }
0x172: {  	v17 =	vmax.f32 v13, v14;
	vm2 =	vmor vm2, vm15;
	v0 =	vsel vm3, v16, v0  }
0x173: {  	v20 =	vld [tilespmem:s31+$0x4980];
	v0 =	vsel vm2, v17, v0  }
0x174: {  	v24 =	vld [tilespmem:s31+$0x781];
	vm3 =	vle.f32 v2, $3.141592740e+00;
	vm2 =	vge.f32 v15, v0  }
0x175: {  	v19 =	vld [tilespmem:s31+$0x780];
	vm2 =	vmand vm3, vm2  }
0x176: {  	v22 =	vld [tilespmem:s31+$0x77F];
	v18 =	vnsel vm2, $0x0, v15  }
0x177: {  	v25 =	vld [tilespmem:s31+$0x57F];
	[tilespmem:s31+$0x8970] =	vst v18  }
0x178: {  	v0 =	vld [tilespmem:s18+$0x180]  }
0x179: {  	v21 =	vld [tilespmem:s18+$0x17F]  }
0x17a: {  	v23 =	vld [tilespmem:s18+$0x181]  }
0x17b: {  	v26 =	vld [tilespmem:s31+$0x581]  }
0x17c: {  	v2 =	vand.u32 $0x7FFFFFFF, v20  }
0x17d: {  	v27 =	vld [tilespmem:s31+$0x580];
	vm8 =	vge.f32 v2, $2.748893500e+00;
	vm3 =	vlt.f32 v2, $1.963495370e+00  }
0x17e: {  	vm2 =	vlt.f32 v2, $3.926990930e-01;
	v0 =	vmax.f32 v0, v19;
	v3 =	vmax.f32 v21, v24  }
0x17f: {  	v28 =	vmax.f32 v23, v22;
	v0 =	vsel vm3, v0, v3;
	vm3 =	vlt.f32 v2, $1.178097250e+00  }
0x180: {  	v29 =	vmax.f32 v25, v26;
	vm2 =	vmor vm2, vm8;
	v0 =	vsel vm3, v28, v0  }
0x181: {  	v32 =	vld [tilespmem:s31+$0x4990];
	v0 =	vsel vm2, v29, v0  }
0x182: {  	v36 =	vld [tilespmem:s31+$0x791];
	vm3 =	vle.f32 v2, $3.141592740e+00;
	vm2 =	vge.f32 v27, v0  }
0x183: {  	v31 =	vld [tilespmem:s31+$0x790];
	vm2 =	vmand vm3, vm2  }
0x184: {  	v34 =	vld [tilespmem:s31+$0x78F];
	v30 =	vnsel vm2, $0x0, v27  }
0x185: {  	v37 =	vld [tilespmem:s31+$0x58F];
	[tilespmem:s31+$0x8980] =	vst v30  }
0x186: {  	v0 =	vld [tilespmem:s18+$0x190]  }
0x187: {  	v33 =	vld [tilespmem:s18+$0x18F]  }
0x188: {  	v35 =	vld [tilespmem:s18+$0x191]  }
0x189: {  	v38 =	vld [tilespmem:s31+$0x591]  }
0x18a: {  	v2 =	vand.u32 $0x7FFFFFFF, v32  }
0x18b: {  	v39 =	vld [tilespmem:s31+$0x590];
	vm9 =	vge.f32 v2, $2.748893500e+00;
	vm3 =	vlt.f32 v2, $1.963495370e+00  }
0x18c: {  	vm2 =	vlt.f32 v2, $3.926990930e-01;
	v0 =	vmax.f32 v0, v31;
	v3 =	vmax.f32 v33, v36  }
0x18d: {  	v40 =	vmax.f32 v35, v34;
	v0 =	vsel vm3, v0, v3;
	vm3 =	vlt.f32 v2, $1.178097250e+00  }
0x18e: {  	v41 =	vmax.f32 v37, v38;
	vm2 =	vmor vm2, vm9;
	v0 =	vsel vm3, v40, v0  }
0x18f: {  	v44 =	vld [tilespmem:s31+$0x49A0];
	v0 =	vsel vm2, v41, v0  }
0x190: {  	v48 =	vld [tilespmem:s31+$0x7A1];
	vm3 =	vle.f32 v2, $3.141592740e+00;
	vm2 =	vge.f32 v39, v0  }
0x191: {  	v43 =	vld [tilespmem:s31+$0x7A0];
	vm2 =	vmand vm3, vm2  }
0x192: {  	v46 =	vld [tilespmem:s31+$0x79F];
	v42 =	vnsel vm2, $0x0, v39  }
0x193: {  	v49 =	vld [tilespmem:s31+$0x59F];
	[tilespmem:s31+$0x8990] =	vst v42  }
0x194: {  	v0 =	vld [tilespmem:s18+$0x1A0]  }
0x195: {  	v45 =	vld [tilespmem:s18+$0x19F]  }
0x196: {  	v47 =	vld [tilespmem:s18+$0x1A1]  }
0x197: {  	v50 =	vld [tilespmem:s31+$0x5A1]  }
0x198: {  	v2 =	vand.u32 $0x7FFFFFFF, v44  }
0x199: {  	v51 =	vld [tilespmem:s31+$0x5A0];
	vm10 =	vge.f32 v2, $2.748893500e+00;
	vm3 =	vlt.f32 v2, $1.963495370e+00  }
0x19a: {  	vm2 =	vlt.f32 v2, $3.926990930e-01;
	v0 =	vmax.f32 v0, v43;
	v3 =	vmax.f32 v45, v48  }
0x19b: {  	v52 =	vmax.f32 v47, v46;
	v0 =	vsel vm3, v0, v3;
	vm3 =	vlt.f32 v2, $1.178097250e+00  }
0x19c: {  	v53 =	vmax.f32 v49, v50;
	vm2 =	vmor vm2, vm10;
	v0 =	vsel vm3, v52, v0  }
0x19d: {  	v56 =	vld [tilespmem:s31+$0x49B0];
	v0 =	vsel vm2, v53, v0  }
0x19e: {  	v60 =	vld [tilespmem:s31+$0x7B1];
	vm3 =	vle.f32 v2, $3.141592740e+00;
	vm2 =	vge.f32 v51, v0  }
0x19f: {  	v55 =	vld [tilespmem:s31+$0x7B0];
	vm2 =	vmand vm3, vm2  }
0x1a0: {  	v58 =	vld [tilespmem:s31+$0x7AF];
	v54 =	vnsel vm2, $0x0, v51  }
0x1a1: {  	v61 =	vld [tilespmem:s31+$0x5AF];
	[tilespmem:s31+$0x89A0] =	vst v54  }
0x1a2: {  	v0 =	vld [tilespmem:s18+$0x1B0]  }
0x1a3: {  	v57 =	vld [tilespmem:s18+$0x1AF]  }
0x1a4: {  	v59 =	vld [tilespmem:s18+$0x1B1]  }
0x1a5: {  	v62 =	vld [tilespmem:s31+$0x5B1]  }
0x1a6: {  	v2 =	vand.u32 $0x7FFFFFFF, v56  }
0x1a7: {  	v63 =	vld [tilespmem:s31+$0x5B0];
	vm11 =	vge.f32 v2, $2.748893500e+00;
	vm3 =	vlt.f32 v2, $1.963495370e+00  }
0x1a8: {  	vm2 =	vlt.f32 v2, $3.926990930e-01;
	v0 =	vmax.f32 v0, v55;
	v3 =	vmax.f32 v57, v60  }
0x1a9: {  	v12 =	vmax.f32 v59, v58;
	v0 =	vsel vm3, v0, v3;
	vm3 =	vlt.f32 v2, $1.178097250e+00  }
0x1aa: {  	v13 =	vmax.f32 v61, v62;
	vm2 =	vmor vm2, vm11;
	v0 =	vsel vm3, v12, v0  }
0x1ab: {  	v16 =	vld [tilespmem:s31+$0x49C0];
	v0 =	vsel vm2, v13, v0  }
0x1ac: {  	v20 =	vld [tilespmem:s31+$0x7C1];
	vm3 =	vle.f32 v2, $3.141592740e+00;
	vm2 =	vge.f32 v63, v0  }
0x1ad: {  	v15 =	vld [tilespmem:s31+$0x7C0];
	vm2 =	vmand vm3, vm2  }
0x1ae: {  	v18 =	vld [tilespmem:s31+$0x7BF];
	v14 =	vnsel vm2, $0x0, v63  }
0x1af: {  	v21 =	vld [tilespmem:s31+$0x5BF];
	[tilespmem:s31+$0x89B0] =	vst v14  }
0x1b0: {  	v0 =	vld [tilespmem:s18+$0x1C0]  }
0x1b1: {  	v17 =	vld [tilespmem:s18+$0x1BF]  }
0x1b2: {  	v19 =	vld [tilespmem:s18+$0x1C1]  }
0x1b3: {  	v22 =	vld [tilespmem:s31+$0x5C1]  }
0x1b4: {  	v2 =	vand.u32 $0x7FFFFFFF, v16  }
0x1b5: {  	v23 =	vld [tilespmem:s31+$0x5C0];
	vm12 =	vge.f32 v2, $2.748893500e+00;
	vm3 =	vlt.f32 v2, $1.963495370e+00  }
0x1b6: {  	vm2 =	vlt.f32 v2, $3.926990930e-01;
	v0 =	vmax.f32 v0, v15;
	v3 =	vmax.f32 v17, v20  }
0x1b7: {  	v24 =	vmax.f32 v19, v18;
	v0 =	vsel vm3, v0, v3;
	vm3 =	vlt.f32 v2, $1.178097250e+00  }
0x1b8: {  	v25 =	vmax.f32 v21, v22;
	vm2 =	vmor vm2, vm12;
	v0 =	vsel vm3, v24, v0  }
0x1b9: {  	v28 =	vld [tilespmem:s31+$0x49D0];
	v0 =	vsel vm2, v25, v0  }
0x1ba: {  	v32 =	vld [tilespmem:s31+$0x7D1];
	vm3 =	vle.f32 v2, $3.141592740e+00;
	vm2 =	vge.f32 v23, v0  }
0x1bb: {  	v27 =	vld [tilespmem:s31+$0x7D0];
	vm2 =	vmand vm3, vm2  }
0x1bc: {  	v30 =	vld [tilespmem:s31+$0x7CF];
	v26 =	vnsel vm2, $0x0, v23  }
0x1bd: {  	v33 =	vld [tilespmem:s31+$0x5CF];
	[tilespmem:s31+$0x89C0] =	vst v26  }
0x1be: {  	v0 =	vld [tilespmem:s18+$0x1D0]  }
0x1bf: {  	v29 =	vld [tilespmem:s18+$0x1CF]  }
0x1c0: {  	v31 =	vld [tilespmem:s18+$0x1D1]  }
0x1c1: {  	v34 =	vld [tilespmem:s31+$0x5D1]  }
0x1c2: {  	v2 =	vand.u32 $0x7FFFFFFF, v28  }
0x1c3: {  	v35 =	vld [tilespmem:s31+$0x5D0];
	vm13 =	vge.f32 v2, $2.748893500e+00;
	vm3 =	vlt.f32 v2, $1.963495370e+00  }
0x1c4: {  	vm2 =	vlt.f32 v2, $3.926990930e-01;
	v0 =	vmax.f32 v0, v27;
	v3 =	vmax.f32 v29, v32  }
0x1c5: {  	v36 =	vmax.f32 v31, v30;
	v0 =	vsel vm3, v0, v3;
	vm3 =	vlt.f32 v2, $1.178097250e+00  }
0x1c6: {  	v37 =	vmax.f32 v33, v34;
	vm2 =	vmor vm2, vm13;
	v0 =	vsel vm3, v36, v0  }
0x1c7: {  	v40 =	vld [tilespmem:s31+$0x49E0];
	v0 =	vsel vm2, v37, v0  }
0x1c8: {  	v44 =	vld [tilespmem:s31+$0x7E1];
	vm3 =	vle.f32 v2, $3.141592740e+00;
	vm2 =	vge.f32 v35, v0  }
0x1c9: {  	v39 =	vld [tilespmem:s31+$0x7E0];
	vm2 =	vmand vm3, vm2  }
0x1ca: {  	v42 =	vld [tilespmem:s31+$0x7DF];
	v38 =	vnsel vm2, $0x0, v35  }
0x1cb: {  	v45 =	vld [tilespmem:s31+$0x5DF];
	[tilespmem:s31+$0x89D0] =	vst v38  }
0x1cc: {  	v0 =	vld [tilespmem:s18+$0x1E0]  }
0x1cd: {  	v41 =	vld [tilespmem:s18+$0x1DF]  }
0x1ce: {  	v43 =	vld [tilespmem:s18+$0x1E1]  }
0x1cf: {  	v46 =	vld [tilespmem:s31+$0x5E1]  }
0x1d0: {  	v2 =	vand.u32 $0x7FFFFFFF, v40  }
0x1d1: {  	v47 =	vld [tilespmem:s31+$0x5E0];
	vm14 =	vge.f32 v2, $2.748893500e+00;
	vm3 =	vlt.f32 v2, $1.963495370e+00  }
0x1d2: {  	vm2 =	vlt.f32 v2, $3.926990930e-01;
	v0 =	vmax.f32 v0, v39;
	v3 =	vmax.f32 v41, v44  }
0x1d3: {  	v48 =	vmax.f32 v43, v42;
	v0 =	vsel vm3, v0, v3;
	vm3 =	vlt.f32 v2, $1.178097250e+00  }
0x1d4: {  	v49 =	vmax.f32 v45, v46;
	vm2 =	vmor vm2, vm14;
	v0 =	vsel vm3, v48, v0  }
0x1d5: {  	v53 =	vld [tilespmem:s31+$0x7F0];
	v0 =	vsel vm2, v49, v0  }
0x1d6: {  	v51 =	vld [tilespmem:s31+$0x5F0];
	vm3 =	vle.f32 v2, $3.141592740e+00;
	vm2 =	vge.f32 v47, v0  }
0x1d7: {  	v54 =	vld [tilespmem:s31+$0x49F0];
	vm2 =	vmand vm3, vm2  }
0x1d8: {  	v57 =	vld [tilespmem:s31+$0x5F1];
	v50 =	vnsel vm2, $0x0, v47  }
0x1d9: {  	v58 =	vld [tilespmem:s31+$0x7F1];
	[tilespmem:s31+$0x89E0] =	vst v50  }
0x1da: {  	v52 =	vld [tilespmem:s18+$0x1F0]  }
0x1db: {  	v56 =	vld [tilespmem:s18+$0x1F1]  }
0x1dc: {  	v59 =	vld [tilespmem:s18+$0x1EF]  }
0x1dd: {  	v55 =	vld [tilespmem:s31+$0x7EF]  }
0x1de: {  	v60 =	vld [tilespmem:s31+$0x5EF]  }
0x1df: {  	v6 =	vsel vm1, v57, v51;
	v7 =	vsel vm1, v58, v53;
	v3 =	vand.u32 $0x7FFFFFFF, v54  }
0x1e0: {  	vm15 =	vge.f32 v3, $2.748893500e+00;
	vm3 =	vlt.f32 v3, $1.963495370e+00;
	vm2 =	vlt.f32 v3, $3.926990930e-01  }
0x1e1: {  	v5 =	vsel vm1, v56, v52;
	v1 =	vmax.f32 v52, v53;
	v62 =	vmax.f32 v59, v7  }
0x1e2: {  	v61 =	vmax.f32 v5, v55;
	v1 =	vsel vm3, v1, v62;
	vm3 =	vlt.f32 v3, $1.178097250e+00  }
0x1e3: {  	p0 =	sne.s32 s16, $0x20;
	v63 =	vmax.f32 v60, v6;
	vm2 =	vmor vm2, vm15;
	v1 =	vsel vm3, v61, v1  }
.Ltmp0:
0x1e4: {  	v1 =	vsel vm2, v63, v1;
	(pc) =	sbr.rel @p0 .LBB2_2-.Ltmp0, $4  }
0x1e5: {  	vm3 =	vle.f32 v3, $3.141592740e+00;
	vm2 =	vge.f32 v51, v1  }
0x1e6: {  	vm2 =	vmand vm3, vm2  }
0x1e7: {  	v0 =	vnsel vm2, $0x0, v51  }
0x1e8: {  	s17 =	smov.u32 s16;
	[tilespmem:s31+$0x89F0] =	vst v0  }
0x1e9: {  	s15 =	sadd.s32 $0x1, s15  }
0x1ea: {  	p0 =	sne.s32 s15, s9  }
.Ltmp1:
0x1eb: {  	_ = 	snop;
	(pc) =	sbr.rel @p0 .LBB2_1-.Ltmp1, $4  }
0x1ec: {  	[hbm4b:s8+s2] =	stream.linear.scatter [tilespmem:s14], [sflag:$0x1], $0x4000, $0x38;
	[tilespmem:$0xC800] =	vst v63  }
0x1ed: {  	_ =	swait.ge [sflag:s3], $0x4000  }
0x1ee: {  	[sflag:s3] =	ssyncset.done $0x0  }
0x1ef: {  	[sflag:s3] =	ssyncadd.s32 $0xFFFFC000  }
0x1f0: {  	_ =	sfence.sel $0x180000  }
0x1f1: {  	[bflag:$0x0] =	sbarrier.arrive $0xFFFF  }
0x1f2: {  	p0 =	sne.s32 s1, $0x0;
	_ =	strace $0x90000047  }
0x1f3: {  	s0 =	sadd.s32 @!p0 $0x100000, s0;
	[bflag:$0x2] =	sbarrier.arrive $0xFFFF  }
0x1f4: {  	[sflag:s0] =	ssyncadd.tile.s32 @!p0 $0x1;
	_ =	shalt  }
.Lfunc_end2:
_tile_overlayer_lowered:
.L_overlay_start_2:
0x1f5: {  	(tag) =	ssettag $0x2  }
0x1f6: {  	s0 =	rddreg [dreg:$0x0];
	s2 =	stileid.u32  }
0x1f7: {  	s1 =	rddreg [dreg:$0x1];
	p0 =	sne.s32 s2, $0x0  }
0x1f8: {  	s3 =	rddreg [dreg:$0x2];
	[bflag:$0x3] =	sbarrier.arrive $0xFFFF;
	s2 =	simm.s32 @!p0 $0x1C01  }
0x1f9: {  	[timem:s3], [sflag:s2] =	dma.local @!p0 [hbm:s0], s1  }
0x1fa: {  	s0 =	simm.s32 @!p0 $0x1  }
0x1fb: {  	_ =	swait.ge @!p0 [sflag:s0], s1  }
0x1fc: {  	s1 =	ssub.s32 @!p0 $0x0, s1;
	[sflag:s0] =	ssyncset.done @!p0 $0x0  }
0x1fd: {  	[sflag:s0] =	ssyncadd.s32 @!p0 s1  }
0x1fe: {  	[bflag:$0x3] =	sbarrier.arrive $0xFFFF  }
0x1ff: {  	_ =	shalt  }

</sc_bundles>
